<compile_context>
chip_gen: v7x
topology: tpu7x:2x2x1
jax: 0.10.2.dev20260603
libtpu: 0.0.44.dev20260713+nightly
codegen_flags: <defaults>
</compile_context>

<pallas_src>
import functools

import jax
import jax.numpy as jnp
from jax import lax
from jax.experimental import pallas as pl
from jax.experimental.pallas import tpu as pltpu
from jax.experimental.pallas import tpu_sc as plsc

N = 10000
E = 320000
D = 128

NC = 2
NS = 16
NW = NC * NS
CHUNK = 128
EPW = 10240
E_PAD = NW * EPW
N_ACC = 10240
ZROWS = N_ACC // NS
ROW_BLK = 1000
NCH = EPW // CHUNK
NG = NCH // 4


def _segment_sum_sc(y, src_p, dst_p):
    mesh = plsc.VectorSubcoreMesh(
        core_axis_name="c", subcore_axis_name="s", num_cores=NC, num_subcores=NS
    )

    @functools.partial(
        pl.kernel,
        out_type=jax.ShapeDtypeStruct((NC, N_ACC, D), jnp.float32),
        mesh=mesh,
        scratch_types=[
            pltpu.VMEM_SHARED((N_ACC, D), jnp.float32),
        ],
    )
    def seg_kernel(y_hbm, src_hbm, dst_hbm, out_hbm, acc):
      def scoped(rows0, rows1, si0, si1, si2, si3, di0, di1, di2, di3,
                 i0, i1, i2, i3, ga, gb):
        rows = (rows0, rows1)
        src_i = (si0, si1, si2, si3)
        dst_i = (di0, di1, di2, di3)
        isem = (i0, i1, i2, i3)
        gsem = (ga, gb)
        c = lax.axis_index("c")
        s = lax.axis_index("s")
        wid = c * NS + s
        cb = wid * NCH

        zero = jnp.zeros((16,), jnp.float32)

        def zero_row(r, carry):
            for k in range(D // 16):
                rows0[r, pl.ds(k * 16, 16)] = zero
            return carry

        lax.fori_loop(0, CHUNK, zero_row, 0)
        zbase = s * ZROWS
        for j in range(ZROWS // CHUNK):
            pltpu.sync_copy(rows0, acc.at[pl.ds(zbase + j * CHUNK, CHUNK)])
        plsc.subcore_barrier()

        def eoff(k):
            return pl.multiple_of((cb + k) * CHUNK, 8)

        def idx_start(k, q):
            pltpu.async_copy(src_hbm.at[pl.ds(eoff(k), CHUNK)], src_i[q], isem[q])
            pltpu.async_copy(dst_hbm.at[pl.ds(eoff(k), CHUNK)], dst_i[q], isem[q])

        def idx_wait(k, q):
            pltpu.make_async_copy(src_hbm.at[pl.ds(eoff(k), CHUNK)], src_i[q], isem[q]).wait()
            pltpu.make_async_copy(dst_hbm.at[pl.ds(eoff(k), CHUNK)], dst_i[q], isem[q]).wait()

        def gather_start(q, b):
            pltpu.async_copy(y_hbm.at[src_i[q]], rows[b], gsem[b])

        def gather_wait(q, b):
            pltpu.make_async_copy(y_hbm.at[src_i[q]], rows[b], gsem[b]).wait()

        def step(k, b, *, last_group):
            if not (last_group and b >= 2):
                idx_start(k + 2, (b + 2) % 4)
            if not (last_group and b == 3):
                idx_wait(k + 1, (b + 1) % 4)
                gather_start((b + 1) % 4, (b + 1) % 2)
            gather_wait(b, b % 2)
            pltpu.sync_copy(rows[b % 2], acc.at[dst_i[b]], add=True)

        idx_start(0, 0)
        idx_start(1, 1)
        idx_wait(0, 0)
        gather_start(0, 0)
        for b in range(4):
            step(b, b, last_group=False)

        def body(j, carry):
            k0 = j * 4
            for b in range(4):
                step(k0 + b, b, last_group=False)
            return carry

        lax.fori_loop(1, NG - 1, body, 0)

        for b in range(4):
            step((NG - 1) * 4 + b, b, last_group=True)
        plsc.subcore_barrier()

        pltpu.sync_copy(acc.at[pl.ds(zbase, ZROWS)], out_hbm.at[c, pl.ds(zbase, ZROWS)])

      pl.run_scoped(
          scoped,
          pltpu.VMEM((CHUNK, D), jnp.float32),
          pltpu.VMEM((CHUNK, D), jnp.float32),
          *[pltpu.VMEM((CHUNK,), jnp.int32) for _ in range(8)],
          *[pltpu.SemaphoreType.DMA for _ in range(6)],
      )

    return seg_kernel(y, src_p, dst_p)


def _layer_kernel(p_ref, w_ref, b_ref, o_ref):
    hsum = p_ref[0] + p_ref[1]
    o_ref[:] = jnp.maximum(
        jnp.dot(hsum, w_ref[:], preferred_element_type=jnp.float32) + b_ref[:],
        0.0,
    )


def _layer_tc(p, w, b):
    k = w.shape[1]
    return pl.pallas_call(
        _layer_kernel,
        grid=(N // ROW_BLK,),
        in_specs=[
            pl.BlockSpec((NC, ROW_BLK, D), lambda i: (0, i, 0)),
            pl.BlockSpec((D, k), lambda i: (0, 0)),
            pl.BlockSpec((1, k), lambda i: (0, 0)),
        ],
        out_specs=pl.BlockSpec((ROW_BLK, k), lambda i: (i, 0)),
        out_shape=jax.ShapeDtypeStruct((N, k), jnp.float32),
    )(p, w, b)


def _layer_head_kernel(p_ref, w_ref, b_ref, wab_ref, bab_ref, oa_ref, ob_ref):
    hsum = p_ref[0] + p_ref[1]
    g = jnp.maximum(
        jnp.dot(hsum, w_ref[:], preferred_element_type=jnp.float32) + b_ref[:],
        0.0,
    )
    o = jnp.dot(g, wab_ref[:], preferred_element_type=jnp.float32) + bab_ref[:]
    oa_ref[:] = o[:, :2]
    ob_ref[:] = o[:, 2:18]


def _layer_head_tc(p, w, b, wab, bab):
    k = wab.shape[1]
    return pl.pallas_call(
        _layer_head_kernel,
        grid=(N // ROW_BLK,),
        in_specs=[
            pl.BlockSpec((NC, ROW_BLK, D), lambda i: (0, i, 0)),
            pl.BlockSpec((D, D), lambda i: (0, 0)),
            pl.BlockSpec((1, D), lambda i: (0, 0)),
            pl.BlockSpec((D, k), lambda i: (0, 0)),
            pl.BlockSpec((1, k), lambda i: (0, 0)),
        ],
        out_specs=[
            pl.BlockSpec((ROW_BLK, 2), lambda i: (i, 0)),
            pl.BlockSpec((ROW_BLK, 16), lambda i: (i, 0)),
        ],
        out_shape=[
            jax.ShapeDtypeStruct((N, 2), jnp.float32),
            jax.ShapeDtypeStruct((N, 16), jnp.float32),
        ],
    )(p, w, b, wab, bab)


def kernel(x, edge_index, W1, b1, W2, b2, Wa, ba, Wb, bb):
    src = edge_index[0].astype(jnp.int32)
    dst = edge_index[1].astype(jnp.int32)
    pad = E_PAD - E
    src_p = jnp.concatenate([src, jnp.zeros((pad,), jnp.int32)])
    dst_p = jnp.concatenate(
        [dst, N + (jnp.arange(pad, dtype=jnp.int32) % (N_ACC - N))]
    )

    KAB = 24
    Wab = jnp.zeros((D, KAB), jnp.float32)
    Wab = Wab.at[:, :2].set(Wa).at[:, 2:18].set(Wb)
    bab = jnp.zeros((1, KAB), jnp.float32).at[0, :2].set(ba).at[0, 2:18].set(bb)

    p1 = _segment_sum_sc(x, src_p, dst_p)
    h = _layer_tc(p1, W1, b1.reshape(1, D))
    p2 = _segment_sum_sc(h, src_p, dst_p)
    xa, xb = _layer_head_tc(p2, W2, b2.reshape(1, D), Wab, bab)
    return (xa, xb)

# --- scband reference (transcript-rebuilt; emitter-appended) ---
"""Pipeline reference for scband-net-32023276159004 (READ-ONLY COPY).

The authoritative reference and input builder live on the scoring server;
editing this copy changes nothing except your own understanding.
"""

import jax, jax.numpy as jnp
import numpy as np

N_NODES = 10000
N_EDGES = 320000
D_IN = 128
D_H = 128
D_A = 2
D_B = 16


def setup_inputs(seed: int = 0) -> dict:
    key = jax.random.key(seed)
    ks = jax.random.split(key, 12)
    x = jax.random.normal(ks[0], (N_NODES, D_IN), dtype=jnp.float32)
    edge_index = jax.random.randint(ks[1], (2, N_EDGES), 0, N_NODES, dtype=jnp.int64 if jax.config.jax_enable_x64 else jnp.int32)
    s1 = 1.0 / np.sqrt(D_IN)
    s2 = 1.0 / np.sqrt(D_H)
    W1 = jax.random.uniform(ks[2], (D_IN, D_H), jnp.float32, -s1, s1)
    b1 = jax.random.uniform(ks[3], (D_H,), jnp.float32, -s1, s1)
    W2 = jax.random.uniform(ks[4], (D_H, D_H), jnp.float32, -s2, s2)
    b2 = jax.random.uniform(ks[5], (D_H,), jnp.float32, -s2, s2)
    Wa = jax.random.uniform(ks[6], (D_H, D_A), jnp.float32, -s2, s2)
    ba = jax.random.uniform(ks[7], (D_A,), jnp.float32, -s2, s2)
    Wb = jax.random.uniform(ks[8], (D_H, D_B), jnp.float32, -s2, s2)
    bb = jax.random.uniform(ks[9], (D_B,), jnp.float32, -s2, s2)
    return {"x": x, "edge_index": edge_index, "W1": W1, "b1": b1, "W2": W2, "b2": b2, "Wa": Wa, "ba": ba, "Wb": Wb, "bb": bb}


def reference(x, edge_index, W1, b1, W2, b2, Wa, ba, Wb, bb):
    # DGL GCN layer: update_all(copy_src, sum) then apply_nodes(Linear + relu)
    src = edge_index[0]
    dst = edge_index[1]
    n = x.shape[0]
    # layer 1: aggregate raw features by sum over in-edges, then linear+relu
    h = jax.ops.segment_sum(x[src], dst, num_segments=n)
    h = jax.nn.relu(h @ W1 + b1)
    # layer 2
    h = jax.ops.segment_sum(h[src], dst, num_segments=n)
    h = jax.nn.relu(h @ W2 + b2)
    xa = h @ Wa + ba
    xb = h @ Wb + bb
    return (xa, xb)

if __name__ == "__main__":
    import jax
    _d = setup_inputs()
    print(jax.jit(kernel)(*tuple(_d.values())))

</pallas_src>

<mosaic_0001>
#map = affine_map<(d0, d1) -> (0, 0)>
#map1 = affine_map<(d0, d1) -> (0)>
#map2 = affine_map<(d0, d1) -> (0, 0, 0)>
module attributes {stable_mosaic.version = 14 : i64} {
  func.func @seg_kernel(%arg0: i32, %arg1: i32, %arg2: memref<10000x128xf32, #tpu.memory_space<hbm>>, %arg3: memref<327680xi32, #tpu.memory_space<hbm>>, %arg4: memref<327680xi32, #tpu.memory_space<hbm>>, %arg5: memref<2x10240x128xf32, #tpu.memory_space<hbm>>, %arg6: memref<10240x128xf32, #tpu.memory_space<vmem_shared>>) attributes {dimension_semantics = [#tpu.dimension_semantics<core_parallel>, #tpu.dimension_semantics<subcore_parallel>], iteration_bounds = array<i64: 2, 16>, scalar_prefetch = 0 : i64, scratch_operands = 1 : i64, tpu.core_type = #tpu.core_type<sc_vector_subcore>, window_params = [{transform_indices = #map}, {transform_indices = #map1}, {transform_indices = #map1}, {transform_indices = #map2}]} {
    "tpu.region"() ({
      %run_scoped3A = memref.alloca() : memref<128x128xf32, #tpu.memory_space<vmem>>
      %run_scoped3A_0 = memref.alloca() : memref<128x128xf32, #tpu.memory_space<vmem>>
      %run_scoped3A_1 = memref.alloca() : memref<128xi32, #tpu.memory_space<vmem>>
      %run_scoped3A_2 = memref.alloca() : memref<128xi32, #tpu.memory_space<vmem>>
      %run_scoped3A_3 = memref.alloca() : memref<128xi32, #tpu.memory_space<vmem>>
      %run_scoped3A_4 = memref.alloca() : memref<128xi32, #tpu.memory_space<vmem>>
      %run_scoped3A_5 = memref.alloca() : memref<128xi32, #tpu.memory_space<vmem>>
      %run_scoped3A_6 = memref.alloca() : memref<128xi32, #tpu.memory_space<vmem>>
      %run_scoped3A_7 = memref.alloca() : memref<128xi32, #tpu.memory_space<vmem>>
      %run_scoped3A_8 = memref.alloca() : memref<128xi32, #tpu.memory_space<vmem>>
      %run_scoped3A_9 = tpu.sem_alloc : memref<!tpu.dma_semaphore, #tpu.memory_space<semaphore_mem>>
      %run_scoped3A_10 = tpu.sem_alloc : memref<!tpu.dma_semaphore, #tpu.memory_space<semaphore_mem>>
      %run_scoped3A_11 = tpu.sem_alloc : memref<!tpu.dma_semaphore, #tpu.memory_space<semaphore_mem>>
      %run_scoped3A_12 = tpu.sem_alloc : memref<!tpu.dma_semaphore, #tpu.memory_space<semaphore_mem>>
      %run_scoped3A_13 = tpu.sem_alloc : memref<!tpu.dma_semaphore, #tpu.memory_space<semaphore_mem>>
      %run_scoped3A_14 = tpu.sem_alloc : memref<!tpu.dma_semaphore, #tpu.memory_space<semaphore_mem>>
      %mul3A = arith.constant 16 : i32
      %mul3A_15 = arith.muli %arg0, %mul3A : i32
      %add3A = arith.addi %mul3A_15, %arg1 : i32
      %mul3A_16 = arith.constant 80 : i32
      %mul3A_17 = arith.muli %add3A, %mul3A_16 : i32
      %broadcast_in_dim3A = arith.constant 0.000000e+00 : f32
      %broadcast_in_dim3A_18 = vector.broadcast %broadcast_in_dim3A : f32 to vector<16xf32>
      %scan3A = arith.constant 0 : i32
      %scan3A_19 = arith.constant 0 : i32
      %scan3A_20 = arith.constant 128 : i32
      %scan3A_21 = arith.addi %scan3A_19, %scan3A_20 : i32
      %scan3A_22 = arith.constant 1 : i32
      scf.for %scan3A_312 = %scan3A_19 to %scan3A_21 step %scan3A_22  : i32 {
        %swap3A = arith.index_cast %scan3A_312 : i32 to index
        %swap3A_313 = arith.constant 0 : index
        %swap3A_314 = tpu.vector_load %run_scoped3A[%swap3A, %swap3A_313] {strides = array<i32>} : memref<128x128xf32, #tpu.memory_space<vmem>>, vector<1x16xf32>,
        %swap3A_315 = vector.shape_cast %swap3A_314 : vector<1x16xf32> to vector<16xf32>
        %swap3A_316 = vector.shape_cast %broadcast_in_dim3A_18 : vector<16xf32> to vector<1x16xf32>
        tpu.vector_store %run_scoped3A[%swap3A, %swap3A_313], %swap3A_316 {strides = array<i32>} : memref<128x128xf32, #tpu.memory_space<vmem>>, vector<1x16xf32>,
        %swap3A_317 = arith.index_cast %scan3A_312 : i32 to index
        %swap3A_318 = arith.constant 16 : index
        %swap3A_319 = tpu.vector_load %run_scoped3A[%swap3A_317, %swap3A_318] {strides = array<i32>} : memref<128x128xf32, #tpu.memory_space<vmem>>, vector<1x16xf32>,
        %swap3A_320 = vector.shape_cast %swap3A_319 : vector<1x16xf32> to vector<16xf32>
        %swap3A_321 = vector.shape_cast %broadcast_in_dim3A_18 : vector<16xf32> to vector<1x16xf32>
        tpu.vector_store %run_scoped3A[%swap3A_317, %swap3A_318], %swap3A_321 {strides = array<i32>} : memref<128x128xf32, #tpu.memory_space<vmem>>, vector<1x16xf32>,
        %swap3A_322 = arith.index_cast %scan3A_312 : i32 to index
        %swap3A_323 = arith.constant 32 : index
        %swap3A_324 = tpu.vector_load %run_scoped3A[%swap3A_322, %swap3A_323] {strides = array<i32>} : memref<128x128xf32, #tpu.memory_space<vmem>>, vector<1x16xf32>,
        %swap3A_325 = vector.shape_cast %swap3A_324 : vector<1x16xf32> to vector<16xf32>
        %swap3A_326 = vector.shape_cast %broadcast_in_dim3A_18 : vector<16xf32> to vector<1x16xf32>
        tpu.vector_store %run_scoped3A[%swap3A_322, %swap3A_323], %swap3A_326 {strides = array<i32>} : memref<128x128xf32, #tpu.memory_space<vmem>>, vector<1x16xf32>,
        %swap3A_327 = arith.index_cast %scan3A_312 : i32 to index
        %swap3A_328 = arith.constant 48 : index
        %swap3A_329 = tpu.vector_load %run_scoped3A[%swap3A_327, %swap3A_328] {strides = array<i32>} : memref<128x128xf32, #tpu.memory_space<vmem>>, vector<1x16xf32>,
        %swap3A_330 = vector.shape_cast %swap3A_329 : vector<1x16xf32> to vector<16xf32>
        %swap3A_331 = vector.shape_cast %broadcast_in_dim3A_18 : vector<16xf32> to vector<1x16xf32>
        tpu.vector_store %run_scoped3A[%swap3A_327, %swap3A_328], %swap3A_331 {strides = array<i32>} : memref<128x128xf32, #tpu.memory_space<vmem>>, vector<1x16xf32>,
        %swap3A_332 = arith.index_cast %scan3A_312 : i32 to index
        %swap3A_333 = arith.constant 64 : index
        %swap3A_334 = tpu.vector_load %run_scoped3A[%swap3A_332, %swap3A_333] {strides = array<i32>} : memref<128x128xf32, #tpu.memory_space<vmem>>, vector<1x16xf32>,
        %swap3A_335 = vector.shape_cast %swap3A_334 : vector<1x16xf32> to vector<16xf32>
        %swap3A_336 = vector.shape_cast %broadcast_in_dim3A_18 : vector<16xf32> to vector<1x16xf32>
        tpu.vector_store %run_scoped3A[%swap3A_332, %swap3A_333], %swap3A_336 {strides = array<i32>} : memref<128x128xf32, #tpu.memory_space<vmem>>, vector<1x16xf32>,
        %swap3A_337 = arith.index_cast %scan3A_312 : i32 to index
        %swap3A_338 = arith.constant 80 : index
        %swap3A_339 = tpu.vector_load %run_scoped3A[%swap3A_337, %swap3A_338] {strides = array<i32>} : memref<128x128xf32, #tpu.memory_space<vmem>>, vector<1x16xf32>,
        %swap3A_340 = vector.shape_cast %swap3A_339 : vector<1x16xf32> to vector<16xf32>
        %swap3A_341 = vector.shape_cast %broadcast_in_dim3A_18 : vector<16xf32> to vector<1x16xf32>
        tpu.vector_store %run_scoped3A[%swap3A_337, %swap3A_338], %swap3A_341 {strides = array<i32>} : memref<128x128xf32, #tpu.memory_space<vmem>>, vector<1x16xf32>,
        %swap3A_342 = arith.index_cast %scan3A_312 : i32 to index
        %swap3A_343 = arith.constant 96 : index
        %swap3A_344 = tpu.vector_load %run_scoped3A[%swap3A_342, %swap3A_343] {strides = array<i32>} : memref<128x128xf32, #tpu.memory_space<vmem>>, vector<1x16xf32>,
        %swap3A_345 = vector.shape_cast %swap3A_344 : vector<1x16xf32> to vector<16xf32>
        %swap3A_346 = vector.shape_cast %broadcast_in_dim3A_18 : vector<16xf32> to vector<1x16xf32>
        tpu.vector_store %run_scoped3A[%swap3A_342, %swap3A_343], %swap3A_346 {strides = array<i32>} : memref<128x128xf32, #tpu.memory_space<vmem>>, vector<1x16xf32>,
        %swap3A_347 = arith.index_cast %scan3A_312 : i32 to index
        %swap3A_348 = arith.constant 112 : index
        %swap3A_349 = tpu.vector_load %run_scoped3A[%swap3A_347, %swap3A_348] {strides = array<i32>} : memref<128x128xf32, #tpu.memory_space<vmem>>, vector<1x16xf32>,
        %swap3A_350 = vector.shape_cast %swap3A_349 : vector<1x16xf32> to vector<16xf32>
        %swap3A_351 = vector.shape_cast %broadcast_in_dim3A_18 : vector<16xf32> to vector<1x16xf32>
        tpu.vector_store %run_scoped3A[%swap3A_347, %swap3A_348], %swap3A_351 {strides = array<i32>} : memref<128x128xf32, #tpu.memory_space<vmem>>, vector<1x16xf32>,
      }
      %scan3A_23 = arith.constant 128 : i32
      %mul3A_24 = arith.constant 640 : i32
      %mul3A_25 = arith.muli %arg1, %mul3A_24 : i32
      %add3A_26 = arith.constant 0 : i32
      %add3A_27 = arith.addi %mul3A_25, %add3A_26 : i32
      "tpu.region"() ({
        %run_scoped3A_312 = tpu.sem_alloc : memref<!tpu.dma_semaphore, #tpu.memory_space<semaphore_mem>>
        %dma_start3A_313 = arith.constant 0 : i32
        %dma_start3A_314 = tpu.memref_slice %arg6[%add3A_27, %dma_start3A_313] : memref<10240x128xf32, #tpu.memory_space<vmem_shared>> -> memref<128x128xf32, #tpu.memory_space<vmem_shared>>
        %dma_start3A_315 = arith.constant 0 : i32
        %dma_start3A_316 = tpu.memref_slice %arg6[%add3A_27, %dma_start3A_315] : memref<10240x128xf32, #tpu.memory_space<vmem_shared>> -> memref<128x128xf32, #tpu.memory_space<vmem_shared>>
        tpu.enqueue_dma source(%run_scoped3A : memref<128x128xf32, #tpu.memory_space<vmem>>) target(%dma_start3A_316 : memref<128x128xf32, #tpu.memory_space<vmem_shared>>) target_semaphore(%run_scoped3A_312 : memref<!tpu.dma_semaphore, #tpu.memory_space<semaphore_mem>>)
        %dma_wait3A_317 = arith.constant 0 : i32
        %dma_wait3A_318 = tpu.memref_slice %arg6[%add3A_27, %dma_wait3A_317] : memref<10240x128xf32, #tpu.memory_space<vmem_shared>> -> memref<128x128xf32, #tpu.memory_space<vmem_shared>>
        %dma_wait3A_319 = arith.constant 0 : i32
        %dma_wait3A_320 = tpu.memref_slice %arg6[%add3A_27, %dma_wait3A_319] : memref<10240x128xf32, #tpu.memory_space<vmem_shared>> -> memref<128x128xf32, #tpu.memory_space<vmem_shared>>
        tpu.wait_dma2 semaphore(%run_scoped3A_312 : memref<!tpu.dma_semaphore, #tpu.memory_space<semaphore_mem>>) src(%run_scoped3A : memref<128x128xf32, #tpu.memory_space<vmem>>) dst(%dma_wait3A_320 : memref<128x128xf32, #tpu.memory_space<vmem_shared>>)
        tpu.yield
      }) : () -> ()
      %add3A_28 = arith.constant 128 : i32
      %add3A_29 = arith.addi %mul3A_25, %add3A_28 : i32
      "tpu.region"() ({
        %run_scoped3A_312 = tpu.sem_alloc : memref<!tpu.dma_semaphore, #tpu.memory_space<semaphore_mem>>
        %dma_start3A_313 = arith.constant 0 : i32
        %dma_start3A_314 = tpu.memref_slice %arg6[%add3A_29, %dma_start3A_313] : memref<10240x128xf32, #tpu.memory_space<vmem_shared>> -> memref<128x128xf32, #tpu.memory_space<vmem_shared>>
        %dma_start3A_315 = arith.constant 0 : i32
        %dma_start3A_316 = tpu.memref_slice %arg6[%add3A_29, %dma_start3A_315] : memref<10240x128xf32, #tpu.memory_space<vmem_shared>> -> memref<128x128xf32, #tpu.memory_space<vmem_shared>>
        tpu.enqueue_dma source(%run_scoped3A : memref<128x128xf32, #tpu.memory_space<vmem>>) target(%dma_start3A_316 : memref<128x128xf32, #tpu.memory_space<vmem_shared>>) target_semaphore(%run_scoped3A_312 : memref<!tpu.dma_semaphore, #tpu.memory_space<semaphore_mem>>)
        %dma_wait3A_317 = arith.constant 0 : i32
        %dma_wait3A_318 = tpu.memref_slice %arg6[%add3A_29, %dma_wait3A_317] : memref<10240x128xf32, #tpu.memory_space<vmem_shared>> -> memref<128x128xf32, #tpu.memory_space<vmem_shared>>
        %dma_wait3A_319 = arith.constant 0 : i32
        %dma_wait3A_320 = tpu.memref_slice %arg6[%add3A_29, %dma_wait3A_319] : memref<10240x128xf32, #tpu.memory_space<vmem_shared>> -> memref<128x128xf32, #tpu.memory_space<vmem_shared>>
        tpu.wait_dma2 semaphore(%run_scoped3A_312 : memref<!tpu.dma_semaphore, #tpu.memory_space<semaphore_mem>>) src(%run_scoped3A : memref<128x128xf32, #tpu.memory_space<vmem>>) dst(%dma_wait3A_320 : memref<128x128xf32, #tpu.memory_space<vmem_shared>>)
        tpu.yield
      }) : () -> ()
      %add3A_30 = arith.constant 256 : i32
      %add3A_31 = arith.addi %mul3A_25, %add3A_30 : i32
      "tpu.region"() ({
        %run_scoped3A_312 = tpu.sem_alloc : memref<!tpu.dma_semaphore, #tpu.memory_space<semaphore_mem>>
        %dma_start3A_313 = arith.constant 0 : i32
        %dma_start3A_314 = tpu.memref_slice %arg6[%add3A_31, %dma_start3A_313] : memref<10240x128xf32, #tpu.memory_space<vmem_shared>> -> memref<128x128xf32, #tpu.memory_space<vmem_shared>>
        %dma_start3A_315 = arith.constant 0 : i32
        %dma_start3A_316 = tpu.memref_slice %arg6[%add3A_31, %dma_start3A_315] : memref<10240x128xf32, #tpu.memory_space<vmem_shared>> -> memref<128x128xf32, #tpu.memory_space<vmem_shared>>
        tpu.enqueue_dma source(%run_scoped3A : memref<128x128xf32, #tpu.memory_space<vmem>>) target(%dma_start3A_316 : memref<128x128xf32, #tpu.memory_space<vmem_shared>>) target_semaphore(%run_scoped3A_312 : memref<!tpu.dma_semaphore, #tpu.memory_space<semaphore_mem>>)
        %dma_wait3A_317 = arith.constant 0 : i32
        %dma_wait3A_318 = tpu.memref_slice %arg6[%add3A_31, %dma_wait3A_317] : memref<10240x128xf32, #tpu.memory_space<vmem_shared>> -> memref<128x128xf32, #tpu.memory_space<vmem_shared>>
        %dma_wait3A_319 = arith.constant 0 : i32
        %dma_wait3A_320 = tpu.memref_slice %arg6[%add3A_31, %dma_wait3A_319] : memref<10240x128xf32, #tpu.memory_space<vmem_shared>> -> memref<128x128xf32, #tpu.memory_space<vmem_shared>>
        tpu.wait_dma2 semaphore(%run_scoped3A_312 : memref<!tpu.dma_semaphore, #tpu.memory_space<semaphore_mem>>) src(%run_scoped3A : memref<128x128xf32, #tpu.memory_space<vmem>>) dst(%dma_wait3A_320 : memref<128x128xf32, #tpu.memory_space<vmem_shared>>)
        tpu.yield
      }) : () -> ()
      %add3A_32 = arith.constant 384 : i32
      %add3A_33 = arith.addi %mul3A_25, %add3A_32 : i32
      "tpu.region"() ({
        %run_scoped3A_312 = tpu.sem_alloc : memref<!tpu.dma_semaphore, #tpu.memory_space<semaphore_mem>>
        %dma_start3A_313 = arith.constant 0 : i32
        %dma_start3A_314 = tpu.memref_slice %arg6[%add3A_33, %dma_start3A_313] : memref<10240x128xf32, #tpu.memory_space<vmem_shared>> -> memref<128x128xf32, #tpu.memory_space<vmem_shared>>
        %dma_start3A_315 = arith.constant 0 : i32
        %dma_start3A_316 = tpu.memref_slice %arg6[%add3A_33, %dma_start3A_315] : memref<10240x128xf32, #tpu.memory_space<vmem_shared>> -> memref<128x128xf32, #tpu.memory_space<vmem_shared>>
        tpu.enqueue_dma source(%run_scoped3A : memref<128x128xf32, #tpu.memory_space<vmem>>) target(%dma_start3A_316 : memref<128x128xf32, #tpu.memory_space<vmem_shared>>) target_semaphore(%run_scoped3A_312 : memref<!tpu.dma_semaphore, #tpu.memory_space<semaphore_mem>>)
        %dma_wait3A_317 = arith.constant 0 : i32
        %dma_wait3A_318 = tpu.memref_slice %arg6[%add3A_33, %dma_wait3A_317] : memref<10240x128xf32, #tpu.memory_space<vmem_shared>> -> memref<128x128xf32, #tpu.memory_space<vmem_shared>>
        %dma_wait3A_319 = arith.constant 0 : i32
        %dma_wait3A_320 = tpu.memref_slice %arg6[%add3A_33, %dma_wait3A_319] : memref<10240x128xf32, #tpu.memory_space<vmem_shared>> -> memref<128x128xf32, #tpu.memory_space<vmem_shared>>
        tpu.wait_dma2 semaphore(%run_scoped3A_312 : memref<!tpu.dma_semaphore, #tpu.memory_space<semaphore_mem>>) src(%run_scoped3A : memref<128x128xf32, #tpu.memory_space<vmem>>) dst(%dma_wait3A_320 : memref<128x128xf32, #tpu.memory_space<vmem_shared>>)
        tpu.yield
      }) : () -> ()
      %add3A_34 = arith.constant 512 : i32
      %add3A_35 = arith.addi %mul3A_25, %add3A_34 : i32
      "tpu.region"() ({
        %run_scoped3A_312 = tpu.sem_alloc : memref<!tpu.dma_semaphore, #tpu.memory_space<semaphore_mem>>
        %dma_start3A_313 = arith.constant 0 : i32
        %dma_start3A_314 = tpu.memref_slice %arg6[%add3A_35, %dma_start3A_313] : memref<10240x128xf32, #tpu.memory_space<vmem_shared>> -> memref<128x128xf32, #tpu.memory_space<vmem_shared>>
        %dma_start3A_315 = arith.constant 0 : i32
        %dma_start3A_316 = tpu.memref_slice %arg6[%add3A_35, %dma_start3A_315] : memref<10240x128xf32, #tpu.memory_space<vmem_shared>> -> memref<128x128xf32, #tpu.memory_space<vmem_shared>>
        tpu.enqueue_dma source(%run_scoped3A : memref<128x128xf32, #tpu.memory_space<vmem>>) target(%dma_start3A_316 : memref<128x128xf32, #tpu.memory_space<vmem_shared>>) target_semaphore(%run_scoped3A_312 : memref<!tpu.dma_semaphore, #tpu.memory_space<semaphore_mem>>)
        %dma_wait3A_317 = arith.constant 0 : i32
        %dma_wait3A_318 = tpu.memref_slice %arg6[%add3A_35, %dma_wait3A_317] : memref<10240x128xf32, #tpu.memory_space<vmem_shared>> -> memref<128x128xf32, #tpu.memory_space<vmem_shared>>
        %dma_wait3A_319 = arith.constant 0 : i32
        %dma_wait3A_320 = tpu.memref_slice %arg6[%add3A_35, %dma_wait3A_319] : memref<10240x128xf32, #tpu.memory_space<vmem_shared>> -> memref<128x128xf32, #tpu.memory_space<vmem_shared>>
        tpu.wait_dma2 semaphore(%run_scoped3A_312 : memref<!tpu.dma_semaphore, #tpu.memory_space<semaphore_mem>>) src(%run_scoped3A : memref<128x128xf32, #tpu.memory_space<vmem>>) dst(%dma_wait3A_320 : memref<128x128xf32, #tpu.memory_space<vmem_shared>>)
        tpu.yield
      }) : () -> ()
      %barrier3A = arith.constant 0 : index
      tpu.barrier barrier_id(%barrier3A)
      %add3A_36 = arith.constant 0 : i32
      %add3A_37 = arith.addi %mul3A_17, %add3A_36 : i32
      %mul3A_38 = arith.constant 128 : i32
      %mul3A_39 = arith.muli %add3A_37, %mul3A_38 : i32
      %multiple_of3A = tpu.assume_multiple %mul3A_39, 8 : i32
      %dma_start3A = tpu.memref_slice %arg3[%multiple_of3A] : memref<327680xi32, #tpu.memory_space<hbm>> -> memref<128xi32, #tpu.memory_space<hbm>>
      %dma_start3A_40 = tpu.memref_slice %arg3[%multiple_of3A] : memref<327680xi32, #tpu.memory_space<hbm>> -> memref<128xi32, #tpu.memory_space<hbm>>
      tpu.enqueue_dma source(%dma_start3A_40 : memref<128xi32, #tpu.memory_space<hbm>>) target(%run_scoped3A_1 : memref<128xi32, #tpu.memory_space<vmem>>) target_semaphore(%run_scoped3A_9 : memref<!tpu.dma_semaphore, #tpu.memory_space<semaphore_mem>>)
      %add3A_41 = arith.constant 0 : i32
      %add3A_42 = arith.addi %mul3A_17, %add3A_41 : i32
      %mul3A_43 = arith.constant 128 : i32
      %mul3A_44 = arith.muli %add3A_42, %mul3A_43 : i32
      %multiple_of3A_45 = tpu.assume_multiple %mul3A_44, 8 : i32
      %dma_start3A_46 = tpu.memref_slice %arg4[%multiple_of3A_45] : memref<327680xi32, #tpu.memory_space<hbm>> -> memref<128xi32, #tpu.memory_space<hbm>>
      %dma_start3A_47 = tpu.memref_slice %arg4[%multiple_of3A_45] : memref<327680xi32, #tpu.memory_space<hbm>> -> memref<128xi32, #tpu.memory_space<hbm>>
      tpu.enqueue_dma source(%dma_start3A_47 : memref<128xi32, #tpu.memory_space<hbm>>) target(%run_scoped3A_5 : memref<128xi32, #tpu.memory_space<vmem>>) target_semaphore(%run_scoped3A_9 : memref<!tpu.dma_semaphore, #tpu.memory_space<semaphore_mem>>)
      %add3A_48 = arith.constant 1 : i32
      %add3A_49 = arith.addi %mul3A_17, %add3A_48 : i32
      %mul3A_50 = arith.constant 128 : i32
      %mul3A_51 = arith.muli %add3A_49, %mul3A_50 : i32
      %multiple_of3A_52 = tpu.assume_multiple %mul3A_51, 8 : i32
      %dma_start3A_53 = tpu.memref_slice %arg3[%multiple_of3A_52] : memref<327680xi32, #tpu.memory_space<hbm>> -> memref<128xi32, #tpu.memory_space<hbm>>
      %dma_start3A_54 = tpu.memref_slice %arg3[%multiple_of3A_52] : memref<327680xi32, #tpu.memory_space<hbm>> -> memref<128xi32, #tpu.memory_space<hbm>>
      tpu.enqueue_dma source(%dma_start3A_54 : memref<128xi32, #tpu.memory_space<hbm>>) target(%run_scoped3A_2 : memref<128xi32, #tpu.memory_space<vmem>>) target_semaphore(%run_scoped3A_10 : memref<!tpu.dma_semaphore, #tpu.memory_space<semaphore_mem>>)
      %add3A_55 = arith.constant 1 : i32
      %add3A_56 = arith.addi %mul3A_17, %add3A_55 : i32
      %mul3A_57 = arith.constant 128 : i32
      %mul3A_58 = arith.muli %add3A_56, %mul3A_57 : i32
      %multiple_of3A_59 = tpu.assume_multiple %mul3A_58, 8 : i32
      %dma_start3A_60 = tpu.memref_slice %arg4[%multiple_of3A_59] : memref<327680xi32, #tpu.memory_space<hbm>> -> memref<128xi32, #tpu.memory_space<hbm>>
      %dma_start3A_61 = tpu.memref_slice %arg4[%multiple_of3A_59] : memref<327680xi32, #tpu.memory_space<hbm>> -> memref<128xi32, #tpu.memory_space<hbm>>
      tpu.enqueue_dma source(%dma_start3A_61 : memref<128xi32, #tpu.memory_space<hbm>>) target(%run_scoped3A_6 : memref<128xi32, #tpu.memory_space<vmem>>) target_semaphore(%run_scoped3A_10 : memref<!tpu.dma_semaphore, #tpu.memory_space<semaphore_mem>>)
      %add3A_62 = arith.constant 0 : i32
      %add3A_63 = arith.addi %mul3A_17, %add3A_62 : i32
      %mul3A_64 = arith.constant 128 : i32
      %mul3A_65 = arith.muli %add3A_63, %mul3A_64 : i32
      %multiple_of3A_66 = tpu.assume_multiple %mul3A_65, 8 : i32
      %dma_wait3A = tpu.memref_slice %arg3[%multiple_of3A_66] : memref<327680xi32, #tpu.memory_space<hbm>> -> memref<128xi32, #tpu.memory_space<hbm>>
      %dma_wait3A_67 = tpu.memref_slice %arg3[%multiple_of3A_66] : memref<327680xi32, #tpu.memory_space<hbm>> -> memref<128xi32, #tpu.memory_space<hbm>>
      tpu.wait_dma2 semaphore(%run_scoped3A_9 : memref<!tpu.dma_semaphore, #tpu.memory_space<semaphore_mem>>) src(%dma_wait3A_67 : memref<128xi32, #tpu.memory_space<hbm>>) dst(%run_scoped3A_1 : memref<128xi32, #tpu.memory_space<vmem>>)
      %add3A_68 = arith.constant 0 : i32
      %add3A_69 = arith.addi %mul3A_17, %add3A_68 : i32
      %mul3A_70 = arith.constant 128 : i32
      %mul3A_71 = arith.muli %add3A_69, %mul3A_70 : i32
      %multiple_of3A_72 = tpu.assume_multiple %mul3A_71, 8 : i32
      %dma_wait3A_73 = tpu.memref_slice %arg4[%multiple_of3A_72] : memref<327680xi32, #tpu.memory_space<hbm>> -> memref<128xi32, #tpu.memory_space<hbm>>
      %dma_wait3A_74 = tpu.memref_slice %arg4[%multiple_of3A_72] : memref<327680xi32, #tpu.memory_space<hbm>> -> memref<128xi32, #tpu.memory_space<hbm>>
      tpu.wait_dma2 semaphore(%run_scoped3A_9 : memref<!tpu.dma_semaphore, #tpu.memory_space<semaphore_mem>>) src(%dma_wait3A_74 : memref<128xi32, #tpu.memory_space<hbm>>) dst(%run_scoped3A_5 : memref<128xi32, #tpu.memory_space<vmem>>)
      %dma_start3A_75 = arith.constant 0 : i32
      %dma_start3A_76 = arith.constant 0 : i32
      %dma_start3A_77 = tpu.memref_slice %arg2[%dma_start3A_75, %dma_start3A_76] : memref<10000x128xf32, #tpu.memory_space<hbm>> -> memref<10000x128xf32, #tpu.memory_space<hbm>>
      tpu.enqueue_indirect_dma source(%dma_start3A_77 : memref<10000x128xf32, #tpu.memory_space<hbm>>) target(%run_scoped3A : memref<128x128xf32, #tpu.memory_space<vmem>>) offsets(%run_scoped3A_1 : memref<128xi32, #tpu.memory_space<vmem>>) semaphore(%run_scoped3A_13 : memref<!tpu.dma_semaphore, #tpu.memory_space<semaphore_mem>>)
      %add3A_78 = arith.constant 2 : i32
      %add3A_79 = arith.addi %mul3A_17, %add3A_78 : i32
      %mul3A_80 = arith.constant 128 : i32
      %mul3A_81 = arith.muli %add3A_79, %mul3A_80 : i32
      %multiple_of3A_82 = tpu.assume_multiple %mul3A_81, 8 : i32
      %dma_start3A_83 = tpu.memref_slice %arg3[%multiple_of3A_82] : memref<327680xi32, #tpu.memory_space<hbm>> -> memref<128xi32, #tpu.memory_space<hbm>>
      %dma_start3A_84 = tpu.memref_slice %arg3[%multiple_of3A_82] : memref<327680xi32, #tpu.memory_space<hbm>> -> memref<128xi32, #tpu.memory_space<hbm>>
      tpu.enqueue_dma source(%dma_start3A_84 : memref<128xi32, #tpu.memory_space<hbm>>) target(%run_scoped3A_3 : memref<128xi32, #tpu.memory_space<vmem>>) target_semaphore(%run_scoped3A_11 : memref<!tpu.dma_semaphore, #tpu.memory_space<semaphore_mem>>)
      %add3A_85 = arith.constant 2 : i32
      %add3A_86 = arith.addi %mul3A_17, %add3A_85 : i32
      %mul3A_87 = arith.constant 128 : i32
      %mul3A_88 = arith.muli %add3A_86, %mul3A_87 : i32
      %multiple_of3A_89 = tpu.assume_multiple %mul3A_88, 8 : i32
      %dma_start3A_90 = tpu.memref_slice %arg4[%multiple_of3A_89] : memref<327680xi32, #tpu.memory_space<hbm>> -> memref<128xi32, #tpu.memory_space<hbm>>
      %dma_start3A_91 = tpu.memref_slice %arg4[%multiple_of3A_89] : memref<327680xi32, #tpu.memory_space<hbm>> -> memref<128xi32, #tpu.memory_space<hbm>>
      tpu.enqueue_dma source(%dma_start3A_91 : memref<128xi32, #tpu.memory_space<hbm>>) target(%run_scoped3A_7 : memref<128xi32, #tpu.memory_space<vmem>>) target_semaphore(%run_scoped3A_11 : memref<!tpu.dma_semaphore, #tpu.memory_space<semaphore_mem>>)
      %add3A_92 = arith.constant 1 : i32
      %add3A_93 = arith.addi %mul3A_17, %add3A_92 : i32
      %mul3A_94 = arith.constant 128 : i32
      %mul3A_95 = arith.muli %add3A_93, %mul3A_94 : i32
      %multiple_of3A_96 = tpu.assume_multiple %mul3A_95, 8 : i32
      %dma_wait3A_97 = tpu.memref_slice %arg3[%multiple_of3A_96] : memref<327680xi32, #tpu.memory_space<hbm>> -> memref<128xi32, #tpu.memory_space<hbm>>
      %dma_wait3A_98 = tpu.memref_slice %arg3[%multiple_of3A_96] : memref<327680xi32, #tpu.memory_space<hbm>> -> memref<128xi32, #tpu.memory_space<hbm>>
      tpu.wait_dma2 semaphore(%run_scoped3A_10 : memref<!tpu.dma_semaphore, #tpu.memory_space<semaphore_mem>>) src(%dma_wait3A_98 : memref<128xi32, #tpu.memory_space<hbm>>) dst(%run_scoped3A_2 : memref<128xi32, #tpu.memory_space<vmem>>)
      %add3A_99 = arith.constant 1 : i32
      %add3A_100 = arith.addi %mul3A_17, %add3A_99 : i32
      %mul3A_101 = arith.constant 128 : i32
      %mul3A_102 = arith.muli %add3A_100, %mul3A_101 : i32
      %multiple_of3A_103 = tpu.assume_multiple %mul3A_102, 8 : i32
      %dma_wait3A_104 = tpu.memref_slice %arg4[%multiple_of3A_103] : memref<327680xi32, #tpu.memory_space<hbm>> -> memref<128xi32, #tpu.memory_space<hbm>>
      %dma_wait3A_105 = tpu.memref_slice %arg4[%multiple_of3A_103] : memref<327680xi32, #tpu.memory_space<hbm>> -> memref<128xi32, #tpu.memory_space<hbm>>
      tpu.wait_dma2 semaphore(%run_scoped3A_10 : memref<!tpu.dma_semaphore, #tpu.memory_space<semaphore_mem>>) src(%dma_wait3A_105 : memref<128xi32, #tpu.memory_space<hbm>>) dst(%run_scoped3A_6 : memref<128xi32, #tpu.memory_space<vmem>>)
      %dma_start3A_106 = arith.constant 0 : i32
      %dma_start3A_107 = arith.constant 0 : i32
      %dma_start3A_108 = tpu.memref_slice %arg2[%dma_start3A_106, %dma_start3A_107] : memref<10000x128xf32, #tpu.memory_space<hbm>> -> memref<10000x128xf32, #tpu.memory_space<hbm>>
      tpu.enqueue_indirect_dma source(%dma_start3A_108 : memref<10000x128xf32, #tpu.memory_space<hbm>>) target(%run_scoped3A_0 : memref<128x128xf32, #tpu.memory_space<vmem>>) offsets(%run_scoped3A_2 : memref<128xi32, #tpu.memory_space<vmem>>) semaphore(%run_scoped3A_14 : memref<!tpu.dma_semaphore, #tpu.memory_space<semaphore_mem>>)
      %dma_wait3A_109 = arith.constant 0 : i32
      %dma_wait3A_110 = arith.constant 0 : i32
      %dma_wait3A_111 = tpu.memref_slice %arg2[%dma_wait3A_109, %dma_wait3A_110] : memref<10000x128xf32, #tpu.memory_space<hbm>> -> memref<10000x128xf32, #tpu.memory_space<hbm>>
      tpu.wait_indirect_dma semaphore(%run_scoped3A_13 : memref<!tpu.dma_semaphore, #tpu.memory_space<semaphore_mem>>) src(%dma_wait3A_111 : memref<10000x128xf32, #tpu.memory_space<hbm>>) dst(%run_scoped3A : memref<128x128xf32, #tpu.memory_space<vmem>>)
      "tpu.region"() ({
        %run_scoped3A_312 = tpu.sem_alloc : memref<!tpu.dma_semaphore, #tpu.memory_space<semaphore_mem>>
        %dma_start3A_313 = arith.constant 0 : i32
        %dma_start3A_314 = arith.constant 0 : i32
        %dma_start3A_315 = tpu.memref_slice %arg6[%dma_start3A_313, %dma_start3A_314] : memref<10240x128xf32, #tpu.memory_space<vmem_shared>> -> memref<10240x128xf32, #tpu.memory_space<vmem_shared>>
        tpu.enqueue_indirect_dma source(%run_scoped3A : memref<128x128xf32, #tpu.memory_space<vmem>>) target(%dma_start3A_315 : memref<10240x128xf32, #tpu.memory_space<vmem_shared>>) offsets(%run_scoped3A_5 : memref<128xi32, #tpu.memory_space<vmem>>) semaphore(%run_scoped3A_312 : memref<!tpu.dma_semaphore, #tpu.memory_space<semaphore_mem>>) {add = true}
        %dma_wait3A_316 = arith.constant 0 : i32
        %dma_wait3A_317 = arith.constant 0 : i32
        %dma_wait3A_318 = tpu.memref_slice %arg6[%dma_wait3A_316, %dma_wait3A_317] : memref<10240x128xf32, #tpu.memory_space<vmem_shared>> -> memref<10240x128xf32, #tpu.memory_space<vmem_shared>>
        tpu.wait_indirect_dma semaphore(%run_scoped3A_312 : memref<!tpu.dma_semaphore, #tpu.memory_space<semaphore_mem>>) src(%run_scoped3A : memref<128x128xf32, #tpu.memory_space<vmem>>) dst(%dma_wait3A_318 : memref<10240x128xf32, #tpu.memory_space<vmem_shared>>)
        tpu.yield
      }) : () -> ()
      %add3A_112 = arith.constant 3 : i32
      %add3A_113 = arith.addi %mul3A_17, %add3A_112 : i32
      %mul3A_114 = arith.constant 128 : i32
      %mul3A_115 = arith.muli %add3A_113, %mul3A_114 : i32
      %multiple_of3A_116 = tpu.assume_multiple %mul3A_115, 8 : i32
      %dma_start3A_117 = tpu.memref_slice %arg3[%multiple_of3A_116] : memref<327680xi32, #tpu.memory_space<hbm>> -> memref<128xi32, #tpu.memory_space<hbm>>
      %dma_start3A_118 = tpu.memref_slice %arg3[%multiple_of3A_116] : memref<327680xi32, #tpu.memory_space<hbm>> -> memref<128xi32, #tpu.memory_space<hbm>>
      tpu.enqueue_dma source(%dma_start3A_118 : memref<128xi32, #tpu.memory_space<hbm>>) target(%run_scoped3A_4 : memref<128xi32, #tpu.memory_space<vmem>>) target_semaphore(%run_scoped3A_12 : memref<!tpu.dma_semaphore, #tpu.memory_space<semaphore_mem>>)
      %add3A_119 = arith.constant 3 : i32
      %add3A_120 = arith.addi %mul3A_17, %add3A_119 : i32
      %mul3A_121 = arith.constant 128 : i32
      %mul3A_122 = arith.muli %add3A_120, %mul3A_121 : i32
      %multiple_of3A_123 = tpu.assume_multiple %mul3A_122, 8 : i32
      %dma_start3A_124 = tpu.memref_slice %arg4[%multiple_of3A_123] : memref<327680xi32, #tpu.memory_space<hbm>> -> memref<128xi32, #tpu.memory_space<hbm>>
      %dma_start3A_125 = tpu.memref_slice %arg4[%multiple_of3A_123] : memref<327680xi32, #tpu.memory_space<hbm>> -> memref<128xi32, #tpu.memory_space<hbm>>
      tpu.enqueue_dma source(%dma_start3A_125 : memref<128xi32, #tpu.memory_space<hbm>>) target(%run_scoped3A_8 : memref<128xi32, #tpu.memory_space<vmem>>) target_semaphore(%run_scoped3A_12 : memref<!tpu.dma_semaphore, #tpu.memory_space<semaphore_mem>>)
      %add3A_126 = arith.constant 2 : i32
      %add3A_127 = arith.addi %mul3A_17, %add3A_126 : i32
      %mul3A_128 = arith.constant 128 : i32
      %mul3A_129 = arith.muli %add3A_127, %mul3A_128 : i32
      %multiple_of3A_130 = tpu.assume_multiple %mul3A_129, 8 : i32
      %dma_wait3A_131 = tpu.memref_slice %arg3[%multiple_of3A_130] : memref<327680xi32, #tpu.memory_space<hbm>> -> memref<128xi32, #tpu.memory_space<hbm>>
      %dma_wait3A_132 = tpu.memref_slice %arg3[%multiple_of3A_130] : memref<327680xi32, #tpu.memory_space<hbm>> -> memref<128xi32, #tpu.memory_space<hbm>>
      tpu.wait_dma2 semaphore(%run_scoped3A_11 : memref<!tpu.dma_semaphore, #tpu.memory_space<semaphore_mem>>) src(%dma_wait3A_132 : memref<128xi32, #tpu.memory_space<hbm>>) dst(%run_scoped3A_3 : memref<128xi32, #tpu.memory_space<vmem>>)
      %add3A_133 = arith.constant 2 : i32
      %add3A_134 = arith.addi %mul3A_17, %add3A_133 : i32
      %mul3A_135 = arith.constant 128 : i32
      %mul3A_136 = arith.muli %add3A_134, %mul3A_135 : i32
      %multiple_of3A_137 = tpu.assume_multiple %mul3A_136, 8 : i32
      %dma_wait3A_138 = tpu.memref_slice %arg4[%multiple_of3A_137] : memref<327680xi32, #tpu.memory_space<hbm>> -> memref<128xi32, #tpu.memory_space<hbm>>
      %dma_wait3A_139 = tpu.memref_slice %arg4[%multiple_of3A_137] : memref<327680xi32, #tpu.memory_space<hbm>> -> memref<128xi32, #tpu.memory_space<hbm>>
      tpu.wait_dma2 semaphore(%run_scoped3A_11 : memref<!tpu.dma_semaphore, #tpu.memory_space<semaphore_mem>>) src(%dma_wait3A_139 : memref<128xi32, #tpu.memory_space<hbm>>) dst(%run_scoped3A_7 : memref<128xi32, #tpu.memory_space<vmem>>)
      %dma_start3A_140 = arith.constant 0 : i32
      %dma_start3A_141 = arith.constant 0 : i32
      %dma_start3A_142 = tpu.memref_slice %arg2[%dma_start3A_140, %dma_start3A_141] : memref<10000x128xf32, #tpu.memory_space<hbm>> -> memref<10000x128xf32, #tpu.memory_space<hbm>>
      tpu.enqueue_indirect_dma source(%dma_start3A_142 : memref<10000x128xf32, #tpu.memory_space<hbm>>) target(%run_scoped3A : memref<128x128xf32, #tpu.memory_space<vmem>>) offsets(%run_scoped3A_3 : memref<128xi32, #tpu.memory_space<vmem>>) semaphore(%run_scoped3A_13 : memref<!tpu.dma_semaphore, #tpu.memory_space<semaphore_mem>>)
      %dma_wait3A_143 = arith.constant 0 : i32
      %dma_wait3A_144 = arith.constant 0 : i32
      %dma_wait3A_145 = tpu.memref_slice %arg2[%dma_wait3A_143, %dma_wait3A_144] : memref<10000x128xf32, #tpu.memory_space<hbm>> -> memref<10000x128xf32, #tpu.memory_space<hbm>>
      tpu.wait_indirect_dma semaphore(%run_scoped3A_14 : memref<!tpu.dma_semaphore, #tpu.memory_space<semaphore_mem>>) src(%dma_wait3A_145 : memref<10000x128xf32, #tpu.memory_space<hbm>>) dst(%run_scoped3A_0 : memref<128x128xf32, #tpu.memory_space<vmem>>)
      "tpu.region"() ({
        %run_scoped3A_312 = tpu.sem_alloc : memref<!tpu.dma_semaphore, #tpu.memory_space<semaphore_mem>>
        %dma_start3A_313 = arith.constant 0 : i32
        %dma_start3A_314 = arith.constant 0 : i32
        %dma_start3A_315 = tpu.memref_slice %arg6[%dma_start3A_313, %dma_start3A_314] : memref<10240x128xf32, #tpu.memory_space<vmem_shared>> -> memref<10240x128xf32, #tpu.memory_space<vmem_shared>>
        tpu.enqueue_indirect_dma source(%run_scoped3A_0 : memref<128x128xf32, #tpu.memory_space<vmem>>) target(%dma_start3A_315 : memref<10240x128xf32, #tpu.memory_space<vmem_shared>>) offsets(%run_scoped3A_6 : memref<128xi32, #tpu.memory_space<vmem>>) semaphore(%run_scoped3A_312 : memref<!tpu.dma_semaphore, #tpu.memory_space<semaphore_mem>>) {add = true}
        %dma_wait3A_316 = arith.constant 0 : i32
        %dma_wait3A_317 = arith.constant 0 : i32
        %dma_wait3A_318 = tpu.memref_slice %arg6[%dma_wait3A_316, %dma_wait3A_317] : memref<10240x128xf32, #tpu.memory_space<vmem_shared>> -> memref<10240x128xf32, #tpu.memory_space<vmem_shared>>
        tpu.wait_indirect_dma semaphore(%run_scoped3A_312 : memref<!tpu.dma_semaphore, #tpu.memory_space<semaphore_mem>>) src(%run_scoped3A_0 : memref<128x128xf32, #tpu.memory_space<vmem>>) dst(%dma_wait3A_318 : memref<10240x128xf32, #tpu.memory_space<vmem_shared>>)
        tpu.yield
      }) : () -> ()
      %add3A_146 = arith.constant 4 : i32
      %add3A_147 = arith.addi %mul3A_17, %add3A_146 : i32
      %mul3A_148 = arith.constant 128 : i32
      %mul3A_149 = arith.muli %add3A_147, %mul3A_148 : i32
      %multiple_of3A_150 = tpu.assume_multiple %mul3A_149, 8 : i32
      %dma_start3A_151 = tpu.memref_slice %arg3[%multiple_of3A_150] : memref<327680xi32, #tpu.memory_space<hbm>> -> memref<128xi32, #tpu.memory_space<hbm>>
      %dma_start3A_152 = tpu.memref_slice %arg3[%multiple_of3A_150] : memref<327680xi32, #tpu.memory_space<hbm>> -> memref<128xi32, #tpu.memory_space<hbm>>
      tpu.enqueue_dma source(%dma_start3A_152 : memref<128xi32, #tpu.memory_space<hbm>>) target(%run_scoped3A_1 : memref<128xi32, #tpu.memory_space<vmem>>) target_semaphore(%run_scoped3A_9 : memref<!tpu.dma_semaphore, #tpu.memory_space<semaphore_mem>>)
      %add3A_153 = arith.constant 4 : i32
      %add3A_154 = arith.addi %mul3A_17, %add3A_153 : i32
      %mul3A_155 = arith.constant 128 : i32
      %mul3A_156 = arith.muli %add3A_154, %mul3A_155 : i32
      %multiple_of3A_157 = tpu.assume_multiple %mul3A_156, 8 : i32
      %dma_start3A_158 = tpu.memref_slice %arg4[%multiple_of3A_157] : memref<327680xi32, #tpu.memory_space<hbm>> -> memref<128xi32, #tpu.memory_space<hbm>>
      %dma_start3A_159 = tpu.memref_slice %arg4[%multiple_of3A_157] : memref<327680xi32, #tpu.memory_space<hbm>> -> memref<128xi32, #tpu.memory_space<hbm>>
      tpu.enqueue_dma source(%dma_start3A_159 : memref<128xi32, #tpu.memory_space<hbm>>) target(%run_scoped3A_5 : memref<128xi32, #tpu.memory_space<vmem>>) target_semaphore(%run_scoped3A_9 : memref<!tpu.dma_semaphore, #tpu.memory_space<semaphore_mem>>)
      %add3A_160 = arith.constant 3 : i32
      %add3A_161 = arith.addi %mul3A_17, %add3A_160 : i32
      %mul3A_162 = arith.constant 128 : i32
      %mul3A_163 = arith.muli %add3A_161, %mul3A_162 : i32
      %multiple_of3A_164 = tpu.assume_multiple %mul3A_163, 8 : i32
      %dma_wait3A_165 = tpu.memref_slice %arg3[%multiple_of3A_164] : memref<327680xi32, #tpu.memory_space<hbm>> -> memref<128xi32, #tpu.memory_space<hbm>>
      %dma_wait3A_166 = tpu.memref_slice %arg3[%multiple_of3A_164] : memref<327680xi32, #tpu.memory_space<hbm>> -> memref<128xi32, #tpu.memory_space<hbm>>
      tpu.wait_dma2 semaphore(%run_scoped3A_12 : memref<!tpu.dma_semaphore, #tpu.memory_space<semaphore_mem>>) src(%dma_wait3A_166 : memref<128xi32, #tpu.memory_space<hbm>>) dst(%run_scoped3A_4 : memref<128xi32, #tpu.memory_space<vmem>>)
      %add3A_167 = arith.constant 3 : i32
      %add3A_168 = arith.addi %mul3A_17, %add3A_167 : i32
      %mul3A_169 = arith.constant 128 : i32
      %mul3A_170 = arith.muli %add3A_168, %mul3A_169 : i32
      %multiple_of3A_171 = tpu.assume_multiple %mul3A_170, 8 : i32
      %dma_wait3A_172 = tpu.memref_slice %arg4[%multiple_of3A_171] : memref<327680xi32, #tpu.memory_space<hbm>> -> memref<128xi32, #tpu.memory_space<hbm>>
      %dma_wait3A_173 = tpu.memref_slice %arg4[%multiple_of3A_171] : memref<327680xi32, #tpu.memory_space<hbm>> -> memref<128xi32, #tpu.memory_space<hbm>>
      tpu.wait_dma2 semaphore(%run_scoped3A_12 : memref<!tpu.dma_semaphore, #tpu.memory_space<semaphore_mem>>) src(%dma_wait3A_173 : memref<128xi32, #tpu.memory_space<hbm>>) dst(%run_scoped3A_8 : memref<128xi32, #tpu.memory_space<vmem>>)
      %dma_start3A_174 = arith.constant 0 : i32
      %dma_start3A_175 = arith.constant 0 : i32
      %dma_start3A_176 = tpu.memref_slice %arg2[%dma_start3A_174, %dma_start3A_175] : memref<10000x128xf32, #tpu.memory_space<hbm>> -> memref<10000x128xf32, #tpu.memory_space<hbm>>
      tpu.enqueue_indirect_dma source(%dma_start3A_176 : memref<10000x128xf32, #tpu.memory_space<hbm>>) target(%run_scoped3A_0 : memref<128x128xf32, #tpu.memory_space<vmem>>) offsets(%run_scoped3A_4 : memref<128xi32, #tpu.memory_space<vmem>>) semaphore(%run_scoped3A_14 : memref<!tpu.dma_semaphore, #tpu.memory_space<semaphore_mem>>)
      %dma_wait3A_177 = arith.constant 0 : i32
      %dma_wait3A_178 = arith.constant 0 : i32
      %dma_wait3A_179 = tpu.memref_slice %arg2[%dma_wait3A_177, %dma_wait3A_178] : memref<10000x128xf32, #tpu.memory_space<hbm>> -> memref<10000x128xf32, #tpu.memory_space<hbm>>
      tpu.wait_indirect_dma semaphore(%run_scoped3A_13 : memref<!tpu.dma_semaphore, #tpu.memory_space<semaphore_mem>>) src(%dma_wait3A_179 : memref<10000x128xf32, #tpu.memory_space<hbm>>) dst(%run_scoped3A : memref<128x128xf32, #tpu.memory_space<vmem>>)
      "tpu.region"() ({
        %run_scoped3A_312 = tpu.sem_alloc : memref<!tpu.dma_semaphore, #tpu.memory_space<semaphore_mem>>
        %dma_start3A_313 = arith.constant 0 : i32
        %dma_start3A_314 = arith.constant 0 : i32
        %dma_start3A_315 = tpu.memref_slice %arg6[%dma_start3A_313, %dma_start3A_314] : memref<10240x128xf32, #tpu.memory_space<vmem_shared>> -> memref<10240x128xf32, #tpu.memory_space<vmem_shared>>
        tpu.enqueue_indirect_dma source(%run_scoped3A : memref<128x128xf32, #tpu.memory_space<vmem>>) target(%dma_start3A_315 : memref<10240x128xf32, #tpu.memory_space<vmem_shared>>) offsets(%run_scoped3A_7 : memref<128xi32, #tpu.memory_space<vmem>>) semaphore(%run_scoped3A_312 : memref<!tpu.dma_semaphore, #tpu.memory_space<semaphore_mem>>) {add = true}
        %dma_wait3A_316 = arith.constant 0 : i32
        %dma_wait3A_317 = arith.constant 0 : i32
        %dma_wait3A_318 = tpu.memref_slice %arg6[%dma_wait3A_316, %dma_wait3A_317] : memref<10240x128xf32, #tpu.memory_space<vmem_shared>> -> memref<10240x128xf32, #tpu.memory_space<vmem_shared>>
        tpu.wait_indirect_dma semaphore(%run_scoped3A_312 : memref<!tpu.dma_semaphore, #tpu.memory_space<semaphore_mem>>) src(%run_scoped3A : memref<128x128xf32, #tpu.memory_space<vmem>>) dst(%dma_wait3A_318 : memref<10240x128xf32, #tpu.memory_space<vmem_shared>>)
        tpu.yield
      }) : () -> ()
      %add3A_180 = arith.constant 5 : i32
      %add3A_181 = arith.addi %mul3A_17, %add3A_180 : i32
      %mul3A_182 = arith.constant 128 : i32
      %mul3A_183 = arith.muli %add3A_181, %mul3A_182 : i32
      %multiple_of3A_184 = tpu.assume_multiple %mul3A_183, 8 : i32
      %dma_start3A_185 = tpu.memref_slice %arg3[%multiple_of3A_184] : memref<327680xi32, #tpu.memory_space<hbm>> -> memref<128xi32, #tpu.memory_space<hbm>>
      %dma_start3A_186 = tpu.memref_slice %arg3[%multiple_of3A_184] : memref<327680xi32, #tpu.memory_space<hbm>> -> memref<128xi32, #tpu.memory_space<hbm>>
      tpu.enqueue_dma source(%dma_start3A_186 : memref<128xi32, #tpu.memory_space<hbm>>) target(%run_scoped3A_2 : memref<128xi32, #tpu.memory_space<vmem>>) target_semaphore(%run_scoped3A_10 : memref<!tpu.dma_semaphore, #tpu.memory_space<semaphore_mem>>)
      %add3A_187 = arith.constant 5 : i32
      %add3A_188 = arith.addi %mul3A_17, %add3A_187 : i32
      %mul3A_189 = arith.constant 128 : i32
      %mul3A_190 = arith.muli %add3A_188, %mul3A_189 : i32
      %multiple_of3A_191 = tpu.assume_multiple %mul3A_190, 8 : i32
      %dma_start3A_192 = tpu.memref_slice %arg4[%multiple_of3A_191] : memref<327680xi32, #tpu.memory_space<hbm>> -> memref<128xi32, #tpu.memory_space<hbm>>
      %dma_start3A_193 = tpu.memref_slice %arg4[%multiple_of3A_191] : memref<327680xi32, #tpu.memory_space<hbm>> -> memref<128xi32, #tpu.memory_space<hbm>>
      tpu.enqueue_dma source(%dma_start3A_193 : memref<128xi32, #tpu.memory_space<hbm>>) target(%run_scoped3A_6 : memref<128xi32, #tpu.memory_space<vmem>>) target_semaphore(%run_scoped3A_10 : memref<!tpu.dma_semaphore, #tpu.memory_space<semaphore_mem>>)
      %add3A_194 = arith.constant 4 : i32
      %add3A_195 = arith.addi %mul3A_17, %add3A_194 : i32
      %mul3A_196 = arith.constant 128 : i32
      %mul3A_197 = arith.muli %add3A_195, %mul3A_196 : i32
      %multiple_of3A_198 = tpu.assume_multiple %mul3A_197, 8 : i32
      %dma_wait3A_199 = tpu.memref_slice %arg3[%multiple_of3A_198] : memref<327680xi32, #tpu.memory_space<hbm>> -> memref<128xi32, #tpu.memory_space<hbm>>
      %dma_wait3A_200 = tpu.memref_slice %arg3[%multiple_of3A_198] : memref<327680xi32, #tpu.memory_space<hbm>> -> memref<128xi32, #tpu.memory_space<hbm>>
      tpu.wait_dma2 semaphore(%run_scoped3A_9 : memref<!tpu.dma_semaphore, #tpu.memory_space<semaphore_mem>>) src(%dma_wait3A_200 : memref<128xi32, #tpu.memory_space<hbm>>) dst(%run_scoped3A_1 : memref<128xi32, #tpu.memory_space<vmem>>)
      %add3A_201 = arith.constant 4 : i32
      %add3A_202 = arith.addi %mul3A_17, %add3A_201 : i32
      %mul3A_203 = arith.constant 128 : i32
      %mul3A_204 = arith.muli %add3A_202, %mul3A_203 : i32
      %multiple_of3A_205 = tpu.assume_multiple %mul3A_204, 8 : i32
      %dma_wait3A_206 = tpu.memref_slice %arg4[%multiple_of3A_205] : memref<327680xi32, #tpu.memory_space<hbm>> -> memref<128xi32, #tpu.memory_space<hbm>>
      %dma_wait3A_207 = tpu.memref_slice %arg4[%multiple_of3A_205] : memref<327680xi32, #tpu.memory_space<hbm>> -> memref<128xi32, #tpu.memory_space<hbm>>
      tpu.wait_dma2 semaphore(%run_scoped3A_9 : memref<!tpu.dma_semaphore, #tpu.memory_space<semaphore_mem>>) src(%dma_wait3A_207 : memref<128xi32, #tpu.memory_space<hbm>>) dst(%run_scoped3A_5 : memref<128xi32, #tpu.memory_space<vmem>>)
      %dma_start3A_208 = arith.constant 0 : i32
      %dma_start3A_209 = arith.constant 0 : i32
      %dma_start3A_210 = tpu.memref_slice %arg2[%dma_start3A_208, %dma_start3A_209] : memref<10000x128xf32, #tpu.memory_space<hbm>> -> memref<10000x128xf32, #tpu.memory_space<hbm>>
      tpu.enqueue_indirect_dma source(%dma_start3A_210 : memref<10000x128xf32, #tpu.memory_space<hbm>>) target(%run_scoped3A : memref<128x128xf32, #tpu.memory_space<vmem>>) offsets(%run_scoped3A_1 : memref<128xi32, #tpu.memory_space<vmem>>) semaphore(%run_scoped3A_13 : memref<!tpu.dma_semaphore, #tpu.memory_space<semaphore_mem>>)
      %dma_wait3A_211 = arith.constant 0 : i32
      %dma_wait3A_212 = arith.constant 0 : i32
      %dma_wait3A_213 = tpu.memref_slice %arg2[%dma_wait3A_211, %dma_wait3A_212] : memref<10000x128xf32, #tpu.memory_space<hbm>> -> memref<10000x128xf32, #tpu.memory_space<hbm>>
      tpu.wait_indirect_dma semaphore(%run_scoped3A_14 : memref<!tpu.dma_semaphore, #tpu.memory_space<semaphore_mem>>) src(%dma_wait3A_213 : memref<10000x128xf32, #tpu.memory_space<hbm>>) dst(%run_scoped3A_0 : memref<128x128xf32, #tpu.memory_space<vmem>>)
      "tpu.region"() ({
        %run_scoped3A_312 = tpu.sem_alloc : memref<!tpu.dma_semaphore, #tpu.memory_space<semaphore_mem>>
        %dma_start3A_313 = arith.constant 0 : i32
        %dma_start3A_314 = arith.constant 0 : i32
        %dma_start3A_315 = tpu.memref_slice %arg6[%dma_start3A_313, %dma_start3A_314] : memref<10240x128xf32, #tpu.memory_space<vmem_shared>> -> memref<10240x128xf32, #tpu.memory_space<vmem_shared>>
        tpu.enqueue_indirect_dma source(%run_scoped3A_0 : memref<128x128xf32, #tpu.memory_space<vmem>>) target(%dma_start3A_315 : memref<10240x128xf32, #tpu.memory_space<vmem_shared>>) offsets(%run_scoped3A_8 : memref<128xi32, #tpu.memory_space<vmem>>) semaphore(%run_scoped3A_312 : memref<!tpu.dma_semaphore, #tpu.memory_space<semaphore_mem>>) {add = true}
        %dma_wait3A_316 = arith.constant 0 : i32
        %dma_wait3A_317 = arith.constant 0 : i32
        %dma_wait3A_318 = tpu.memref_slice %arg6[%dma_wait3A_316, %dma_wait3A_317] : memref<10240x128xf32, #tpu.memory_space<vmem_shared>> -> memref<10240x128xf32, #tpu.memory_space<vmem_shared>>
        tpu.wait_indirect_dma semaphore(%run_scoped3A_312 : memref<!tpu.dma_semaphore, #tpu.memory_space<semaphore_mem>>) src(%run_scoped3A_0 : memref<128x128xf32, #tpu.memory_space<vmem>>) dst(%dma_wait3A_318 : memref<10240x128xf32, #tpu.memory_space<vmem_shared>>)
        tpu.yield
      }) : () -> ()
      %scan3A_214 = arith.constant 0 : i32
      %scan3A_215 = arith.constant 1 : i32
      %scan3A_216 = arith.constant 18 : i32
      %scan3A_217 = arith.addi %scan3A_215, %scan3A_216 : i32
      %scan3A_218 = arith.constant 1 : i32
      scf.for %scan3A_312 = %scan3A_215 to %scan3A_217 step %scan3A_218  : i32 {
        %mul3A_313 = arith.constant 4 : i32
        %mul3A_314 = arith.muli %scan3A_312, %mul3A_313 : i32
        %add3A_315 = arith.constant 0 : i32
        %add3A_316 = arith.addi %mul3A_314, %add3A_315 : i32
        %add3A_317 = arith.constant 2 : i32
        %add3A_318 = arith.addi %add3A_316, %add3A_317 : i32
        %add3A_319 = arith.addi %mul3A_17, %add3A_318 : i32
        %mul3A_320 = arith.constant 128 : i32
        %mul3A_321 = arith.muli %add3A_319, %mul3A_320 : i32
        %multiple_of3A_322 = tpu.assume_multiple %mul3A_321, 8 : i32
        %dma_start3A_323 = tpu.memref_slice %arg3[%multiple_of3A_322] : memref<327680xi32, #tpu.memory_space<hbm>> -> memref<128xi32, #tpu.memory_space<hbm>>
        %dma_start3A_324 = tpu.memref_slice %arg3[%multiple_of3A_322] : memref<327680xi32, #tpu.memory_space<hbm>> -> memref<128xi32, #tpu.memory_space<hbm>>
        tpu.enqueue_dma source(%dma_start3A_324 : memref<128xi32, #tpu.memory_space<hbm>>) target(%run_scoped3A_3 : memref<128xi32, #tpu.memory_space<vmem>>) target_semaphore(%run_scoped3A_11 : memref<!tpu.dma_semaphore, #tpu.memory_space<semaphore_mem>>)
        %add3A_325 = arith.addi %mul3A_17, %add3A_318 : i32
        %mul3A_326 = arith.constant 128 : i32
        %mul3A_327 = arith.muli %add3A_325, %mul3A_326 : i32
        %multiple_of3A_328 = tpu.assume_multiple %mul3A_327, 8 : i32
        %dma_start3A_329 = tpu.memref_slice %arg4[%multiple_of3A_328] : memref<327680xi32, #tpu.memory_space<hbm>> -> memref<128xi32, #tpu.memory_space<hbm>>
        %dma_start3A_330 = tpu.memref_slice %arg4[%multiple_of3A_328] : memref<327680xi32, #tpu.memory_space<hbm>> -> memref<128xi32, #tpu.memory_space<hbm>>
        tpu.enqueue_dma source(%dma_start3A_330 : memref<128xi32, #tpu.memory_space<hbm>>) target(%run_scoped3A_7 : memref<128xi32, #tpu.memory_space<vmem>>) target_semaphore(%run_scoped3A_11 : memref<!tpu.dma_semaphore, #tpu.memory_space<semaphore_mem>>)
        %add3A_331 = arith.constant 1 : i32
        %add3A_332 = arith.addi %add3A_316, %add3A_331 : i32
        %add3A_333 = arith.addi %mul3A_17, %add3A_332 : i32
        %mul3A_334 = arith.constant 128 : i32
        %mul3A_335 = arith.muli %add3A_333, %mul3A_334 : i32
        %multiple_of3A_336 = tpu.assume_multiple %mul3A_335, 8 : i32
        %dma_wait3A_337 = tpu.memref_slice %arg3[%multiple_of3A_336] : memref<327680xi32, #tpu.memory_space<hbm>> -> memref<128xi32, #tpu.memory_space<hbm>>
        %dma_wait3A_338 = tpu.memref_slice %arg3[%multiple_of3A_336] : memref<327680xi32, #tpu.memory_space<hbm>> -> memref<128xi32, #tpu.memory_space<hbm>>
        tpu.wait_dma2 semaphore(%run_scoped3A_10 : memref<!tpu.dma_semaphore, #tpu.memory_space<semaphore_mem>>) src(%dma_wait3A_338 : memref<128xi32, #tpu.memory_space<hbm>>) dst(%run_scoped3A_2 : memref<128xi32, #tpu.memory_space<vmem>>)
        %add3A_339 = arith.addi %mul3A_17, %add3A_332 : i32
        %mul3A_340 = arith.constant 128 : i32
        %mul3A_341 = arith.muli %add3A_339, %mul3A_340 : i32
        %multiple_of3A_342 = tpu.assume_multiple %mul3A_341, 8 : i32
        %dma_wait3A_343 = tpu.memref_slice %arg4[%multiple_of3A_342] : memref<327680xi32, #tpu.memory_space<hbm>> -> memref<128xi32, #tpu.memory_space<hbm>>
        %dma_wait3A_344 = tpu.memref_slice %arg4[%multiple_of3A_342] : memref<327680xi32, #tpu.memory_space<hbm>> -> memref<128xi32, #tpu.memory_space<hbm>>
        tpu.wait_dma2 semaphore(%run_scoped3A_10 : memref<!tpu.dma_semaphore, #tpu.memory_space<semaphore_mem>>) src(%dma_wait3A_344 : memref<128xi32, #tpu.memory_space<hbm>>) dst(%run_scoped3A_6 : memref<128xi32, #tpu.memory_space<vmem>>)
        %dma_start3A_345 = arith.constant 0 : i32
        %dma_start3A_346 = arith.constant 0 : i32
        %dma_start3A_347 = tpu.memref_slice %arg2[%dma_start3A_345, %dma_start3A_346] : memref<10000x128xf32, #tpu.memory_space<hbm>> -> memref<10000x128xf32, #tpu.memory_space<hbm>>
        tpu.enqueue_indirect_dma source(%dma_start3A_347 : memref<10000x128xf32, #tpu.memory_space<hbm>>) target(%run_scoped3A_0 : memref<128x128xf32, #tpu.memory_space<vmem>>) offsets(%run_scoped3A_2 : memref<128xi32, #tpu.memory_space<vmem>>) semaphore(%run_scoped3A_14 : memref<!tpu.dma_semaphore, #tpu.memory_space<semaphore_mem>>)
        %dma_wait3A_348 = arith.constant 0 : i32
        %dma_wait3A_349 = arith.constant 0 : i32
        %dma_wait3A_350 = tpu.memref_slice %arg2[%dma_wait3A_348, %dma_wait3A_349] : memref<10000x128xf32, #tpu.memory_space<hbm>> -> memref<10000x128xf32, #tpu.memory_space<hbm>>
        tpu.wait_indirect_dma semaphore(%run_scoped3A_13 : memref<!tpu.dma_semaphore, #tpu.memory_space<semaphore_mem>>) src(%dma_wait3A_350 : memref<10000x128xf32, #tpu.memory_space<hbm>>) dst(%run_scoped3A : memref<128x128xf32, #tpu.memory_space<vmem>>)
        "tpu.region"() ({
          %run_scoped3A_459 = tpu.sem_alloc : memref<!tpu.dma_semaphore, #tpu.memory_space<semaphore_mem>>
          %dma_start3A_460 = arith.constant 0 : i32
          %dma_start3A_461 = arith.constant 0 : i32
          %dma_start3A_462 = tpu.memref_slice %arg6[%dma_start3A_460, %dma_start3A_461] : memref<10240x128xf32, #tpu.memory_space<vmem_shared>> -> memref<10240x128xf32, #tpu.memory_space<vmem_shared>>
          tpu.enqueue_indirect_dma source(%run_scoped3A : memref<128x128xf32, #tpu.memory_space<vmem>>) target(%dma_start3A_462 : memref<10240x128xf32, #tpu.memory_space<vmem_shared>>) offsets(%run_scoped3A_5 : memref<128xi32, #tpu.memory_space<vmem>>) semaphore(%run_scoped3A_459 : memref<!tpu.dma_semaphore, #tpu.memory_space<semaphore_mem>>) {add = true}
          %dma_wait3A_463 = arith.constant 0 : i32
          %dma_wait3A_464 = arith.constant 0 : i32
          %dma_wait3A_465 = tpu.memref_slice %arg6[%dma_wait3A_463, %dma_wait3A_464] : memref<10240x128xf32, #tpu.memory_space<vmem_shared>> -> memref<10240x128xf32, #tpu.memory_space<vmem_shared>>
          tpu.wait_indirect_dma semaphore(%run_scoped3A_459 : memref<!tpu.dma_semaphore, #tpu.memory_space<semaphore_mem>>) src(%run_scoped3A : memref<128x128xf32, #tpu.memory_space<vmem>>) dst(%dma_wait3A_465 : memref<10240x128xf32, #tpu.memory_space<vmem_shared>>)
          tpu.yield
        }) : () -> ()
        %add3A_351 = arith.constant 1 : i32
        %add3A_352 = arith.addi %mul3A_314, %add3A_351 : i32
        %add3A_353 = arith.constant 2 : i32
        %add3A_354 = arith.addi %add3A_352, %add3A_353 : i32
        %add3A_355 = arith.addi %mul3A_17, %add3A_354 : i32
        %mul3A_356 = arith.constant 128 : i32
        %mul3A_357 = arith.muli %add3A_355, %mul3A_356 : i32
        %multiple_of3A_358 = tpu.assume_multiple %mul3A_357, 8 : i32
        %dma_start3A_359 = tpu.memref_slice %arg3[%multiple_of3A_358] : memref<327680xi32, #tpu.memory_space<hbm>> -> memref<128xi32, #tpu.memory_space<hbm>>
        %dma_start3A_360 = tpu.memref_slice %arg3[%multiple_of3A_358] : memref<327680xi32, #tpu.memory_space<hbm>> -> memref<128xi32, #tpu.memory_space<hbm>>
        tpu.enqueue_dma source(%dma_start3A_360 : memref<128xi32, #tpu.memory_space<hbm>>) target(%run_scoped3A_4 : memref<128xi32, #tpu.memory_space<vmem>>) target_semaphore(%run_scoped3A_12 : memref<!tpu.dma_semaphore, #tpu.memory_space<semaphore_mem>>)
        %add3A_361 = arith.addi %mul3A_17, %add3A_354 : i32
        %mul3A_362 = arith.constant 128 : i32
        %mul3A_363 = arith.muli %add3A_361, %mul3A_362 : i32
        %multiple_of3A_364 = tpu.assume_multiple %mul3A_363, 8 : i32
        %dma_start3A_365 = tpu.memref_slice %arg4[%multiple_of3A_364] : memref<327680xi32, #tpu.memory_space<hbm>> -> memref<128xi32, #tpu.memory_space<hbm>>
        %dma_start3A_366 = tpu.memref_slice %arg4[%multiple_of3A_364] : memref<327680xi32, #tpu.memory_space<hbm>> -> memref<128xi32, #tpu.memory_space<hbm>>
        tpu.enqueue_dma source(%dma_start3A_366 : memref<128xi32, #tpu.memory_space<hbm>>) target(%run_scoped3A_8 : memref<128xi32, #tpu.memory_space<vmem>>) target_semaphore(%run_scoped3A_12 : memref<!tpu.dma_semaphore, #tpu.memory_space<semaphore_mem>>)
        %add3A_367 = arith.constant 1 : i32
        %add3A_368 = arith.addi %add3A_352, %add3A_367 : i32
        %add3A_369 = arith.addi %mul3A_17, %add3A_368 : i32
        %mul3A_370 = arith.constant 128 : i32
        %mul3A_371 = arith.muli %add3A_369, %mul3A_370 : i32
        %multiple_of3A_372 = tpu.assume_multiple %mul3A_371, 8 : i32
        %dma_wait3A_373 = tpu.memref_slice %arg3[%multiple_of3A_372] : memref<327680xi32, #tpu.memory_space<hbm>> -> memref<128xi32, #tpu.memory_space<hbm>>
        %dma_wait3A_374 = tpu.memref_slice %arg3[%multiple_of3A_372] : memref<327680xi32, #tpu.memory_space<hbm>> -> memref<128xi32, #tpu.memory_space<hbm>>
        tpu.wait_dma2 semaphore(%run_scoped3A_11 : memref<!tpu.dma_semaphore, #tpu.memory_space<semaphore_mem>>) src(%dma_wait3A_374 : memref<128xi32, #tpu.memory_space<hbm>>) dst(%run_scoped3A_3 : memref<128xi32, #tpu.memory_space<vmem>>)
        %add3A_375 = arith.addi %mul3A_17, %add3A_368 : i32
        %mul3A_376 = arith.constant 128 : i32
        %mul3A_377 = arith.muli %add3A_375, %mul3A_376 : i32
        %multiple_of3A_378 = tpu.assume_multiple %mul3A_377, 8 : i32
        %dma_wait3A_379 = tpu.memref_slice %arg4[%multiple_of3A_378] : memref<327680xi32, #tpu.memory_space<hbm>> -> memref<128xi32, #tpu.memory_space<hbm>>
        %dma_wait3A_380 = tpu.memref_slice %arg4[%multiple_of3A_378] : memref<327680xi32, #tpu.memory_space<hbm>> -> memref<128xi32, #tpu.memory_space<hbm>>
        tpu.wait_dma2 semaphore(%run_scoped3A_11 : memref<!tpu.dma_semaphore, #tpu.memory_space<semaphore_mem>>) src(%dma_wait3A_380 : memref<128xi32, #tpu.memory_space<hbm>>) dst(%run_scoped3A_7 : memref<128xi32, #tpu.memory_space<vmem>>)
        %dma_start3A_381 = arith.constant 0 : i32
        %dma_start3A_382 = arith.constant 0 : i32
        %dma_start3A_383 = tpu.memref_slice %arg2[%dma_start3A_381, %dma_start3A_382] : memref<10000x128xf32, #tpu.memory_space<hbm>> -> memref<10000x128xf32, #tpu.memory_space<hbm>>
        tpu.enqueue_indirect_dma source(%dma_start3A_383 : memref<10000x128xf32, #tpu.memory_space<hbm>>) target(%run_scoped3A : memref<128x128xf32, #tpu.memory_space<vmem>>) offsets(%run_scoped3A_3 : memref<128xi32, #tpu.memory_space<vmem>>) semaphore(%run_scoped3A_13 : memref<!tpu.dma_semaphore, #tpu.memory_space<semaphore_mem>>)
        %dma_wait3A_384 = arith.constant 0 : i32
        %dma_wait3A_385 = arith.constant 0 : i32
        %dma_wait3A_386 = tpu.memref_slice %arg2[%dma_wait3A_384, %dma_wait3A_385] : memref<10000x128xf32, #tpu.memory_space<hbm>> -> memref<10000x128xf32, #tpu.memory_space<hbm>>
        tpu.wait_indirect_dma semaphore(%run_scoped3A_14 : memref<!tpu.dma_semaphore, #tpu.memory_space<semaphore_mem>>) src(%dma_wait3A_386 : memref<10000x128xf32, #tpu.memory_space<hbm>>) dst(%run_scoped3A_0 : memref<128x128xf32, #tpu.memory_space<vmem>>)
        "tpu.region"() ({
          %run_scoped3A_459 = tpu.sem_alloc : memref<!tpu.dma_semaphore, #tpu.memory_space<semaphore_mem>>
          %dma_start3A_460 = arith.constant 0 : i32
          %dma_start3A_461 = arith.constant 0 : i32
          %dma_start3A_462 = tpu.memref_slice %arg6[%dma_start3A_460, %dma_start3A_461] : memref<10240x128xf32, #tpu.memory_space<vmem_shared>> -> memref<10240x128xf32, #tpu.memory_space<vmem_shared>>
          tpu.enqueue_indirect_dma source(%run_scoped3A_0 : memref<128x128xf32, #tpu.memory_space<vmem>>) target(%dma_start3A_462 : memref<10240x128xf32, #tpu.memory_space<vmem_shared>>) offsets(%run_scoped3A_6 : memref<128xi32, #tpu.memory_space<vmem>>) semaphore(%run_scoped3A_459 : memref<!tpu.dma_semaphore, #tpu.memory_space<semaphore_mem>>) {add = true}
          %dma_wait3A_463 = arith.constant 0 : i32
          %dma_wait3A_464 = arith.constant 0 : i32
          %dma_wait3A_465 = tpu.memref_slice %arg6[%dma_wait3A_463, %dma_wait3A_464] : memref<10240x128xf32, #tpu.memory_space<vmem_shared>> -> memref<10240x128xf32, #tpu.memory_space<vmem_shared>>
          tpu.wait_indirect_dma semaphore(%run_scoped3A_459 : memref<!tpu.dma_semaphore, #tpu.memory_space<semaphore_mem>>) src(%run_scoped3A_0 : memref<128x128xf32, #tpu.memory_space<vmem>>) dst(%dma_wait3A_465 : memref<10240x128xf32, #tpu.memory_space<vmem_shared>>)
          tpu.yield
        }) : () -> ()
        %add3A_387 = arith.constant 2 : i32
        %add3A_388 = arith.addi %mul3A_314, %add3A_387 : i32
        %add3A_389 = arith.constant 2 : i32
        %add3A_390 = arith.addi %add3A_388, %add3A_389 : i32
        %add3A_391 = arith.addi %mul3A_17, %add3A_390 : i32
        %mul3A_392 = arith.constant 128 : i32
        %mul3A_393 = arith.muli %add3A_391, %mul3A_392 : i32
        %multiple_of3A_394 = tpu.assume_multiple %mul3A_393, 8 : i32
        %dma_start3A_395 = tpu.memref_slice %arg3[%multiple_of3A_394] : memref<327680xi32, #tpu.memory_space<hbm>> -> memref<128xi32, #tpu.memory_space<hbm>>
        %dma_start3A_396 = tpu.memref_slice %arg3[%multiple_of3A_394] : memref<327680xi32, #tpu.memory_space<hbm>> -> memref<128xi32, #tpu.memory_space<hbm>>
        tpu.enqueue_dma source(%dma_start3A_396 : memref<128xi32, #tpu.memory_space<hbm>>) target(%run_scoped3A_1 : memref<128xi32, #tpu.memory_space<vmem>>) target_semaphore(%run_scoped3A_9 : memref<!tpu.dma_semaphore, #tpu.memory_space<semaphore_mem>>)
        %add3A_397 = arith.addi %mul3A_17, %add3A_390 : i32
        %mul3A_398 = arith.constant 128 : i32
        %mul3A_399 = arith.muli %add3A_397, %mul3A_398 : i32
        %multiple_of3A_400 = tpu.assume_multiple %mul3A_399, 8 : i32
        %dma_start3A_401 = tpu.memref_slice %arg4[%multiple_of3A_400] : memref<327680xi32, #tpu.memory_space<hbm>> -> memref<128xi32, #tpu.memory_space<hbm>>
        %dma_start3A_402 = tpu.memref_slice %arg4[%multiple_of3A_400] : memref<327680xi32, #tpu.memory_space<hbm>> -> memref<128xi32, #tpu.memory_space<hbm>>
        tpu.enqueue_dma source(%dma_start3A_402 : memref<128xi32, #tpu.memory_space<hbm>>) target(%run_scoped3A_5 : memref<128xi32, #tpu.memory_space<vmem>>) target_semaphore(%run_scoped3A_9 : memref<!tpu.dma_semaphore, #tpu.memory_space<semaphore_mem>>)
        %add3A_403 = arith.constant 1 : i32
        %add3A_404 = arith.addi %add3A_388, %add3A_403 : i32
        %add3A_405 = arith.addi %mul3A_17, %add3A_404 : i32
        %mul3A_406 = arith.constant 128 : i32
        %mul3A_407 = arith.muli %add3A_405, %mul3A_406 : i32
        %multiple_of3A_408 = tpu.assume_multiple %mul3A_407, 8 : i32
        %dma_wait3A_409 = tpu.memref_slice %arg3[%multiple_of3A_408] : memref<327680xi32, #tpu.memory_space<hbm>> -> memref<128xi32, #tpu.memory_space<hbm>>
        %dma_wait3A_410 = tpu.memref_slice %arg3[%multiple_of3A_408] : memref<327680xi32, #tpu.memory_space<hbm>> -> memref<128xi32, #tpu.memory_space<hbm>>
        tpu.wait_dma2 semaphore(%run_scoped3A_12 : memref<!tpu.dma_semaphore, #tpu.memory_space<semaphore_mem>>) src(%dma_wait3A_410 : memref<128xi32, #tpu.memory_space<hbm>>) dst(%run_scoped3A_4 : memref<128xi32, #tpu.memory_space<vmem>>)
        %add3A_411 = arith.addi %mul3A_17, %add3A_404 : i32
        %mul3A_412 = arith.constant 128 : i32
        %mul3A_413 = arith.muli %add3A_411, %mul3A_412 : i32
        %multiple_of3A_414 = tpu.assume_multiple %mul3A_413, 8 : i32
        %dma_wait3A_415 = tpu.memref_slice %arg4[%multiple_of3A_414] : memref<327680xi32, #tpu.memory_space<hbm>> -> memref<128xi32, #tpu.memory_space<hbm>>
        %dma_wait3A_416 = tpu.memref_slice %arg4[%multiple_of3A_414] : memref<327680xi32, #tpu.memory_space<hbm>> -> memref<128xi32, #tpu.memory_space<hbm>>
        tpu.wait_dma2 semaphore(%run_scoped3A_12 : memref<!tpu.dma_semaphore, #tpu.memory_space<semaphore_mem>>) src(%dma_wait3A_416 : memref<128xi32, #tpu.memory_space<hbm>>) dst(%run_scoped3A_8 : memref<128xi32, #tpu.memory_space<vmem>>)
        %dma_start3A_417 = arith.constant 0 : i32
        %dma_start3A_418 = arith.constant 0 : i32
        %dma_start3A_419 = tpu.memref_slice %arg2[%dma_start3A_417, %dma_start3A_418] : memref<10000x128xf32, #tpu.memory_space<hbm>> -> memref<10000x128xf32, #tpu.memory_space<hbm>>
        tpu.enqueue_indirect_dma source(%dma_start3A_419 : memref<10000x128xf32, #tpu.memory_space<hbm>>) target(%run_scoped3A_0 : memref<128x128xf32, #tpu.memory_space<vmem>>) offsets(%run_scoped3A_4 : memref<128xi32, #tpu.memory_space<vmem>>) semaphore(%run_scoped3A_14 : memref<!tpu.dma_semaphore, #tpu.memory_space<semaphore_mem>>)
        %dma_wait3A_420 = arith.constant 0 : i32
        %dma_wait3A_421 = arith.constant 0 : i32
        %dma_wait3A_422 = tpu.memref_slice %arg2[%dma_wait3A_420, %dma_wait3A_421] : memref<10000x128xf32, #tpu.memory_space<hbm>> -> memref<10000x128xf32, #tpu.memory_space<hbm>>
        tpu.wait_indirect_dma semaphore(%run_scoped3A_13 : memref<!tpu.dma_semaphore, #tpu.memory_space<semaphore_mem>>) src(%dma_wait3A_422 : memref<10000x128xf32, #tpu.memory_space<hbm>>) dst(%run_scoped3A : memref<128x128xf32, #tpu.memory_space<vmem>>)
        "tpu.region"() ({
          %run_scoped3A_459 = tpu.sem_alloc : memref<!tpu.dma_semaphore, #tpu.memory_space<semaphore_mem>>
          %dma_start3A_460 = arith.constant 0 : i32
          %dma_start3A_461 = arith.constant 0 : i32
          %dma_start3A_462 = tpu.memref_slice %arg6[%dma_start3A_460, %dma_start3A_461] : memref<10240x128xf32, #tpu.memory_space<vmem_shared>> -> memref<10240x128xf32, #tpu.memory_space<vmem_shared>>
          tpu.enqueue_indirect_dma source(%run_scoped3A : memref<128x128xf32, #tpu.memory_space<vmem>>) target(%dma_start3A_462 : memref<10240x128xf32, #tpu.memory_space<vmem_shared>>) offsets(%run_scoped3A_7 : memref<128xi32, #tpu.memory_space<vmem>>) semaphore(%run_scoped3A_459 : memref<!tpu.dma_semaphore, #tpu.memory_space<semaphore_mem>>) {add = true}
          %dma_wait3A_463 = arith.constant 0 : i32
          %dma_wait3A_464 = arith.constant 0 : i32
          %dma_wait3A_465 = tpu.memref_slice %arg6[%dma_wait3A_463, %dma_wait3A_464] : memref<10240x128xf32, #tpu.memory_space<vmem_shared>> -> memref<10240x128xf32, #tpu.memory_space<vmem_shared>>
          tpu.wait_indirect_dma semaphore(%run_scoped3A_459 : memref<!tpu.dma_semaphore, #tpu.memory_space<semaphore_mem>>) src(%run_scoped3A : memref<128x128xf32, #tpu.memory_space<vmem>>) dst(%dma_wait3A_465 : memref<10240x128xf32, #tpu.memory_space<vmem_shared>>)
          tpu.yield
        }) : () -> ()
        %add3A_423 = arith.constant 3 : i32
        %add3A_424 = arith.addi %mul3A_314, %add3A_423 : i32
        %add3A_425 = arith.constant 2 : i32
        %add3A_426 = arith.addi %add3A_424, %add3A_425 : i32
        %add3A_427 = arith.addi %mul3A_17, %add3A_426 : i32
        %mul3A_428 = arith.constant 128 : i32
        %mul3A_429 = arith.muli %add3A_427, %mul3A_428 : i32
        %multiple_of3A_430 = tpu.assume_multiple %mul3A_429, 8 : i32
        %dma_start3A_431 = tpu.memref_slice %arg3[%multiple_of3A_430] : memref<327680xi32, #tpu.memory_space<hbm>> -> memref<128xi32, #tpu.memory_space<hbm>>
        %dma_start3A_432 = tpu.memref_slice %arg3[%multiple_of3A_430] : memref<327680xi32, #tpu.memory_space<hbm>> -> memref<128xi32, #tpu.memory_space<hbm>>
        tpu.enqueue_dma source(%dma_start3A_432 : memref<128xi32, #tpu.memory_space<hbm>>) target(%run_scoped3A_2 : memref<128xi32, #tpu.memory_space<vmem>>) target_semaphore(%run_scoped3A_10 : memref<!tpu.dma_semaphore, #tpu.memory_space<semaphore_mem>>)
        %add3A_433 = arith.addi %mul3A_17, %add3A_426 : i32
        %mul3A_434 = arith.constant 128 : i32
        %mul3A_435 = arith.muli %add3A_433, %mul3A_434 : i32
        %multiple_of3A_436 = tpu.assume_multiple %mul3A_435, 8 : i32
        %dma_start3A_437 = tpu.memref_slice %arg4[%multiple_of3A_436] : memref<327680xi32, #tpu.memory_space<hbm>> -> memref<128xi32, #tpu.memory_space<hbm>>
        %dma_start3A_438 = tpu.memref_slice %arg4[%multiple_of3A_436] : memref<327680xi32, #tpu.memory_space<hbm>> -> memref<128xi32, #tpu.memory_space<hbm>>
        tpu.enqueue_dma source(%dma_start3A_438 : memref<128xi32, #tpu.memory_space<hbm>>) target(%run_scoped3A_6 : memref<128xi32, #tpu.memory_space<vmem>>) target_semaphore(%run_scoped3A_10 : memref<!tpu.dma_semaphore, #tpu.memory_space<semaphore_mem>>)
        %add3A_439 = arith.constant 1 : i32
        %add3A_440 = arith.addi %add3A_424, %add3A_439 : i32
        %add3A_441 = arith.addi %mul3A_17, %add3A_440 : i32
        %mul3A_442 = arith.constant 128 : i32
        %mul3A_443 = arith.muli %add3A_441, %mul3A_442 : i32
        %multiple_of3A_444 = tpu.assume_multiple %mul3A_443, 8 : i32
        %dma_wait3A_445 = tpu.memref_slice %arg3[%multiple_of3A_444] : memref<327680xi32, #tpu.memory_space<hbm>> -> memref<128xi32, #tpu.memory_space<hbm>>
        %dma_wait3A_446 = tpu.memref_slice %arg3[%multiple_of3A_444] : memref<327680xi32, #tpu.memory_space<hbm>> -> memref<128xi32, #tpu.memory_space<hbm>>
        tpu.wait_dma2 semaphore(%run_scoped3A_9 : memref<!tpu.dma_semaphore, #tpu.memory_space<semaphore_mem>>) src(%dma_wait3A_446 : memref<128xi32, #tpu.memory_space<hbm>>) dst(%run_scoped3A_1 : memref<128xi32, #tpu.memory_space<vmem>>)
        %add3A_447 = arith.addi %mul3A_17, %add3A_440 : i32
        %mul3A_448 = arith.constant 128 : i32
        %mul3A_449 = arith.muli %add3A_447, %mul3A_448 : i32
        %multiple_of3A_450 = tpu.assume_multiple %mul3A_449, 8 : i32
        %dma_wait3A_451 = tpu.memref_slice %arg4[%multiple_of3A_450] : memref<327680xi32, #tpu.memory_space<hbm>> -> memref<128xi32, #tpu.memory_space<hbm>>
        %dma_wait3A_452 = tpu.memref_slice %arg4[%multiple_of3A_450] : memref<327680xi32, #tpu.memory_space<hbm>> -> memref<128xi32, #tpu.memory_space<hbm>>
        tpu.wait_dma2 semaphore(%run_scoped3A_9 : memref<!tpu.dma_semaphore, #tpu.memory_space<semaphore_mem>>) src(%dma_wait3A_452 : memref<128xi32, #tpu.memory_space<hbm>>) dst(%run_scoped3A_5 : memref<128xi32, #tpu.memory_space<vmem>>)
        %dma_start3A_453 = arith.constant 0 : i32
        %dma_start3A_454 = arith.constant 0 : i32
        %dma_start3A_455 = tpu.memref_slice %arg2[%dma_start3A_453, %dma_start3A_454] : memref<10000x128xf32, #tpu.memory_space<hbm>> -> memref<10000x128xf32, #tpu.memory_space<hbm>>
        tpu.enqueue_indirect_dma source(%dma_start3A_455 : memref<10000x128xf32, #tpu.memory_space<hbm>>) target(%run_scoped3A : memref<128x128xf32, #tpu.memory_space<vmem>>) offsets(%run_scoped3A_1 : memref<128xi32, #tpu.memory_space<vmem>>) semaphore(%run_scoped3A_13 : memref<!tpu.dma_semaphore, #tpu.memory_space<semaphore_mem>>)
        %dma_wait3A_456 = arith.constant 0 : i32
        %dma_wait3A_457 = arith.constant 0 : i32
        %dma_wait3A_458 = tpu.memref_slice %arg2[%dma_wait3A_456, %dma_wait3A_457] : memref<10000x128xf32, #tpu.memory_space<hbm>> -> memref<10000x128xf32, #tpu.memory_space<hbm>>
        tpu.wait_indirect_dma semaphore(%run_scoped3A_14 : memref<!tpu.dma_semaphore, #tpu.memory_space<semaphore_mem>>) src(%dma_wait3A_458 : memref<10000x128xf32, #tpu.memory_space<hbm>>) dst(%run_scoped3A_0 : memref<128x128xf32, #tpu.memory_space<vmem>>)
        "tpu.region"() ({
          %run_scoped3A_459 = tpu.sem_alloc : memref<!tpu.dma_semaphore, #tpu.memory_space<semaphore_mem>>
          %dma_start3A_460 = arith.constant 0 : i32
          %dma_start3A_461 = arith.constant 0 : i32
          %dma_start3A_462 = tpu.memref_slice %arg6[%dma_start3A_460, %dma_start3A_461] : memref<10240x128xf32, #tpu.memory_space<vmem_shared>> -> memref<10240x128xf32, #tpu.memory_space<vmem_shared>>
          tpu.enqueue_indirect_dma source(%run_scoped3A_0 : memref<128x128xf32, #tpu.memory_space<vmem>>) target(%dma_start3A_462 : memref<10240x128xf32, #tpu.memory_space<vmem_shared>>) offsets(%run_scoped3A_8 : memref<128xi32, #tpu.memory_space<vmem>>) semaphore(%run_scoped3A_459 : memref<!tpu.dma_semaphore, #tpu.memory_space<semaphore_mem>>) {add = true}
          %dma_wait3A_463 = arith.constant 0 : i32
          %dma_wait3A_464 = arith.constant 0 : i32
          %dma_wait3A_465 = tpu.memref_slice %arg6[%dma_wait3A_463, %dma_wait3A_464] : memref<10240x128xf32, #tpu.memory_space<vmem_shared>> -> memref<10240x128xf32, #tpu.memory_space<vmem_shared>>
          tpu.wait_indirect_dma semaphore(%run_scoped3A_459 : memref<!tpu.dma_semaphore, #tpu.memory_space<semaphore_mem>>) src(%run_scoped3A_0 : memref<128x128xf32, #tpu.memory_space<vmem>>) dst(%dma_wait3A_465 : memref<10240x128xf32, #tpu.memory_space<vmem_shared>>)
          tpu.yield
        }) : () -> ()
      }
      %scan3A_219 = arith.constant 18 : i32
      %add3A_220 = arith.constant 78 : i32
      %add3A_221 = arith.addi %mul3A_17, %add3A_220 : i32
      %mul3A_222 = arith.constant 128 : i32
      %mul3A_223 = arith.muli %add3A_221, %mul3A_222 : i32
      %multiple_of3A_224 = tpu.assume_multiple %mul3A_223, 8 : i32
      %dma_start3A_225 = tpu.memref_slice %arg3[%multiple_of3A_224] : memref<327680xi32, #tpu.memory_space<hbm>> -> memref<128xi32, #tpu.memory_space<hbm>>
      %dma_start3A_226 = tpu.memref_slice %arg3[%multiple_of3A_224] : memref<327680xi32, #tpu.memory_space<hbm>> -> memref<128xi32, #tpu.memory_space<hbm>>
      tpu.enqueue_dma source(%dma_start3A_226 : memref<128xi32, #tpu.memory_space<hbm>>) target(%run_scoped3A_3 : memref<128xi32, #tpu.memory_space<vmem>>) target_semaphore(%run_scoped3A_11 : memref<!tpu.dma_semaphore, #tpu.memory_space<semaphore_mem>>)
      %add3A_227 = arith.constant 78 : i32
      %add3A_228 = arith.addi %mul3A_17, %add3A_227 : i32
      %mul3A_229 = arith.constant 128 : i32
      %mul3A_230 = arith.muli %add3A_228, %mul3A_229 : i32
      %multiple_of3A_231 = tpu.assume_multiple %mul3A_230, 8 : i32
      %dma_start3A_232 = tpu.memref_slice %arg4[%multiple_of3A_231] : memref<327680xi32, #tpu.memory_space<hbm>> -> memref<128xi32, #tpu.memory_space<hbm>>
      %dma_start3A_233 = tpu.memref_slice %arg4[%multiple_of3A_231] : memref<327680xi32, #tpu.memory_space<hbm>> -> memref<128xi32, #tpu.memory_space<hbm>>
      tpu.enqueue_dma source(%dma_start3A_233 : memref<128xi32, #tpu.memory_space<hbm>>) target(%run_scoped3A_7 : memref<128xi32, #tpu.memory_space<vmem>>) target_semaphore(%run_scoped3A_11 : memref<!tpu.dma_semaphore, #tpu.memory_space<semaphore_mem>>)
      %add3A_234 = arith.constant 77 : i32
      %add3A_235 = arith.addi %mul3A_17, %add3A_234 : i32
      %mul3A_236 = arith.constant 128 : i32
      %mul3A_237 = arith.muli %add3A_235, %mul3A_236 : i32
      %multiple_of3A_238 = tpu.assume_multiple %mul3A_237, 8 : i32
      %dma_wait3A_239 = tpu.memref_slice %arg3[%multiple_of3A_238] : memref<327680xi32, #tpu.memory_space<hbm>> -> memref<128xi32, #tpu.memory_space<hbm>>
      %dma_wait3A_240 = tpu.memref_slice %arg3[%multiple_of3A_238] : memref<327680xi32, #tpu.memory_space<hbm>> -> memref<128xi32, #tpu.memory_space<hbm>>
      tpu.wait_dma2 semaphore(%run_scoped3A_10 : memref<!tpu.dma_semaphore, #tpu.memory_space<semaphore_mem>>) src(%dma_wait3A_240 : memref<128xi32, #tpu.memory_space<hbm>>) dst(%run_scoped3A_2 : memref<128xi32, #tpu.memory_space<vmem>>)
      %add3A_241 = arith.constant 77 : i32
      %add3A_242 = arith.addi %mul3A_17, %add3A_241 : i32
      %mul3A_243 = arith.constant 128 : i32
      %mul3A_244 = arith.muli %add3A_242, %mul3A_243 : i32
      %multiple_of3A_245 = tpu.assume_multiple %mul3A_244, 8 : i32
      %dma_wait3A_246 = tpu.memref_slice %arg4[%multiple_of3A_245] : memref<327680xi32, #tpu.memory_space<hbm>> -> memref<128xi32, #tpu.memory_space<hbm>>
      %dma_wait3A_247 = tpu.memref_slice %arg4[%multiple_of3A_245] : memref<327680xi32, #tpu.memory_space<hbm>> -> memref<128xi32, #tpu.memory_space<hbm>>
      tpu.wait_dma2 semaphore(%run_scoped3A_10 : memref<!tpu.dma_semaphore, #tpu.memory_space<semaphore_mem>>) src(%dma_wait3A_247 : memref<128xi32, #tpu.memory_space<hbm>>) dst(%run_scoped3A_6 : memref<128xi32, #tpu.memory_space<vmem>>)
      %dma_start3A_248 = arith.constant 0 : i32
      %dma_start3A_249 = arith.constant 0 : i32
      %dma_start3A_250 = tpu.memref_slice %arg2[%dma_start3A_248, %dma_start3A_249] : memref<10000x128xf32, #tpu.memory_space<hbm>> -> memref<10000x128xf32, #tpu.memory_space<hbm>>
      tpu.enqueue_indirect_dma source(%dma_start3A_250 : memref<10000x128xf32, #tpu.memory_space<hbm>>) target(%run_scoped3A_0 : memref<128x128xf32, #tpu.memory_space<vmem>>) offsets(%run_scoped3A_2 : memref<128xi32, #tpu.memory_space<vmem>>) semaphore(%run_scoped3A_14 : memref<!tpu.dma_semaphore, #tpu.memory_space<semaphore_mem>>)
      %dma_wait3A_251 = arith.constant 0 : i32
      %dma_wait3A_252 = arith.constant 0 : i32
      %dma_wait3A_253 = tpu.memref_slice %arg2[%dma_wait3A_251, %dma_wait3A_252] : memref<10000x128xf32, #tpu.memory_space<hbm>> -> memref<10000x128xf32, #tpu.memory_space<hbm>>
      tpu.wait_indirect_dma semaphore(%run_scoped3A_13 : memref<!tpu.dma_semaphore, #tpu.memory_space<semaphore_mem>>) src(%dma_wait3A_253 : memref<10000x128xf32, #tpu.memory_space<hbm>>) dst(%run_scoped3A : memref<128x128xf32, #tpu.memory_space<vmem>>)
      "tpu.region"() ({
        %run_scoped3A_312 = tpu.sem_alloc : memref<!tpu.dma_semaphore, #tpu.memory_space<semaphore_mem>>
        %dma_start3A_313 = arith.constant 0 : i32
        %dma_start3A_314 = arith.constant 0 : i32
        %dma_start3A_315 = tpu.memref_slice %arg6[%dma_start3A_313, %dma_start3A_314] : memref<10240x128xf32, #tpu.memory_space<vmem_shared>> -> memref<10240x128xf32, #tpu.memory_space<vmem_shared>>
        tpu.enqueue_indirect_dma source(%run_scoped3A : memref<128x128xf32, #tpu.memory_space<vmem>>) target(%dma_start3A_315 : memref<10240x128xf32, #tpu.memory_space<vmem_shared>>) offsets(%run_scoped3A_5 : memref<128xi32, #tpu.memory_space<vmem>>) semaphore(%run_scoped3A_312 : memref<!tpu.dma_semaphore, #tpu.memory_space<semaphore_mem>>) {add = true}
        %dma_wait3A_316 = arith.constant 0 : i32
        %dma_wait3A_317 = arith.constant 0 : i32
        %dma_wait3A_318 = tpu.memref_slice %arg6[%dma_wait3A_316, %dma_wait3A_317] : memref<10240x128xf32, #tpu.memory_space<vmem_shared>> -> memref<10240x128xf32, #tpu.memory_space<vmem_shared>>
        tpu.wait_indirect_dma semaphore(%run_scoped3A_312 : memref<!tpu.dma_semaphore, #tpu.memory_space<semaphore_mem>>) src(%run_scoped3A : memref<128x128xf32, #tpu.memory_space<vmem>>) dst(%dma_wait3A_318 : memref<10240x128xf32, #tpu.memory_space<vmem_shared>>)
        tpu.yield
      }) : () -> ()
      %add3A_254 = arith.constant 79 : i32
      %add3A_255 = arith.addi %mul3A_17, %add3A_254 : i32
      %mul3A_256 = arith.constant 128 : i32
      %mul3A_257 = arith.muli %add3A_255, %mul3A_256 : i32
      %multiple_of3A_258 = tpu.assume_multiple %mul3A_257, 8 : i32
      %dma_start3A_259 = tpu.memref_slice %arg3[%multiple_of3A_258] : memref<327680xi32, #tpu.memory_space<hbm>> -> memref<128xi32, #tpu.memory_space<hbm>>
      %dma_start3A_260 = tpu.memref_slice %arg3[%multiple_of3A_258] : memref<327680xi32, #tpu.memory_space<hbm>> -> memref<128xi32, #tpu.memory_space<hbm>>
      tpu.enqueue_dma source(%dma_start3A_260 : memref<128xi32, #tpu.memory_space<hbm>>) target(%run_scoped3A_4 : memref<128xi32, #tpu.memory_space<vmem>>) target_semaphore(%run_scoped3A_12 : memref<!tpu.dma_semaphore, #tpu.memory_space<semaphore_mem>>)
      %add3A_261 = arith.constant 79 : i32
      %add3A_262 = arith.addi %mul3A_17, %add3A_261 : i32
      %mul3A_263 = arith.constant 128 : i32
      %mul3A_264 = arith.muli %add3A_262, %mul3A_263 : i32
      %multiple_of3A_265 = tpu.assume_multiple %mul3A_264, 8 : i32
      %dma_start3A_266 = tpu.memref_slice %arg4[%multiple_of3A_265] : memref<327680xi32, #tpu.memory_space<hbm>> -> memref<128xi32, #tpu.memory_space<hbm>>
      %dma_start3A_267 = tpu.memref_slice %arg4[%multiple_of3A_265] : memref<327680xi32, #tpu.memory_space<hbm>> -> memref<128xi32, #tpu.memory_space<hbm>>
      tpu.enqueue_dma source(%dma_start3A_267 : memref<128xi32, #tpu.memory_space<hbm>>) target(%run_scoped3A_8 : memref<128xi32, #tpu.memory_space<vmem>>) target_semaphore(%run_scoped3A_12 : memref<!tpu.dma_semaphore, #tpu.memory_space<semaphore_mem>>)
      %add3A_268 = arith.constant 78 : i32
      %add3A_269 = arith.addi %mul3A_17, %add3A_268 : i32
      %mul3A_270 = arith.constant 128 : i32
      %mul3A_271 = arith.muli %add3A_269, %mul3A_270 : i32
      %multiple_of3A_272 = tpu.assume_multiple %mul3A_271, 8 : i32
      %dma_wait3A_273 = tpu.memref_slice %arg3[%multiple_of3A_272] : memref<327680xi32, #tpu.memory_space<hbm>> -> memref<128xi32, #tpu.memory_space<hbm>>
      %dma_wait3A_274 = tpu.memref_slice %arg3[%multiple_of3A_272] : memref<327680xi32, #tpu.memory_space<hbm>> -> memref<128xi32, #tpu.memory_space<hbm>>
      tpu.wait_dma2 semaphore(%run_scoped3A_11 : memref<!tpu.dma_semaphore, #tpu.memory_space<semaphore_mem>>) src(%dma_wait3A_274 : memref<128xi32, #tpu.memory_space<hbm>>) dst(%run_scoped3A_3 : memref<128xi32, #tpu.memory_space<vmem>>)
      %add3A_275 = arith.constant 78 : i32
      %add3A_276 = arith.addi %mul3A_17, %add3A_275 : i32
      %mul3A_277 = arith.constant 128 : i32
      %mul3A_278 = arith.muli %add3A_276, %mul3A_277 : i32
      %multiple_of3A_279 = tpu.assume_multiple %mul3A_278, 8 : i32
      %dma_wait3A_280 = tpu.memref_slice %arg4[%multiple_of3A_279] : memref<327680xi32, #tpu.memory_space<hbm>> -> memref<128xi32, #tpu.memory_space<hbm>>
      %dma_wait3A_281 = tpu.memref_slice %arg4[%multiple_of3A_279] : memref<327680xi32, #tpu.memory_space<hbm>> -> memref<128xi32, #tpu.memory_space<hbm>>
      tpu.wait_dma2 semaphore(%run_scoped3A_11 : memref<!tpu.dma_semaphore, #tpu.memory_space<semaphore_mem>>) src(%dma_wait3A_281 : memref<128xi32, #tpu.memory_space<hbm>>) dst(%run_scoped3A_7 : memref<128xi32, #tpu.memory_space<vmem>>)
      %dma_start3A_282 = arith.constant 0 : i32
      %dma_start3A_283 = arith.constant 0 : i32
      %dma_start3A_284 = tpu.memref_slice %arg2[%dma_start3A_282, %dma_start3A_283] : memref<10000x128xf32, #tpu.memory_space<hbm>> -> memref<10000x128xf32, #tpu.memory_space<hbm>>
      tpu.enqueue_indirect_dma source(%dma_start3A_284 : memref<10000x128xf32, #tpu.memory_space<hbm>>) target(%run_scoped3A : memref<128x128xf32, #tpu.memory_space<vmem>>) offsets(%run_scoped3A_3 : memref<128xi32, #tpu.memory_space<vmem>>) semaphore(%run_scoped3A_13 : memref<!tpu.dma_semaphore, #tpu.memory_space<semaphore_mem>>)
      %dma_wait3A_285 = arith.constant 0 : i32
      %dma_wait3A_286 = arith.constant 0 : i32
      %dma_wait3A_287 = tpu.memref_slice %arg2[%dma_wait3A_285, %dma_wait3A_286] : memref<10000x128xf32, #tpu.memory_space<hbm>> -> memref<10000x128xf32, #tpu.memory_space<hbm>>
      tpu.wait_indirect_dma semaphore(%run_scoped3A_14 : memref<!tpu.dma_semaphore, #tpu.memory_space<semaphore_mem>>) src(%dma_wait3A_287 : memref<10000x128xf32, #tpu.memory_space<hbm>>) dst(%run_scoped3A_0 : memref<128x128xf32, #tpu.memory_space<vmem>>)
      "tpu.region"() ({
        %run_scoped3A_312 = tpu.sem_alloc : memref<!tpu.dma_semaphore, #tpu.memory_space<semaphore_mem>>
        %dma_start3A_313 = arith.constant 0 : i32
        %dma_start3A_314 = arith.constant 0 : i32
        %dma_start3A_315 = tpu.memref_slice %arg6[%dma_start3A_313, %dma_start3A_314] : memref<10240x128xf32, #tpu.memory_space<vmem_shared>> -> memref<10240x128xf32, #tpu.memory_space<vmem_shared>>
        tpu.enqueue_indirect_dma source(%run_scoped3A_0 : memref<128x128xf32, #tpu.memory_space<vmem>>) target(%dma_start3A_315 : memref<10240x128xf32, #tpu.memory_space<vmem_shared>>) offsets(%run_scoped3A_6 : memref<128xi32, #tpu.memory_space<vmem>>) semaphore(%run_scoped3A_312 : memref<!tpu.dma_semaphore, #tpu.memory_space<semaphore_mem>>) {add = true}
        %dma_wait3A_316 = arith.constant 0 : i32
        %dma_wait3A_317 = arith.constant 0 : i32
        %dma_wait3A_318 = tpu.memref_slice %arg6[%dma_wait3A_316, %dma_wait3A_317] : memref<10240x128xf32, #tpu.memory_space<vmem_shared>> -> memref<10240x128xf32, #tpu.memory_space<vmem_shared>>
        tpu.wait_indirect_dma semaphore(%run_scoped3A_312 : memref<!tpu.dma_semaphore, #tpu.memory_space<semaphore_mem>>) src(%run_scoped3A_0 : memref<128x128xf32, #tpu.memory_space<vmem>>) dst(%dma_wait3A_318 : memref<10240x128xf32, #tpu.memory_space<vmem_shared>>)
        tpu.yield
      }) : () -> ()
      %add3A_288 = arith.constant 79 : i32
      %add3A_289 = arith.addi %mul3A_17, %add3A_288 : i32
      %mul3A_290 = arith.constant 128 : i32
      %mul3A_291 = arith.muli %add3A_289, %mul3A_290 : i32
      %multiple_of3A_292 = tpu.assume_multiple %mul3A_291, 8 : i32
      %dma_wait3A_293 = tpu.memref_slice %arg3[%multiple_of3A_292] : memref<327680xi32, #tpu.memory_space<hbm>> -> memref<128xi32, #tpu.memory_space<hbm>>
      %dma_wait3A_294 = tpu.memref_slice %arg3[%multiple_of3A_292] : memref<327680xi32, #tpu.memory_space<hbm>> -> memref<128xi32, #tpu.memory_space<hbm>>
      tpu.wait_dma2 semaphore(%run_scoped3A_12 : memref<!tpu.dma_semaphore, #tpu.memory_space<semaphore_mem>>) src(%dma_wait3A_294 : memref<128xi32, #tpu.memory_space<hbm>>) dst(%run_scoped3A_4 : memref<128xi32, #tpu.memory_space<vmem>>)
      %add3A_295 = arith.constant 79 : i32
      %add3A_296 = arith.addi %mul3A_17, %add3A_295 : i32
      %mul3A_297 = arith.constant 128 : i32
      %mul3A_298 = arith.muli %add3A_296, %mul3A_297 : i32
      %multiple_of3A_299 = tpu.assume_multiple %mul3A_298, 8 : i32
      %dma_wait3A_300 = tpu.memref_slice %arg4[%multiple_of3A_299] : memref<327680xi32, #tpu.memory_space<hbm>> -> memref<128xi32, #tpu.memory_space<hbm>>
      %dma_wait3A_301 = tpu.memref_slice %arg4[%multiple_of3A_299] : memref<327680xi32, #tpu.memory_space<hbm>> -> memref<128xi32, #tpu.memory_space<hbm>>
      tpu.wait_dma2 semaphore(%run_scoped3A_12 : memref<!tpu.dma_semaphore, #tpu.memory_space<semaphore_mem>>) src(%dma_wait3A_301 : memref<128xi32, #tpu.memory_space<hbm>>) dst(%run_scoped3A_8 : memref<128xi32, #tpu.memory_space<vmem>>)
      %dma_start3A_302 = arith.constant 0 : i32
      %dma_start3A_303 = arith.constant 0 : i32
      %dma_start3A_304 = tpu.memref_slice %arg2[%dma_start3A_302, %dma_start3A_303] : memref<10000x128xf32, #tpu.memory_space<hbm>> -> memref<10000x128xf32, #tpu.memory_space<hbm>>
      tpu.enqueue_indirect_dma source(%dma_start3A_304 : memref<10000x128xf32, #tpu.memory_space<hbm>>) target(%run_scoped3A_0 : memref<128x128xf32, #tpu.memory_space<vmem>>) offsets(%run_scoped3A_4 : memref<128xi32, #tpu.memory_space<vmem>>) semaphore(%run_scoped3A_14 : memref<!tpu.dma_semaphore, #tpu.memory_space<semaphore_mem>>)
      %dma_wait3A_305 = arith.constant 0 : i32
      %dma_wait3A_306 = arith.constant 0 : i32
      %dma_wait3A_307 = tpu.memref_slice %arg2[%dma_wait3A_305, %dma_wait3A_306] : memref<10000x128xf32, #tpu.memory_space<hbm>> -> memref<10000x128xf32, #tpu.memory_space<hbm>>
      tpu.wait_indirect_dma semaphore(%run_scoped3A_13 : memref<!tpu.dma_semaphore, #tpu.memory_space<semaphore_mem>>) src(%dma_wait3A_307 : memref<10000x128xf32, #tpu.memory_space<hbm>>) dst(%run_scoped3A : memref<128x128xf32, #tpu.memory_space<vmem>>)
      "tpu.region"() ({
        %run_scoped3A_312 = tpu.sem_alloc : memref<!tpu.dma_semaphore, #tpu.memory_space<semaphore_mem>>
        %dma_start3A_313 = arith.constant 0 : i32
        %dma_start3A_314 = arith.constant 0 : i32
        %dma_start3A_315 = tpu.memref_slice %arg6[%dma_start3A_313, %dma_start3A_314] : memref<10240x128xf32, #tpu.memory_space<vmem_shared>> -> memref<10240x128xf32, #tpu.memory_space<vmem_shared>>
        tpu.enqueue_indirect_dma source(%run_scoped3A : memref<128x128xf32, #tpu.memory_space<vmem>>) target(%dma_start3A_315 : memref<10240x128xf32, #tpu.memory_space<vmem_shared>>) offsets(%run_scoped3A_7 : memref<128xi32, #tpu.memory_space<vmem>>) semaphore(%run_scoped3A_312 : memref<!tpu.dma_semaphore, #tpu.memory_space<semaphore_mem>>) {add = true}
        %dma_wait3A_316 = arith.constant 0 : i32
        %dma_wait3A_317 = arith.constant 0 : i32
        %dma_wait3A_318 = tpu.memref_slice %arg6[%dma_wait3A_316, %dma_wait3A_317] : memref<10240x128xf32, #tpu.memory_space<vmem_shared>> -> memref<10240x128xf32, #tpu.memory_space<vmem_shared>>
        tpu.wait_indirect_dma semaphore(%run_scoped3A_312 : memref<!tpu.dma_semaphore, #tpu.memory_space<semaphore_mem>>) src(%run_scoped3A : memref<128x128xf32, #tpu.memory_space<vmem>>) dst(%dma_wait3A_318 : memref<10240x128xf32, #tpu.memory_space<vmem_shared>>)
        tpu.yield
      }) : () -> ()
      %dma_wait3A_308 = arith.constant 0 : i32
      %dma_wait3A_309 = arith.constant 0 : i32
      %dma_wait3A_310 = tpu.memref_slice %arg2[%dma_wait3A_308, %dma_wait3A_309] : memref<10000x128xf32, #tpu.memory_space<hbm>> -> memref<10000x128xf32, #tpu.memory_space<hbm>>
      tpu.wait_indirect_dma semaphore(%run_scoped3A_14 : memref<!tpu.dma_semaphore, #tpu.memory_space<semaphore_mem>>) src(%dma_wait3A_310 : memref<10000x128xf32, #tpu.memory_space<hbm>>) dst(%run_scoped3A_0 : memref<128x128xf32, #tpu.memory_space<vmem>>)
      "tpu.region"() ({
        %run_scoped3A_312 = tpu.sem_alloc : memref<!tpu.dma_semaphore, #tpu.memory_space<semaphore_mem>>
        %dma_start3A_313 = arith.constant 0 : i32
        %dma_start3A_314 = arith.constant 0 : i32
        %dma_start3A_315 = tpu.memref_slice %arg6[%dma_start3A_313, %dma_start3A_314] : memref<10240x128xf32, #tpu.memory_space<vmem_shared>> -> memref<10240x128xf32, #tpu.memory_space<vmem_shared>>
        tpu.enqueue_indirect_dma source(%run_scoped3A_0 : memref<128x128xf32, #tpu.memory_space<vmem>>) target(%dma_start3A_315 : memref<10240x128xf32, #tpu.memory_space<vmem_shared>>) offsets(%run_scoped3A_8 : memref<128xi32, #tpu.memory_space<vmem>>) semaphore(%run_scoped3A_312 : memref<!tpu.dma_semaphore, #tpu.memory_space<semaphore_mem>>) {add = true}
        %dma_wait3A_316 = arith.constant 0 : i32
        %dma_wait3A_317 = arith.constant 0 : i32
        %dma_wait3A_318 = tpu.memref_slice %arg6[%dma_wait3A_316, %dma_wait3A_317] : memref<10240x128xf32, #tpu.memory_space<vmem_shared>> -> memref<10240x128xf32, #tpu.memory_space<vmem_shared>>
        tpu.wait_indirect_dma semaphore(%run_scoped3A_312 : memref<!tpu.dma_semaphore, #tpu.memory_space<semaphore_mem>>) src(%run_scoped3A_0 : memref<128x128xf32, #tpu.memory_space<vmem>>) dst(%dma_wait3A_318 : memref<10240x128xf32, #tpu.memory_space<vmem_shared>>)
        tpu.yield
      }) : () -> ()
      %barrier3A_311 = arith.constant 0 : index
      tpu.barrier barrier_id(%barrier3A_311)
      "tpu.region"() ({
        %run_scoped3A_312 = tpu.sem_alloc : memref<!tpu.dma_semaphore, #tpu.memory_space<semaphore_mem>>
        %dma_start3A_313 = arith.constant 0 : i32
        %dma_start3A_314 = tpu.memref_slice %arg5[%arg0, %mul3A_25, %dma_start3A_313] : memref<2x10240x128xf32, #tpu.memory_space<hbm>> -> memref<1x640x128xf32, #tpu.memory_space<hbm>>
        %dma_start3A_315 = tpu.memref_squeeze %dma_start3A_314 : memref<1x640x128xf32, #tpu.memory_space<hbm>> -> memref<640x128xf32, #tpu.memory_space<hbm>>
        %dma_start3A_316 = arith.constant 0 : i32
        %dma_start3A_317 = tpu.memref_slice %arg6[%mul3A_25, %dma_start3A_316] : memref<10240x128xf32, #tpu.memory_space<vmem_shared>> -> memref<640x128xf32, #tpu.memory_space<vmem_shared>>
        tpu.enqueue_dma source(%dma_start3A_317 : memref<640x128xf32, #tpu.memory_space<vmem_shared>>) target(%dma_start3A_315 : memref<640x128xf32, #tpu.memory_space<hbm>>) target_semaphore(%run_scoped3A_312 : memref<!tpu.dma_semaphore, #tpu.memory_space<semaphore_mem>>)
        %dma_wait3A_318 = arith.constant 0 : i32
        %dma_wait3A_319 = tpu.memref_slice %arg5[%arg0, %mul3A_25, %dma_wait3A_318] : memref<2x10240x128xf32, #tpu.memory_space<hbm>> -> memref<1x640x128xf32, #tpu.memory_space<hbm>>
        %dma_wait3A_320 = tpu.memref_squeeze %dma_wait3A_319 : memref<1x640x128xf32, #tpu.memory_space<hbm>> -> memref<640x128xf32, #tpu.memory_space<hbm>>
        %dma_wait3A_321 = arith.constant 0 : i32
        %dma_wait3A_322 = tpu.memref_slice %arg6[%mul3A_25, %dma_wait3A_321] : memref<10240x128xf32, #tpu.memory_space<vmem_shared>> -> memref<640x128xf32, #tpu.memory_space<vmem_shared>>
        tpu.wait_dma2 semaphore(%run_scoped3A_312 : memref<!tpu.dma_semaphore, #tpu.memory_space<semaphore_mem>>) src(%dma_wait3A_322 : memref<640x128xf32, #tpu.memory_space<vmem_shared>>) dst(%dma_wait3A_320 : memref<640x128xf32, #tpu.memory_space<hbm>>)
        tpu.yield
      }) : () -> ()
      tpu.yield
    }) : () -> ()
    return
  }
}

#map = affine_map<(d0, d1) -> (0, 0)>
#map1 = affine_map<(d0, d1) -> (0)>
#map2 = affine_map<(d0, d1) -> (0, 0, 0)>
module attributes {stable_mosaic.version = 14 : i64} {
  func.func @seg_kernel(%arg0: i32, %arg1: i32, %arg2: memref<10000x128xf32, #tpu.memory_space<hbm>>, %arg3: memref<327680xi32, #tpu.memory_space<hbm>>, %arg4: memref<327680xi32, #tpu.memory_space<hbm>>, %arg5: memref<2x10240x128xf32, #tpu.memory_space<hbm>>, %arg6: memref<10240x128xf32, #tpu.memory_space<vmem_shared>>) attributes {dimension_semantics = [#tpu.dimension_semantics<core_parallel>, #tpu.dimension_semantics<subcore_parallel>], iteration_bounds = array<i64: 2, 16>, scalar_prefetch = 0 : i64, scratch_operands = 1 : i64, tpu.core_type = #tpu.core_type<sc_vector_subcore>, window_params = [{transform_indices = #map}, {transform_indices = #map1}, {transform_indices = #map1}, {transform_indices = #map2}]} {
    "tpu.region"() ({
      %run_scoped3A = memref.alloca() : memref<128x128xf32, #tpu.memory_space<vmem>>
      %run_scoped3A_0 = memref.alloca() : memref<128x128xf32, #tpu.memory_space<vmem>>
      %run_scoped3A_1 = memref.alloca() : memref<128xi32, #tpu.memory_space<vmem>>
      %run_scoped3A_2 = memref.alloca() : memref<128xi32, #tpu.memory_space<vmem>>
      %run_scoped3A_3 = memref.alloca() : memref<128xi32, #tpu.memory_space<vmem>>
      %run_scoped3A_4 = memref.alloca() : memref<128xi32, #tpu.memory_space<vmem>>
      %run_scoped3A_5 = memref.alloca() : memref<128xi32, #tpu.memory_space<vmem>>
      %run_scoped3A_6 = memref.alloca() : memref<128xi32, #tpu.memory_space<vmem>>
      %run_scoped3A_7 = memref.alloca() : memref<128xi32, #tpu.memory_space<vmem>>
      %run_scoped3A_8 = memref.alloca() : memref<128xi32, #tpu.memory_space<vmem>>
      %run_scoped3A_9 = tpu.sem_alloc : memref<!tpu.dma_semaphore, #tpu.memory_space<semaphore_mem>>
      %run_scoped3A_10 = tpu.sem_alloc : memref<!tpu.dma_semaphore, #tpu.memory_space<semaphore_mem>>
      %run_scoped3A_11 = tpu.sem_alloc : memref<!tpu.dma_semaphore, #tpu.memory_space<semaphore_mem>>
      %run_scoped3A_12 = tpu.sem_alloc : memref<!tpu.dma_semaphore, #tpu.memory_space<semaphore_mem>>
      %run_scoped3A_13 = tpu.sem_alloc : memref<!tpu.dma_semaphore, #tpu.memory_space<semaphore_mem>>
      %run_scoped3A_14 = tpu.sem_alloc : memref<!tpu.dma_semaphore, #tpu.memory_space<semaphore_mem>>
      %mul3A = arith.constant 16 : i32
      %mul3A_15 = arith.muli %arg0, %mul3A : i32
      %add3A = arith.addi %mul3A_15, %arg1 : i32
      %mul3A_16 = arith.constant 80 : i32
      %mul3A_17 = arith.muli %add3A, %mul3A_16 : i32
      %broadcast_in_dim3A = arith.constant 0.000000e+00 : f32
      %broadcast_in_dim3A_18 = vector.broadcast %broadcast_in_dim3A : f32 to vector<16xf32>
      %scan3A = arith.constant 0 : i32
      %scan3A_19 = arith.constant 0 : i32
      %scan3A_20 = arith.constant 128 : i32
      %scan3A_21 = arith.addi %scan3A_19, %scan3A_20 : i32
      %scan3A_22 = arith.constant 1 : i32
      scf.for %scan3A_312 = %scan3A_19 to %scan3A_21 step %scan3A_22  : i32 {
        %swap3A = arith.index_cast %scan3A_312 : i32 to index
        %swap3A_313 = arith.constant 0 : index
        %swap3A_314 = tpu.vector_load %run_scoped3A[%swap3A, %swap3A_313] {strides = array<i32>} : memref<128x128xf32, #tpu.memory_space<vmem>>, vector<1x16xf32>,
        %swap3A_315 = vector.shape_cast %swap3A_314 : vector<1x16xf32> to vector<16xf32>
        %swap3A_316 = vector.shape_cast %broadcast_in_dim3A_18 : vector<16xf32> to vector<1x16xf32>
        tpu.vector_store %run_scoped3A[%swap3A, %swap3A_313], %swap3A_316 {strides = array<i32>} : memref<128x128xf32, #tpu.memory_space<vmem>>, vector<1x16xf32>,
        %swap3A_317 = arith.index_cast %scan3A_312 : i32 to index
        %swap3A_318 = arith.constant 16 : index
        %swap3A_319 = tpu.vector_load %run_scoped3A[%swap3A_317, %swap3A_318] {strides = array<i32>} : memref<128x128xf32, #tpu.memory_space<vmem>>, vector<1x16xf32>,
        %swap3A_320 = vector.shape_cast %swap3A_319 : vector<1x16xf32> to vector<16xf32>
        %swap3A_321 = vector.shape_cast %broadcast_in_dim3A_18 : vector<16xf32> to vector<1x16xf32>
        tpu.vector_store %run_scoped3A[%swap3A_317, %swap3A_318], %swap3A_321 {strides = array<i32>} : memref<128x128xf32, #tpu.memory_space<vmem>>, vector<1x16xf32>,
        %swap3A_322 = arith.index_cast %scan3A_312 : i32 to index
        %swap3A_323 = arith.constant 32 : index
        %swap3A_324 = tpu.vector_load %run_scoped3A[%swap3A_322, %swap3A_323] {strides = array<i32>} : memref<128x128xf32, #tpu.memory_space<vmem>>, vector<1x16xf32>,
        %swap3A_325 = vector.shape_cast %swap3A_324 : vector<1x16xf32> to vector<16xf32>
        %swap3A_326 = vector.shape_cast %broadcast_in_dim3A_18 : vector<16xf32> to vector<1x16xf32>
        tpu.vector_store %run_scoped3A[%swap3A_322, %swap3A_323], %swap3A_326 {strides = array<i32>} : memref<128x128xf32, #tpu.memory_space<vmem>>, vector<1x16xf32>,
        %swap3A_327 = arith.index_cast %scan3A_312 : i32 to index
        %swap3A_328 = arith.constant 48 : index
        %swap3A_329 = tpu.vector_load %run_scoped3A[%swap3A_327, %swap3A_328] {strides = array<i32>} : memref<128x128xf32, #tpu.memory_space<vmem>>, vector<1x16xf32>,
        %swap3A_330 = vector.shape_cast %swap3A_329 : vector<1x16xf32> to vector<16xf32>
        %swap3A_331 = vector.shape_cast %broadcast_in_dim3A_18 : vector<16xf32> to vector<1x16xf32>
        tpu.vector_store %run_scoped3A[%swap3A_327, %swap3A_328], %swap3A_331 {strides = array<i32>} : memref<128x128xf32, #tpu.memory_space<vmem>>, vector<1x16xf32>,
        %swap3A_332 = arith.index_cast %scan3A_312 : i32 to index
        %swap3A_333 = arith.constant 64 : index
        %swap3A_334 = tpu.vector_load %run_scoped3A[%swap3A_332, %swap3A_333] {strides = array<i32>} : memref<128x128xf32, #tpu.memory_space<vmem>>, vector<1x16xf32>,
        %swap3A_335 = vector.shape_cast %swap3A_334 : vector<1x16xf32> to vector<16xf32>
        %swap3A_336 = vector.shape_cast %broadcast_in_dim3A_18 : vector<16xf32> to vector<1x16xf32>
        tpu.vector_store %run_scoped3A[%swap3A_332, %swap3A_333], %swap3A_336 {strides = array<i32>} : memref<128x128xf32, #tpu.memory_space<vmem>>, vector<1x16xf32>,
        %swap3A_337 = arith.index_cast %scan3A_312 : i32 to index
        %swap3A_338 = arith.constant 80 : index
        %swap3A_339 = tpu.vector_load %run_scoped3A[%swap3A_337, %swap3A_338] {strides = array<i32>} : memref<128x128xf32, #tpu.memory_space<vmem>>, vector<1x16xf32>,
        %swap3A_340 = vector.shape_cast %swap3A_339 : vector<1x16xf32> to vector<16xf32>
        %swap3A_341 = vector.shape_cast %broadcast_in_dim3A_18 : vector<16xf32> to vector<1x16xf32>
        tpu.vector_store %run_scoped3A[%swap3A_337, %swap3A_338], %swap3A_341 {strides = array<i32>} : memref<128x128xf32, #tpu.memory_space<vmem>>, vector<1x16xf32>,
        %swap3A_342 = arith.index_cast %scan3A_312 : i32 to index
        %swap3A_343 = arith.constant 96 : index
        %swap3A_344 = tpu.vector_load %run_scoped3A[%swap3A_342, %swap3A_343] {strides = array<i32>} : memref<128x128xf32, #tpu.memory_space<vmem>>, vector<1x16xf32>,
        %swap3A_345 = vector.shape_cast %swap3A_344 : vector<1x16xf32> to vector<16xf32>
        %swap3A_346 = vector.shape_cast %broadcast_in_dim3A_18 : vector<16xf32> to vector<1x16xf32>
        tpu.vector_store %run_scoped3A[%swap3A_342, %swap3A_343], %swap3A_346 {strides = array<i32>} : memref<128x128xf32, #tpu.memory_space<vmem>>, vector<1x16xf32>,
        %swap3A_347 = arith.index_cast %scan3A_312 : i32 to index
        %swap3A_348 = arith.constant 112 : index
        %swap3A_349 = tpu.vector_load %run_scoped3A[%swap3A_347, %swap3A_348] {strides = array<i32>} : memref<128x128xf32, #tpu.memory_space<vmem>>, vector<1x16xf32>,
        %swap3A_350 = vector.shape_cast %swap3A_349 : vector<1x16xf32> to vector<16xf32>
        %swap3A_351 = vector.shape_cast %broadcast_in_dim3A_18 : vector<16xf32> to vector<1x16xf32>
        tpu.vector_store %run_scoped3A[%swap3A_347, %swap3A_348], %swap3A_351 {strides = array<i32>} : memref<128x128xf32, #tpu.memory_space<vmem>>, vector<1x16xf32>,
      }
      %scan3A_23 = arith.constant 128 : i32
      %mul3A_24 = arith.constant 640 : i32
      %mul3A_25 = arith.muli %arg1, %mul3A_24 : i32
      %add3A_26 = arith.constant 0 : i32
      %add3A_27 = arith.addi %mul3A_25, %add3A_26 : i32
      "tpu.region"() ({
        %run_scoped3A_312 = tpu.sem_alloc : memref<!tpu.dma_semaphore, #tpu.memory_space<semaphore_mem>>
        %dma_start3A_313 = arith.constant 0 : i32
        %dma_start3A_314 = tpu.memref_slice %arg6[%add3A_27, %dma_start3A_313] : memref<10240x128xf32, #tpu.memory_space<vmem_shared>> -> memref<128x128xf32, #tpu.memory_space<vmem_shared>>
        %dma_start3A_315 = arith.constant 0 : i32
        %dma_start3A_316 = tpu.memref_slice %arg6[%add3A_27, %dma_start3A_315] : memref<10240x128xf32, #tpu.memory_space<vmem_shared>> -> memref<128x128xf32, #tpu.memory_space<vmem_shared>>
        tpu.enqueue_dma source(%run_scoped3A : memref<128x128xf32, #tpu.memory_space<vmem>>) target(%dma_start3A_316 : memref<128x128xf32, #tpu.memory_space<vmem_shared>>) target_semaphore(%run_scoped3A_312 : memref<!tpu.dma_semaphore, #tpu.memory_space<semaphore_mem>>)
        %dma_wait3A_317 = arith.constant 0 : i32
        %dma_wait3A_318 = tpu.memref_slice %arg6[%add3A_27, %dma_wait3A_317] : memref<10240x128xf32, #tpu.memory_space<vmem_shared>> -> memref<128x128xf32, #tpu.memory_space<vmem_shared>>
        %dma_wait3A_319 = arith.constant 0 : i32
        %dma_wait3A_320 = tpu.memref_slice %arg6[%add3A_27, %dma_wait3A_319] : memref<10240x128xf32, #tpu.memory_space<vmem_shared>> -> memref<128x128xf32, #tpu.memory_space<vmem_shared>>
        tpu.wait_dma2 semaphore(%run_scoped3A_312 : memref<!tpu.dma_semaphore, #tpu.memory_space<semaphore_mem>>) src(%run_scoped3A : memref<128x128xf32, #tpu.memory_space<vmem>>) dst(%dma_wait3A_320 : memref<128x128xf32, #tpu.memory_space<vmem_shared>>)
        tpu.yield
      }) : () -> ()
      %add3A_28 = arith.constant 128 : i32
      %add3A_29 = arith.addi %mul3A_25, %add3A_28 : i32
      "tpu.region"() ({
        %run_scoped3A_312 = tpu.sem_alloc : memref<!tpu.dma_semaphore, #tpu.memory_space<semaphore_mem>>
        %dma_start3A_313 = arith.constant 0 : i32
        %dma_start3A_314 = tpu.memref_slice %arg6[%add3A_29, %dma_start3A_313] : memref<10240x128xf32, #tpu.memory_space<vmem_shared>> -> memref<128x128xf32, #tpu.memory_space<vmem_shared>>
        %dma_start3A_315 = arith.constant 0 : i32
        %dma_start3A_316 = tpu.memref_slice %arg6[%add3A_29, %dma_start3A_315] : memref<10240x128xf32, #tpu.memory_space<vmem_shared>> -> memref<128x128xf32, #tpu.memory_space<vmem_shared>>
        tpu.enqueue_dma source(%run_scoped3A : memref<128x128xf32, #tpu.memory_space<vmem>>) target(%dma_start3A_316 : memref<128x128xf32, #tpu.memory_space<vmem_shared>>) target_semaphore(%run_scoped3A_312 : memref<!tpu.dma_semaphore, #tpu.memory_space<semaphore_mem>>)
        %dma_wait3A_317 = arith.constant 0 : i32
        %dma_wait3A_318 = tpu.memref_slice %arg6[%add3A_29, %dma_wait3A_317] : memref<10240x128xf32, #tpu.memory_space<vmem_shared>> -> memref<128x128xf32, #tpu.memory_space<vmem_shared>>
        %dma_wait3A_319 = arith.constant 0 : i32
        %dma_wait3A_320 = tpu.memref_slice %arg6[%add3A_29, %dma_wait3A_319] : memref<10240x128xf32, #tpu.memory_space<vmem_shared>> -> memref<128x128xf32, #tpu.memory_space<vmem_shared>>
        tpu.wait_dma2 semaphore(%run_scoped3A_312 : memref<!tpu.dma_semaphore, #tpu.memory_space<semaphore_mem>>) src(%run_scoped3A : memref<128x128xf32, #tpu.memory_space<vmem>>) dst(%dma_wait3A_320 : memref<128x128xf32, #tpu.memory_space<vmem_shared>>)
        tpu.yield
      }) : () -> ()
      %add3A_30 = arith.constant 256 : i32
      %add3A_31 = arith.addi %mul3A_25, %add3A_30 : i32
      "tpu.region"() ({
        %run_scoped3A_312 = tpu.sem_alloc : memref<!tpu.dma_semaphore, #tpu.memory_space<semaphore_mem>>
        %dma_start3A_313 = arith.constant 0 : i32
        %dma_start3A_314 = tpu.memref_slice %arg6[%add3A_31, %dma_start3A_313] : memref<10240x128xf32, #tpu.memory_space<vmem_shared>> -> memref<128x128xf32, #tpu.memory_space<vmem_shared>>
        %dma_start3A_315 = arith.constant 0 : i32
        %dma_start3A_316 = tpu.memref_slice %arg6[%add3A_31, %dma_start3A_315] : memref<10240x128xf32, #tpu.memory_space<vmem_shared>> -> memref<128x128xf32, #tpu.memory_space<vmem_shared>>
        tpu.enqueue_dma source(%run_scoped3A : memref<128x128xf32, #tpu.memory_space<vmem>>) target(%dma_start3A_316 : memref<128x128xf32, #tpu.memory_space<vmem_shared>>) target_semaphore(%run_scoped3A_312 : memref<!tpu.dma_semaphore, #tpu.memory_space<semaphore_mem>>)
        %dma_wait3A_317 = arith.constant 0 : i32
        %dma_wait3A_318 = tpu.memref_slice %arg6[%add3A_31, %dma_wait3A_317] : memref<10240x128xf32, #tpu.memory_space<vmem_shared>> -> memref<128x128xf32, #tpu.memory_space<vmem_shared>>
        %dma_wait3A_319 = arith.constant 0 : i32
        %dma_wait3A_320 = tpu.memref_slice %arg6[%add3A_31, %dma_wait3A_319] : memref<10240x128xf32, #tpu.memory_space<vmem_shared>> -> memref<128x128xf32, #tpu.memory_space<vmem_shared>>
        tpu.wait_dma2 semaphore(%run_scoped3A_312 : memref<!tpu.dma_semaphore, #tpu.memory_space<semaphore_mem>>) src(%run_scoped3A : memref<128x128xf32, #tpu.memory_space<vmem>>) dst(%dma_wait3A_320 : memref<128x128xf32, #tpu.memory_space<vmem_shared>>)
        tpu.yield
      }) : () -> ()
      %add3A_32 = arith.constant 384 : i32
      %add3A_33 = arith.addi %mul3A_25, %add3A_32 : i32
      "tpu.region"() ({
        %run_scoped3A_312 = tpu.sem_alloc : memref<!tpu.dma_semaphore, #tpu.memory_space<semaphore_mem>>
        %dma_start3A_313 = arith.constant 0 : i32
        %dma_start3A_314 = tpu.memref_slice %arg6[%add3A_33, %dma_start3A_313] : memref<10240x128xf32, #tpu.memory_space<vmem_shared>> -> memref<128x128xf32, #tpu.memory_space<vmem_shared>>
        %dma_start3A_315 = arith.constant 0 : i32
        %dma_start3A_316 = tpu.memref_slice %arg6[%add3A_33, %dma_start3A_315] : memref<10240x128xf32, #tpu.memory_space<vmem_shared>> -> memref<128x128xf32, #tpu.memory_space<vmem_shared>>
        tpu.enqueue_dma source(%run_scoped3A : memref<128x128xf32, #tpu.memory_space<vmem>>) target(%dma_start3A_316 : memref<128x128xf32, #tpu.memory_space<vmem_shared>>) target_semaphore(%run_scoped3A_312 : memref<!tpu.dma_semaphore, #tpu.memory_space<semaphore_mem>>)
        %dma_wait3A_317 = arith.constant 0 : i32
        %dma_wait3A_318 = tpu.memref_slice %arg6[%add3A_33, %dma_wait3A_317] : memref<10240x128xf32, #tpu.memory_space<vmem_shared>> -> memref<128x128xf32, #tpu.memory_space<vmem_shared>>
        %dma_wait3A_319 = arith.constant 0 : i32
        %dma_wait3A_320 = tpu.memref_slice %arg6[%add3A_33, %dma_wait3A_319] : memref<10240x128xf32, #tpu.memory_space<vmem_shared>> -> memref<128x128xf32, #tpu.memory_space<vmem_shared>>
        tpu.wait_dma2 semaphore(%run_scoped3A_312 : memref<!tpu.dma_semaphore, #tpu.memory_space<semaphore_mem>>) src(%run_scoped3A : memref<128x128xf32, #tpu.memory_space<vmem>>) dst(%dma_wait3A_320 : memref<128x128xf32, #tpu.memory_space<vmem_shared>>)
        tpu.yield
      }) : () -> ()
      %add3A_34 = arith.constant 512 : i32
      %add3A_35 = arith.addi %mul3A_25, %add3A_34 : i32
      "tpu.region"() ({
        %run_scoped3A_312 = tpu.sem_alloc : memref<!tpu.dma_semaphore, #tpu.memory_space<semaphore_mem>>
        %dma_start3A_313 = arith.constant 0 : i32
        %dma_start3A_314 = tpu.memref_slice %arg6[%add3A_35, %dma_start3A_313] : memref<10240x128xf32, #tpu.memory_space<vmem_shared>> -> memref<128x128xf32, #tpu.memory_space<vmem_shared>>
        %dma_start3A_315 = arith.constant 0 : i32
        %dma_start3A_316 = tpu.memref_slice %arg6[%add3A_35, %dma_start3A_315] : memref<10240x128xf32, #tpu.memory_space<vmem_shared>> -> memref<128x128xf32, #tpu.memory_space<vmem_shared>>
        tpu.enqueue_dma source(%run_scoped3A : memref<128x128xf32, #tpu.memory_space<vmem>>) target(%dma_start3A_316 : memref<128x128xf32, #tpu.memory_space<vmem_shared>>) target_semaphore(%run_scoped3A_312 : memref<!tpu.dma_semaphore, #tpu.memory_space<semaphore_mem>>)
        %dma_wait3A_317 = arith.constant 0 : i32
        %dma_wait3A_318 = tpu.memref_slice %arg6[%add3A_35, %dma_wait3A_317] : memref<10240x128xf32, #tpu.memory_space<vmem_shared>> -> memref<128x128xf32, #tpu.memory_space<vmem_shared>>
        %dma_wait3A_319 = arith.constant 0 : i32
        %dma_wait3A_320 = tpu.memref_slice %arg6[%add3A_35, %dma_wait3A_319] : memref<10240x128xf32, #tpu.memory_space<vmem_shared>> -> memref<128x128xf32, #tpu.memory_space<vmem_shared>>
        tpu.wait_dma2 semaphore(%run_scoped3A_312 : memref<!tpu.dma_semaphore, #tpu.memory_space<semaphore_mem>>) src(%run_scoped3A : memref<128x128xf32, #tpu.memory_space<vmem>>) dst(%dma_wait3A_320 : memref<128x128xf32, #tpu.memory_space<vmem_shared>>)
        tpu.yield
      }) : () -> ()
      %barrier3A = arith.constant 0 : index
      tpu.barrier barrier_id(%barrier3A)
      %add3A_36 = arith.constant 0 : i32
      %add3A_37 = arith.addi %mul3A_17, %add3A_36 : i32
      %mul3A_38 = arith.constant 128 : i32
      %mul3A_39 = arith.muli %add3A_37, %mul3A_38 : i32
      %multiple_of3A = tpu.assume_multiple %mul3A_39, 8 : i32
      %dma_start3A = tpu.memref_slice %arg3[%multiple_of3A] : memref<327680xi32, #tpu.memory_space<hbm>> -> memref<128xi32, #tpu.memory_space<hbm>>
      %dma_start3A_40 = tpu.memref_slice %arg3[%multiple_of3A] : memref<327680xi32, #tpu.memory_space<hbm>> -> memref<128xi32, #tpu.memory_space<hbm>>
      tpu.enqueue_dma source(%dma_start3A_40 : memref<128xi32, #tpu.memory_space<hbm>>) target(%run_scoped3A_1 : memref<128xi32, #tpu.memory_space<vmem>>) target_semaphore(%run_scoped3A_9 : memref<!tpu.dma_semaphore, #tpu.memory_space<semaphore_mem>>)
      %add3A_41 = arith.constant 0 : i32
      %add3A_42 = arith.addi %mul3A_17, %add3A_41 : i32
      %mul3A_43 = arith.constant 128 : i32
      %mul3A_44 = arith.muli %add3A_42, %mul3A_43 : i32
      %multiple_of3A_45 = tpu.assume_multiple %mul3A_44, 8 : i32
      %dma_start3A_46 = tpu.memref_slice %arg4[%multiple_of3A_45] : memref<327680xi32, #tpu.memory_space<hbm>> -> memref<128xi32, #tpu.memory_space<hbm>>
      %dma_start3A_47 = tpu.memref_slice %arg4[%multiple_of3A_45] : memref<327680xi32, #tpu.memory_space<hbm>> -> memref<128xi32, #tpu.memory_space<hbm>>
      tpu.enqueue_dma source(%dma_start3A_47 : memref<128xi32, #tpu.memory_space<hbm>>) target(%run_scoped3A_5 : memref<128xi32, #tpu.memory_space<vmem>>) target_semaphore(%run_scoped3A_9 : memref<!tpu.dma_semaphore, #tpu.memory_space<semaphore_mem>>)
      %add3A_48 = arith.constant 1 : i32
      %add3A_49 = arith.addi %mul3A_17, %add3A_48 : i32
      %mul3A_50 = arith.constant 128 : i32
      %mul3A_51 = arith.muli %add3A_49, %mul3A_50 : i32
      %multiple_of3A_52 = tpu.assume_multiple %mul3A_51, 8 : i32
      %dma_start3A_53 = tpu.memref_slice %arg3[%multiple_of3A_52] : memref<327680xi32, #tpu.memory_space<hbm>> -> memref<128xi32, #tpu.memory_space<hbm>>
      %dma_start3A_54 = tpu.memref_slice %arg3[%multiple_of3A_52] : memref<327680xi32, #tpu.memory_space<hbm>> -> memref<128xi32, #tpu.memory_space<hbm>>
      tpu.enqueue_dma source(%dma_start3A_54 : memref<128xi32, #tpu.memory_space<hbm>>) target(%run_scoped3A_2 : memref<128xi32, #tpu.memory_space<vmem>>) target_semaphore(%run_scoped3A_10 : memref<!tpu.dma_semaphore, #tpu.memory_space<semaphore_mem>>)
      %add3A_55 = arith.constant 1 : i32
      %add3A_56 = arith.addi %mul3A_17, %add3A_55 : i32
      %mul3A_57 = arith.constant 128 : i32
      %mul3A_58 = arith.muli %add3A_56, %mul3A_57 : i32
      %multiple_of3A_59 = tpu.assume_multiple %mul3A_58, 8 : i32
      %dma_start3A_60 = tpu.memref_slice %arg4[%multiple_of3A_59] : memref<327680xi32, #tpu.memory_space<hbm>> -> memref<128xi32, #tpu.memory_space<hbm>>
      %dma_start3A_61 = tpu.memref_slice %arg4[%multiple_of3A_59] : memref<327680xi32, #tpu.memory_space<hbm>> -> memref<128xi32, #tpu.memory_space<hbm>>
      tpu.enqueue_dma source(%dma_start3A_61 : memref<128xi32, #tpu.memory_space<hbm>>) target(%run_scoped3A_6 : memref<128xi32, #tpu.memory_space<vmem>>) target_semaphore(%run_scoped3A_10 : memref<!tpu.dma_semaphore, #tpu.memory_space<semaphore_mem>>)
      %add3A_62 = arith.constant 0 : i32
      %add3A_63 = arith.addi %mul3A_17, %add3A_62 : i32
      %mul3A_64 = arith.constant 128 : i32
      %mul3A_65 = arith.muli %add3A_63, %mul3A_64 : i32
      %multiple_of3A_66 = tpu.assume_multiple %mul3A_65, 8 : i32
      %dma_wait3A = tpu.memref_slice %arg3[%multiple_of3A_66] : memref<327680xi32, #tpu.memory_space<hbm>> -> memref<128xi32, #tpu.memory_space<hbm>>
      %dma_wait3A_67 = tpu.memref_slice %arg3[%multiple_of3A_66] : memref<327680xi32, #tpu.memory_space<hbm>> -> memref<128xi32, #tpu.memory_space<hbm>>
      tpu.wait_dma2 semaphore(%run_scoped3A_9 : memref<!tpu.dma_semaphore, #tpu.memory_space<semaphore_mem>>) src(%dma_wait3A_67 : memref<128xi32, #tpu.memory_space<hbm>>) dst(%run_scoped3A_1 : memref<128xi32, #tpu.memory_space<vmem>>)
      %add3A_68 = arith.constant 0 : i32
      %add3A_69 = arith.addi %mul3A_17, %add3A_68 : i32
      %mul3A_70 = arith.constant 128 : i32
      %mul3A_71 = arith.muli %add3A_69, %mul3A_70 : i32
      %multiple_of3A_72 = tpu.assume_multiple %mul3A_71, 8 : i32
      %dma_wait3A_73 = tpu.memref_slice %arg4[%multiple_of3A_72] : memref<327680xi32, #tpu.memory_space<hbm>> -> memref<128xi32, #tpu.memory_space<hbm>>
      %dma_wait3A_74 = tpu.memref_slice %arg4[%multiple_of3A_72] : memref<327680xi32, #tpu.memory_space<hbm>> -> memref<128xi32, #tpu.memory_space<hbm>>
      tpu.wait_dma2 semaphore(%run_scoped3A_9 : memref<!tpu.dma_semaphore, #tpu.memory_space<semaphore_mem>>) src(%dma_wait3A_74 : memref<128xi32, #tpu.memory_space<hbm>>) dst(%run_scoped3A_5 : memref<128xi32, #tpu.memory_space<vmem>>)
      %dma_start3A_75 = arith.constant 0 : i32
      %dma_start3A_76 = arith.constant 0 : i32
      %dma_start3A_77 = tpu.memref_slice %arg2[%dma_start3A_75, %dma_start3A_76] : memref<10000x128xf32, #tpu.memory_space<hbm>> -> memref<10000x128xf32, #tpu.memory_space<hbm>>
      tpu.enqueue_indirect_dma source(%dma_start3A_77 : memref<10000x128xf32, #tpu.memory_space<hbm>>) target(%run_scoped3A : memref<128x128xf32, #tpu.memory_space<vmem>>) offsets(%run_scoped3A_1 : memref<128xi32, #tpu.memory_space<vmem>>) semaphore(%run_scoped3A_13 : memref<!tpu.dma_semaphore, #tpu.memory_space<semaphore_mem>>)
      %add3A_78 = arith.constant 2 : i32
      %add3A_79 = arith.addi %mul3A_17, %add3A_78 : i32
      %mul3A_80 = arith.constant 128 : i32
      %mul3A_81 = arith.muli %add3A_79, %mul3A_80 : i32
      %multiple_of3A_82 = tpu.assume_multiple %mul3A_81, 8 : i32
      %dma_start3A_83 = tpu.memref_slice %arg3[%multiple_of3A_82] : memref<327680xi32, #tpu.memory_space<hbm>> -> memref<128xi32, #tpu.memory_space<hbm>>
      %dma_start3A_84 = tpu.memref_slice %arg3[%multiple_of3A_82] : memref<327680xi32, #tpu.memory_space<hbm>> -> memref<128xi32, #tpu.memory_space<hbm>>
      tpu.enqueue_dma source(%dma_start3A_84 : memref<128xi32, #tpu.memory_space<hbm>>) target(%run_scoped3A_3 : memref<128xi32, #tpu.memory_space<vmem>>) target_semaphore(%run_scoped3A_11 : memref<!tpu.dma_semaphore, #tpu.memory_space<semaphore_mem>>)
      %add3A_85 = arith.constant 2 : i32
      %add3A_86 = arith.addi %mul3A_17, %add3A_85 : i32
      %mul3A_87 = arith.constant 128 : i32
      %mul3A_88 = arith.muli %add3A_86, %mul3A_87 : i32
      %multiple_of3A_89 = tpu.assume_multiple %mul3A_88, 8 : i32
      %dma_start3A_90 = tpu.memref_slice %arg4[%multiple_of3A_89] : memref<327680xi32, #tpu.memory_space<hbm>> -> memref<128xi32, #tpu.memory_space<hbm>>
      %dma_start3A_91 = tpu.memref_slice %arg4[%multiple_of3A_89] : memref<327680xi32, #tpu.memory_space<hbm>> -> memref<128xi32, #tpu.memory_space<hbm>>
      tpu.enqueue_dma source(%dma_start3A_91 : memref<128xi32, #tpu.memory_space<hbm>>) target(%run_scoped3A_7 : memref<128xi32, #tpu.memory_space<vmem>>) target_semaphore(%run_scoped3A_11 : memref<!tpu.dma_semaphore, #tpu.memory_space<semaphore_mem>>)
      %add3A_92 = arith.constant 1 : i32
      %add3A_93 = arith.addi %mul3A_17, %add3A_92 : i32
      %mul3A_94 = arith.constant 128 : i32
      %mul3A_95 = arith.muli %add3A_93, %mul3A_94 : i32
      %multiple_of3A_96 = tpu.assume_multiple %mul3A_95, 8 : i32
      %dma_wait3A_97 = tpu.memref_slice %arg3[%multiple_of3A_96] : memref<327680xi32, #tpu.memory_space<hbm>> -> memref<128xi32, #tpu.memory_space<hbm>>
      %dma_wait3A_98 = tpu.memref_slice %arg3[%multiple_of3A_96] : memref<327680xi32, #tpu.memory_space<hbm>> -> memref<128xi32, #tpu.memory_space<hbm>>
      tpu.wait_dma2 semaphore(%run_scoped3A_10 : memref<!tpu.dma_semaphore, #tpu.memory_space<semaphore_mem>>) src(%dma_wait3A_98 : memref<128xi32, #tpu.memory_space<hbm>>) dst(%run_scoped3A_2 : memref<128xi32, #tpu.memory_space<vmem>>)
      %add3A_99 = arith.constant 1 : i32
      %add3A_100 = arith.addi %mul3A_17, %add3A_99 : i32
      %mul3A_101 = arith.constant 128 : i32
      %mul3A_102 = arith.muli %add3A_100, %mul3A_101 : i32
      %multiple_of3A_103 = tpu.assume_multiple %mul3A_102, 8 : i32
      %dma_wait3A_104 = tpu.memref_slice %arg4[%multiple_of3A_103] : memref<327680xi32, #tpu.memory_space<hbm>> -> memref<128xi32, #tpu.memory_space<hbm>>
      %dma_wait3A_105 = tpu.memref_slice %arg4[%multiple_of3A_103] : memref<327680xi32, #tpu.memory_space<hbm>> -> memref<128xi32, #tpu.memory_space<hbm>>
      tpu.wait_dma2 semaphore(%run_scoped3A_10 : memref<!tpu.dma_semaphore, #tpu.memory_space<semaphore_mem>>) src(%dma_wait3A_105 : memref<128xi32, #tpu.memory_space<hbm>>) dst(%run_scoped3A_6 : memref<128xi32, #tpu.memory_space<vmem>>)
      %dma_start3A_106 = arith.constant 0 : i32
      %dma_start3A_107 = arith.constant 0 : i32
      %dma_start3A_108 = tpu.memref_slice %arg2[%dma_start3A_106, %dma_start3A_107] : memref<10000x128xf32, #tpu.memory_space<hbm>> -> memref<10000x128xf32, #tpu.memory_space<hbm>>
      tpu.enqueue_indirect_dma source(%dma_start3A_108 : memref<10000x128xf32, #tpu.memory_space<hbm>>) target(%run_scoped3A_0 : memref<128x128xf32, #tpu.memory_space<vmem>>) offsets(%run_scoped3A_2 : memref<128xi32, #tpu.memory_space<vmem>>) semaphore(%run_scoped3A_14 : memref<!tpu.dma_semaphore, #tpu.memory_space<semaphore_mem>>)
      %dma_wait3A_109 = arith.constant 0 : i32
      %dma_wait3A_110 = arith.constant 0 : i32
      %dma_wait3A_111 = tpu.memref_slice %arg2[%dma_wait3A_109, %dma_wait3A_110] : memref<10000x128xf32, #tpu.memory_space<hbm>> -> memref<10000x128xf32, #tpu.memory_space<hbm>>
      tpu.wait_indirect_dma semaphore(%run_scoped3A_13 : memref<!tpu.dma_semaphore, #tpu.memory_space<semaphore_mem>>) src(%dma_wait3A_111 : memref<10000x128xf32, #tpu.memory_space<hbm>>) dst(%run_scoped3A : memref<128x128xf32, #tpu.memory_space<vmem>>)
      "tpu.region"() ({
        %run_scoped3A_312 = tpu.sem_alloc : memref<!tpu.dma_semaphore, #tpu.memory_space<semaphore_mem>>
        %dma_start3A_313 = arith.constant 0 : i32
        %dma_start3A_314 = arith.constant 0 : i32
        %dma_start3A_315 = tpu.memref_slice %arg6[%dma_start3A_313, %dma_start3A_314] : memref<10240x128xf32, #tpu.memory_space<vmem_shared>> -> memref<10240x128xf32, #tpu.memory_space<vmem_shared>>
        tpu.enqueue_indirect_dma source(%run_scoped3A : memref<128x128xf32, #tpu.memory_space<vmem>>) target(%dma_start3A_315 : memref<10240x128xf32, #tpu.memory_space<vmem_shared>>) offsets(%run_scoped3A_5 : memref<128xi32, #tpu.memory_space<vmem>>) semaphore(%run_scoped3A_312 : memref<!tpu.dma_semaphore, #tpu.memory_space<semaphore_mem>>) {add = true}
        %dma_wait3A_316 = arith.constant 0 : i32
        %dma_wait3A_317 = arith.constant 0 : i32
        %dma_wait3A_318 = tpu.memref_slice %arg6[%dma_wait3A_316, %dma_wait3A_317] : memref<10240x128xf32, #tpu.memory_space<vmem_shared>> -> memref<10240x128xf32, #tpu.memory_space<vmem_shared>>
        tpu.wait_indirect_dma semaphore(%run_scoped3A_312 : memref<!tpu.dma_semaphore, #tpu.memory_space<semaphore_mem>>) src(%run_scoped3A : memref<128x128xf32, #tpu.memory_space<vmem>>) dst(%dma_wait3A_318 : memref<10240x128xf32, #tpu.memory_space<vmem_shared>>)
        tpu.yield
      }) : () -> ()
      %add3A_112 = arith.constant 3 : i32
      %add3A_113 = arith.addi %mul3A_17, %add3A_112 : i32
      %mul3A_114 = arith.constant 128 : i32
      %mul3A_115 = arith.muli %add3A_113, %mul3A_114 : i32
      %multiple_of3A_116 = tpu.assume_multiple %mul3A_115, 8 : i32
      %dma_start3A_117 = tpu.memref_slice %arg3[%multiple_of3A_116] : memref<327680xi32, #tpu.memory_space<hbm>> -> memref<128xi32, #tpu.memory_space<hbm>>
      %dma_start3A_118 = tpu.memref_slice %arg3[%multiple_of3A_116] : memref<327680xi32, #tpu.memory_space<hbm>> -> memref<128xi32, #tpu.memory_space<hbm>>
      tpu.enqueue_dma source(%dma_start3A_118 : memref<128xi32, #tpu.memory_space<hbm>>) target(%run_scoped3A_4 : memref<128xi32, #tpu.memory_space<vmem>>) target_semaphore(%run_scoped3A_12 : memref<!tpu.dma_semaphore, #tpu.memory_space<semaphore_mem>>)
      %add3A_119 = arith.constant 3 : i32
      %add3A_120 = arith.addi %mul3A_17, %add3A_119 : i32
      %mul3A_121 = arith.constant 128 : i32
      %mul3A_122 = arith.muli %add3A_120, %mul3A_121 : i32
      %multiple_of3A_123 = tpu.assume_multiple %mul3A_122, 8 : i32
      %dma_start3A_124 = tpu.memref_slice %arg4[%multiple_of3A_123] : memref<327680xi32, #tpu.memory_space<hbm>> -> memref<128xi32, #tpu.memory_space<hbm>>
      %dma_start3A_125 = tpu.memref_slice %arg4[%multiple_of3A_123] : memref<327680xi32, #tpu.memory_space<hbm>> -> memref<128xi32, #tpu.memory_space<hbm>>
      tpu.enqueue_dma source(%dma_start3A_125 : memref<128xi32, #tpu.memory_space<hbm>>) target(%run_scoped3A_8 : memref<128xi32, #tpu.memory_space<vmem>>) target_semaphore(%run_scoped3A_12 : memref<!tpu.dma_semaphore, #tpu.memory_space<semaphore_mem>>)
      %add3A_126 = arith.constant 2 : i32
      %add3A_127 = arith.addi %mul3A_17, %add3A_126 : i32
      %mul3A_128 = arith.constant 128 : i32
      %mul3A_129 = arith.muli %add3A_127, %mul3A_128 : i32
      %multiple_of3A_130 = tpu.assume_multiple %mul3A_129, 8 : i32
      %dma_wait3A_131 = tpu.memref_slice %arg3[%multiple_of3A_130] : memref<327680xi32, #tpu.memory_space<hbm>> -> memref<128xi32, #tpu.memory_space<hbm>>
      %dma_wait3A_132 = tpu.memref_slice %arg3[%multiple_of3A_130] : memref<327680xi32, #tpu.memory_space<hbm>> -> memref<128xi32, #tpu.memory_space<hbm>>
      tpu.wait_dma2 semaphore(%run_scoped3A_11 : memref<!tpu.dma_semaphore, #tpu.memory_space<semaphore_mem>>) src(%dma_wait3A_132 : memref<128xi32, #tpu.memory_space<hbm>>) dst(%run_scoped3A_3 : memref<128xi32, #tpu.memory_space<vmem>>)
      %add3A_133 = arith.constant 2 : i32
      %add3A_134 = arith.addi %mul3A_17, %add3A_133 : i32
      %mul3A_135 = arith.constant 128 : i32
      %mul3A_136 = arith.muli %add3A_134, %mul3A_135 : i32
      %multiple_of3A_137 = tpu.assume_multiple %mul3A_136, 8 : i32
      %dma_wait3A_138 = tpu.memref_slice %arg4[%multiple_of3A_137] : memref<327680xi32, #tpu.memory_space<hbm>> -> memref<128xi32, #tpu.memory_space<hbm>>
      %dma_wait3A_139 = tpu.memref_slice %arg4[%multiple_of3A_137] : memref<327680xi32, #tpu.memory_space<hbm>> -> memref<128xi32, #tpu.memory_space<hbm>>
      tpu.wait_dma2 semaphore(%run_scoped3A_11 : memref<!tpu.dma_semaphore, #tpu.memory_space<semaphore_mem>>) src(%dma_wait3A_139 : memref<128xi32, #tpu.memory_space<hbm>>) dst(%run_scoped3A_7 : memref<128xi32, #tpu.memory_space<vmem>>)
      %dma_start3A_140 = arith.constant 0 : i32
      %dma_start3A_141 = arith.constant 0 : i32
      %dma_start3A_142 = tpu.memref_slice %arg2[%dma_start3A_140, %dma_start3A_141] : memref<10000x128xf32, #tpu.memory_space<hbm>> -> memref<10000x128xf32, #tpu.memory_space<hbm>>
      tpu.enqueue_indirect_dma source(%dma_start3A_142 : memref<10000x128xf32, #tpu.memory_space<hbm>>) target(%run_scoped3A : memref<128x128xf32, #tpu.memory_space<vmem>>) offsets(%run_scoped3A_3 : memref<128xi32, #tpu.memory_space<vmem>>) semaphore(%run_scoped3A_13 : memref<!tpu.dma_semaphore, #tpu.memory_space<semaphore_mem>>)
      %dma_wait3A_143 = arith.constant 0 : i32
      %dma_wait3A_144 = arith.constant 0 : i32
      %dma_wait3A_145 = tpu.memref_slice %arg2[%dma_wait3A_143, %dma_wait3A_144] : memref<10000x128xf32, #tpu.memory_space<hbm>> -> memref<10000x128xf32, #tpu.memory_space<hbm>>
      tpu.wait_indirect_dma semaphore(%run_scoped3A_14 : memref<!tpu.dma_semaphore, #tpu.memory_space<semaphore_mem>>) src(%dma_wait3A_145 : memref<10000x128xf32, #tpu.memory_space<hbm>>) dst(%run_scoped3A_0 : memref<128x128xf32, #tpu.memory_space<vmem>>)
      "tpu.region"() ({
        %run_scoped3A_312 = tpu.sem_alloc : memref<!tpu.dma_semaphore, #tpu.memory_space<semaphore_mem>>
        %dma_start3A_313 = arith.constant 0 : i32
        %dma_start3A_314 = arith.constant 0 : i32
        %dma_start3A_315 = tpu.memref_slice %arg6[%dma_start3A_313, %dma_start3A_314] : memref<10240x128xf32, #tpu.memory_space<vmem_shared>> -> memref<10240x128xf32, #tpu.memory_space<vmem_shared>>
        tpu.enqueue_indirect_dma source(%run_scoped3A_0 : memref<128x128xf32, #tpu.memory_space<vmem>>) target(%dma_start3A_315 : memref<10240x128xf32, #tpu.memory_space<vmem_shared>>) offsets(%run_scoped3A_6 : memref<128xi32, #tpu.memory_space<vmem>>) semaphore(%run_scoped3A_312 : memref<!tpu.dma_semaphore, #tpu.memory_space<semaphore_mem>>) {add = true}
        %dma_wait3A_316 = arith.constant 0 : i32
        %dma_wait3A_317 = arith.constant 0 : i32
        %dma_wait3A_318 = tpu.memref_slice %arg6[%dma_wait3A_316, %dma_wait3A_317] : memref<10240x128xf32, #tpu.memory_space<vmem_shared>> -> memref<10240x128xf32, #tpu.memory_space<vmem_shared>>
        tpu.wait_indirect_dma semaphore(%run_scoped3A_312 : memref<!tpu.dma_semaphore, #tpu.memory_space<semaphore_mem>>) src(%run_scoped3A_0 : memref<128x128xf32, #tpu.memory_space<vmem>>) dst(%dma_wait3A_318 : memref<10240x128xf32, #tpu.memory_space<vmem_shared>>)
        tpu.yield
      }) : () -> ()
      %add3A_146 = arith.constant 4 : i32
      %add3A_147 = arith.addi %mul3A_17, %add3A_146 : i32
      %mul3A_148 = arith.constant 128 : i32
      %mul3A_149 = arith.muli %add3A_147, %mul3A_148 : i32
      %multiple_of3A_150 = tpu.assume_multiple %mul3A_149, 8 : i32
      %dma_start3A_151 = tpu.memref_slice %arg3[%multiple_of3A_150] : memref<327680xi32, #tpu.memory_space<hbm>> -> memref<128xi32, #tpu.memory_space<hbm>>
      %dma_start3A_152 = tpu.memref_slice %arg3[%multiple_of3A_150] : memref<327680xi32, #tpu.memory_space<hbm>> -> memref<128xi32, #tpu.memory_space<hbm>>
      tpu.enqueue_dma source(%dma_start3A_152 : memref<128xi32, #tpu.memory_space<hbm>>) target(%run_scoped3A_1 : memref<128xi32, #tpu.memory_space<vmem>>) target_semaphore(%run_scoped3A_9 : memref<!tpu.dma_semaphore, #tpu.memory_space<semaphore_mem>>)
      %add3A_153 = arith.constant 4 : i32
      %add3A_154 = arith.addi %mul3A_17, %add3A_153 : i32
      %mul3A_155 = arith.constant 128 : i32
      %mul3A_156 = arith.muli %add3A_154, %mul3A_155 : i32
      %multiple_of3A_157 = tpu.assume_multiple %mul3A_156, 8 : i32
      %dma_start3A_158 = tpu.memref_slice %arg4[%multiple_of3A_157] : memref<327680xi32, #tpu.memory_space<hbm>> -> memref<128xi32, #tpu.memory_space<hbm>>
      %dma_start3A_159 = tpu.memref_slice %arg4[%multiple_of3A_157] : memref<327680xi32, #tpu.memory_space<hbm>> -> memref<128xi32, #tpu.memory_space<hbm>>
      tpu.enqueue_dma source(%dma_start3A_159 : memref<128xi32, #tpu.memory_space<hbm>>) target(%run_scoped3A_5 : memref<128xi32, #tpu.memory_space<vmem>>) target_semaphore(%run_scoped3A_9 : memref<!tpu.dma_semaphore, #tpu.memory_space<semaphore_mem>>)
      %add3A_160 = arith.constant 3 : i32
      %add3A_161 = arith.addi %mul3A_17, %add3A_160 : i32
      %mul3A_162 = arith.constant 128 : i32
      %mul3A_163 = arith.muli %add3A_161, %mul3A_162 : i32
      %multiple_of3A_164 = tpu.assume_multiple %mul3A_163, 8 : i32
      %dma_wait3A_165 = tpu.memref_slice %arg3[%multiple_of3A_164] : memref<327680xi32, #tpu.memory_space<hbm>> -> memref<128xi32, #tpu.memory_space<hbm>>
      %dma_wait3A_166 = tpu.memref_slice %arg3[%multiple_of3A_164] : memref<327680xi32, #tpu.memory_space<hbm>> -> memref<128xi32, #tpu.memory_space<hbm>>
      tpu.wait_dma2 semaphore(%run_scoped3A_12 : memref<!tpu.dma_semaphore, #tpu.memory_space<semaphore_mem>>) src(%dma_wait3A_166 : memref<128xi32, #tpu.memory_space<hbm>>) dst(%run_scoped3A_4 : memref<128xi32, #tpu.memory_space<vmem>>)
      %add3A_167 = arith.constant 3 : i32
      %add3A_168 = arith.addi %mul3A_17, %add3A_167 : i32
      %mul3A_169 = arith.constant 128 : i32
      %mul3A_170 = arith.muli %add3A_168, %mul3A_169 : i32
      %multiple_of3A_171 = tpu.assume_multiple %mul3A_170, 8 : i32
      %dma_wait3A_172 = tpu.memref_slice %arg4[%multiple_of3A_171] : memref<327680xi32, #tpu.memory_space<hbm>> -> memref<128xi32, #tpu.memory_space<hbm>>
      %dma_wait3A_173 = tpu.memref_slice %arg4[%multiple_of3A_171] : memref<327680xi32, #tpu.memory_space<hbm>> -> memref<128xi32, #tpu.memory_space<hbm>>
      tpu.wait_dma2 semaphore(%run_scoped3A_12 : memref<!tpu.dma_semaphore, #tpu.memory_space<semaphore_mem>>) src(%dma_wait3A_173 : memref<128xi32, #tpu.memory_space<hbm>>) dst(%run_scoped3A_8 : memref<128xi32, #tpu.memory_space<vmem>>)
      %dma_start3A_174 = arith.constant 0 : i32
      %dma_start3A_175 = arith.constant 0 : i32
      %dma_start3A_176 = tpu.memref_slice %arg2[%dma_start3A_174, %dma_start3A_175] : memref<10000x128xf32, #tpu.memory_space<hbm>> -> memref<10000x128xf32, #tpu.memory_space<hbm>>
      tpu.enqueue_indirect_dma source(%dma_start3A_176 : memref<10000x128xf32, #tpu.memory_space<hbm>>) target(%run_scoped3A_0 : memref<128x128xf32, #tpu.memory_space<vmem>>) offsets(%run_scoped3A_4 : memref<128xi32, #tpu.memory_space<vmem>>) semaphore(%run_scoped3A_14 : memref<!tpu.dma_semaphore, #tpu.memory_space<semaphore_mem>>)
      %dma_wait3A_177 = arith.constant 0 : i32
      %dma_wait3A_178 = arith.constant 0 : i32
      %dma_wait3A_179 = tpu.memref_slice %arg2[%dma_wait3A_177, %dma_wait3A_178] : memref<10000x128xf32, #tpu.memory_space<hbm>> -> memref<10000x128xf32, #tpu.memory_space<hbm>>
      tpu.wait_indirect_dma semaphore(%run_scoped3A_13 : memref<!tpu.dma_semaphore, #tpu.memory_space<semaphore_mem>>) src(%dma_wait3A_179 : memref<10000x128xf32, #tpu.memory_space<hbm>>) dst(%run_scoped3A : memref<128x128xf32, #tpu.memory_space<vmem>>)
      "tpu.region"() ({
        %run_scoped3A_312 = tpu.sem_alloc : memref<!tpu.dma_semaphore, #tpu.memory_space<semaphore_mem>>
        %dma_start3A_313 = arith.constant 0 : i32
        %dma_start3A_314 = arith.constant 0 : i32
        %dma_start3A_315 = tpu.memref_slice %arg6[%dma_start3A_313, %dma_start3A_314] : memref<10240x128xf32, #tpu.memory_space<vmem_shared>> -> memref<10240x128xf32, #tpu.memory_space<vmem_shared>>
        tpu.enqueue_indirect_dma source(%run_scoped3A : memref<128x128xf32, #tpu.memory_space<vmem>>) target(%dma_start3A_315 : memref<10240x128xf32, #tpu.memory_space<vmem_shared>>) offsets(%run_scoped3A_7 : memref<128xi32, #tpu.memory_space<vmem>>) semaphore(%run_scoped3A_312 : memref<!tpu.dma_semaphore, #tpu.memory_space<semaphore_mem>>) {add = true}
        %dma_wait3A_316 = arith.constant 0 : i32
        %dma_wait3A_317 = arith.constant 0 : i32
        %dma_wait3A_318 = tpu.memref_slice %arg6[%dma_wait3A_316, %dma_wait3A_317] : memref<10240x128xf32, #tpu.memory_space<vmem_shared>> -> memref<10240x128xf32, #tpu.memory_space<vmem_shared>>
        tpu.wait_indirect_dma semaphore(%run_scoped3A_312 : memref<!tpu.dma_semaphore, #tpu.memory_space<semaphore_mem>>) src(%run_scoped3A : memref<128x128xf32, #tpu.memory_space<vmem>>) dst(%dma_wait3A_318 : memref<10240x128xf32, #tpu.memory_space<vmem_shared>>)
        tpu.yield
      }) : () -> ()
      %add3A_180 = arith.constant 5 : i32
      %add3A_181 = arith.addi %mul3A_17, %add3A_180 : i32
      %mul3A_182 = arith.constant 128 : i32
      %mul3A_183 = arith.muli %add3A_181, %mul3A_182 : i32
      %multiple_of3A_184 = tpu.assume_multiple %mul3A_183, 8 : i32
      %dma_start3A_185 = tpu.memref_slice %arg3[%multiple_of3A_184] : memref<327680xi32, #tpu.memory_space<hbm>> -> memref<128xi32, #tpu.memory_space<hbm>>
      %dma_start3A_186 = tpu.memref_slice %arg3[%multiple_of3A_184] : memref<327680xi32, #tpu.memory_space<hbm>> -> memref<128xi32, #tpu.memory_space<hbm>>
      tpu.enqueue_dma source(%dma_start3A_186 : memref<128xi32, #tpu.memory_space<hbm>>) target(%run_scoped3A_2 : memref<128xi32, #tpu.memory_space<vmem>>) target_semaphore(%run_scoped3A_10 : memref<!tpu.dma_semaphore, #tpu.memory_space<semaphore_mem>>)
      %add3A_187 = arith.constant 5 : i32
      %add3A_188 = arith.addi %mul3A_17, %add3A_187 : i32
      %mul3A_189 = arith.constant 128 : i32
      %mul3A_190 = arith.muli %add3A_188, %mul3A_189 : i32
      %multiple_of3A_191 = tpu.assume_multiple %mul3A_190, 8 : i32
      %dma_start3A_192 = tpu.memref_slice %arg4[%multiple_of3A_191] : memref<327680xi32, #tpu.memory_space<hbm>> -> memref<128xi32, #tpu.memory_space<hbm>>
      %dma_start3A_193 = tpu.memref_slice %arg4[%multiple_of3A_191] : memref<327680xi32, #tpu.memory_space<hbm>> -> memref<128xi32, #tpu.memory_space<hbm>>
      tpu.enqueue_dma source(%dma_start3A_193 : memref<128xi32, #tpu.memory_space<hbm>>) target(%run_scoped3A_6 : memref<128xi32, #tpu.memory_space<vmem>>) target_semaphore(%run_scoped3A_10 : memref<!tpu.dma_semaphore, #tpu.memory_space<semaphore_mem>>)
      %add3A_194 = arith.constant 4 : i32
      %add3A_195 = arith.addi %mul3A_17, %add3A_194 : i32
      %mul3A_196 = arith.constant 128 : i32
      %mul3A_197 = arith.muli %add3A_195, %mul3A_196 : i32
      %multiple_of3A_198 = tpu.assume_multiple %mul3A_197, 8 : i32
      %dma_wait3A_199 = tpu.memref_slice %arg3[%multiple_of3A_198] : memref<327680xi32, #tpu.memory_space<hbm>> -> memref<128xi32, #tpu.memory_space<hbm>>
      %dma_wait3A_200 = tpu.memref_slice %arg3[%multiple_of3A_198] : memref<327680xi32, #tpu.memory_space<hbm>> -> memref<128xi32, #tpu.memory_space<hbm>>
      tpu.wait_dma2 semaphore(%run_scoped3A_9 : memref<!tpu.dma_semaphore, #tpu.memory_space<semaphore_mem>>) src(%dma_wait3A_200 : memref<128xi32, #tpu.memory_space<hbm>>) dst(%run_scoped3A_1 : memref<128xi32, #tpu.memory_space<vmem>>)
      %add3A_201 = arith.constant 4 : i32
      %add3A_202 = arith.addi %mul3A_17, %add3A_201 : i32
      %mul3A_203 = arith.constant 128 : i32
      %mul3A_204 = arith.muli %add3A_202, %mul3A_203 : i32
      %multiple_of3A_205 = tpu.assume_multiple %mul3A_204, 8 : i32
      %dma_wait3A_206 = tpu.memref_slice %arg4[%multiple_of3A_205] : memref<327680xi32, #tpu.memory_space<hbm>> -> memref<128xi32, #tpu.memory_space<hbm>>
      %dma_wait3A_207 = tpu.memref_slice %arg4[%multiple_of3A_205] : memref<327680xi32, #tpu.memory_space<hbm>> -> memref<128xi32, #tpu.memory_space<hbm>>
      tpu.wait_dma2 semaphore(%run_scoped3A_9 : memref<!tpu.dma_semaphore, #tpu.memory_space<semaphore_mem>>) src(%dma_wait3A_207 : memref<128xi32, #tpu.memory_space<hbm>>) dst(%run_scoped3A_5 : memref<128xi32, #tpu.memory_space<vmem>>)
      %dma_start3A_208 = arith.constant 0 : i32
      %dma_start3A_209 = arith.constant 0 : i32
      %dma_start3A_210 = tpu.memref_slice %arg2[%dma_start3A_208, %dma_start3A_209] : memref<10000x128xf32, #tpu.memory_space<hbm>> -> memref<10000x128xf32, #tpu.memory_space<hbm>>
      tpu.enqueue_indirect_dma source(%dma_start3A_210 : memref<10000x128xf32, #tpu.memory_space<hbm>>) target(%run_scoped3A : memref<128x128xf32, #tpu.memory_space<vmem>>) offsets(%run_scoped3A_1 : memref<128xi32, #tpu.memory_space<vmem>>) semaphore(%run_scoped3A_13 : memref<!tpu.dma_semaphore, #tpu.memory_space<semaphore_mem>>)
      %dma_wait3A_211 = arith.constant 0 : i32
      %dma_wait3A_212 = arith.constant 0 : i32
      %dma_wait3A_213 = tpu.memref_slice %arg2[%dma_wait3A_211, %dma_wait3A_212] : memref<10000x128xf32, #tpu.memory_space<hbm>> -> memref<10000x128xf32, #tpu.memory_space<hbm>>
      tpu.wait_indirect_dma semaphore(%run_scoped3A_14 : memref<!tpu.dma_semaphore, #tpu.memory_space<semaphore_mem>>) src(%dma_wait3A_213 : memref<10000x128xf32, #tpu.memory_space<hbm>>) dst(%run_scoped3A_0 : memref<128x128xf32, #tpu.memory_space<vmem>>)
      "tpu.region"() ({
        %run_scoped3A_312 = tpu.sem_alloc : memref<!tpu.dma_semaphore, #tpu.memory_space<semaphore_mem>>
        %dma_start3A_313 = arith.constant 0 : i32
        %dma_start3A_314 = arith.constant 0 : i32
        %dma_start3A_315 = tpu.memref_slice %arg6[%dma_start3A_313, %dma_start3A_314] : memref<10240x128xf32, #tpu.memory_space<vmem_shared>> -> memref<10240x128xf32, #tpu.memory_space<vmem_shared>>
        tpu.enqueue_indirect_dma source(%run_scoped3A_0 : memref<128x128xf32, #tpu.memory_space<vmem>>) target(%dma_start3A_315 : memref<10240x128xf32, #tpu.memory_space<vmem_shared>>) offsets(%run_scoped3A_8 : memref<128xi32, #tpu.memory_space<vmem>>) semaphore(%run_scoped3A_312 : memref<!tpu.dma_semaphore, #tpu.memory_space<semaphore_mem>>) {add = true}
        %dma_wait3A_316 = arith.constant 0 : i32
        %dma_wait3A_317 = arith.constant 0 : i32
        %dma_wait3A_318 = tpu.memref_slice %arg6[%dma_wait3A_316, %dma_wait3A_317] : memref<10240x128xf32, #tpu.memory_space<vmem_shared>> -> memref<10240x128xf32, #tpu.memory_space<vmem_shared>>
        tpu.wait_indirect_dma semaphore(%run_scoped3A_312 : memref<!tpu.dma_semaphore, #tpu.memory_space<semaphore_mem>>) src(%run_scoped3A_0 : memref<128x128xf32, #tpu.memory_space<vmem>>) dst(%dma_wait3A_318 : memref<10240x128xf32, #tpu.memory_space<vmem_shared>>)
        tpu.yield
      }) : () -> ()
      %scan3A_214 = arith.constant 0 : i32
      %scan3A_215 = arith.constant 1 : i32
      %scan3A_216 = arith.constant 18 : i32
      %scan3A_217 = arith.addi %scan3A_215, %scan3A_216 : i32
      %scan3A_218 = arith.constant 1 : i32
      scf.for %scan3A_312 = %scan3A_215 to %scan3A_217 step %scan3A_218  : i32 {
        %mul3A_313 = arith.constant 4 : i32
        %mul3A_314 = arith.muli %scan3A_312, %mul3A_313 : i32
        %add3A_315 = arith.constant 0 : i32
        %add3A_316 = arith.addi %mul3A_314, %add3A_315 : i32
        %add3A_317 = arith.constant 2 : i32
        %add3A_318 = arith.addi %add3A_316, %add3A_317 : i32
        %add3A_319 = arith.addi %mul3A_17, %add3A_318 : i32
        %mul3A_320 = arith.constant 128 : i32
        %mul3A_321 = arith.muli %add3A_319, %mul3A_320 : i32
        %multiple_of3A_322 = tpu.assume_multiple %mul3A_321, 8 : i32
        %dma_start3A_323 = tpu.memref_slice %arg3[%multiple_of3A_322] : memref<327680xi32, #tpu.memory_space<hbm>> -> memref<128xi32, #tpu.memory_space<hbm>>
        %dma_start3A_324 = tpu.memref_slice %arg3[%multiple_of3A_322] : memref<327680xi32, #tpu.memory_space<hbm>> -> memref<128xi32, #tpu.memory_space<hbm>>
        tpu.enqueue_dma source(%dma_start3A_324 : memref<128xi32, #tpu.memory_space<hbm>>) target(%run_scoped3A_3 : memref<128xi32, #tpu.memory_space<vmem>>) target_semaphore(%run_scoped3A_11 : memref<!tpu.dma_semaphore, #tpu.memory_space<semaphore_mem>>)
        %add3A_325 = arith.addi %mul3A_17, %add3A_318 : i32
        %mul3A_326 = arith.constant 128 : i32
        %mul3A_327 = arith.muli %add3A_325, %mul3A_326 : i32
        %multiple_of3A_328 = tpu.assume_multiple %mul3A_327, 8 : i32
        %dma_start3A_329 = tpu.memref_slice %arg4[%multiple_of3A_328] : memref<327680xi32, #tpu.memory_space<hbm>> -> memref<128xi32, #tpu.memory_space<hbm>>
        %dma_start3A_330 = tpu.memref_slice %arg4[%multiple_of3A_328] : memref<327680xi32, #tpu.memory_space<hbm>> -> memref<128xi32, #tpu.memory_space<hbm>>
        tpu.enqueue_dma source(%dma_start3A_330 : memref<128xi32, #tpu.memory_space<hbm>>) target(%run_scoped3A_7 : memref<128xi32, #tpu.memory_space<vmem>>) target_semaphore(%run_scoped3A_11 : memref<!tpu.dma_semaphore, #tpu.memory_space<semaphore_mem>>)
        %add3A_331 = arith.constant 1 : i32
        %add3A_332 = arith.addi %add3A_316, %add3A_331 : i32
        %add3A_333 = arith.addi %mul3A_17, %add3A_332 : i32
        %mul3A_334 = arith.constant 128 : i32
        %mul3A_335 = arith.muli %add3A_333, %mul3A_334 : i32
        %multiple_of3A_336 = tpu.assume_multiple %mul3A_335, 8 : i32
        %dma_wait3A_337 = tpu.memref_slice %arg3[%multiple_of3A_336] : memref<327680xi32, #tpu.memory_space<hbm>> -> memref<128xi32, #tpu.memory_space<hbm>>
        %dma_wait3A_338 = tpu.memref_slice %arg3[%multiple_of3A_336] : memref<327680xi32, #tpu.memory_space<hbm>> -> memref<128xi32, #tpu.memory_space<hbm>>
        tpu.wait_dma2 semaphore(%run_scoped3A_10 : memref<!tpu.dma_semaphore, #tpu.memory_space<semaphore_mem>>) src(%dma_wait3A_338 : memref<128xi32, #tpu.memory_space<hbm>>) dst(%run_scoped3A_2 : memref<128xi32, #tpu.memory_space<vmem>>)
        %add3A_339 = arith.addi %mul3A_17, %add3A_332 : i32
        %mul3A_340 = arith.constant 128 : i32
        %mul3A_341 = arith.muli %add3A_339, %mul3A_340 : i32
        %multiple_of3A_342 = tpu.assume_multiple %mul3A_341, 8 : i32
        %dma_wait3A_343 = tpu.memref_slice %arg4[%multiple_of3A_342] : memref<327680xi32, #tpu.memory_space<hbm>> -> memref<128xi32, #tpu.memory_space<hbm>>
        %dma_wait3A_344 = tpu.memref_slice %arg4[%multiple_of3A_342] : memref<327680xi32, #tpu.memory_space<hbm>> -> memref<128xi32, #tpu.memory_space<hbm>>
        tpu.wait_dma2 semaphore(%run_scoped3A_10 : memref<!tpu.dma_semaphore, #tpu.memory_space<semaphore_mem>>) src(%dma_wait3A_344 : memref<128xi32, #tpu.memory_space<hbm>>) dst(%run_scoped3A_6 : memref<128xi32, #tpu.memory_space<vmem>>)
        %dma_start3A_345 = arith.constant 0 : i32
        %dma_start3A_346 = arith.constant 0 : i32
        %dma_start3A_347 = tpu.memref_slice %arg2[%dma_start3A_345, %dma_start3A_346] : memref<10000x128xf32, #tpu.memory_space<hbm>> -> memref<10000x128xf32, #tpu.memory_space<hbm>>
        tpu.enqueue_indirect_dma source(%dma_start3A_347 : memref<10000x128xf32, #tpu.memory_space<hbm>>) target(%run_scoped3A_0 : memref<128x128xf32, #tpu.memory_space<vmem>>) offsets(%run_scoped3A_2 : memref<128xi32, #tpu.memory_space<vmem>>) semaphore(%run_scoped3A_14 : memref<!tpu.dma_semaphore, #tpu.memory_space<semaphore_mem>>)
        %dma_wait3A_348 = arith.constant 0 : i32
        %dma_wait3A_349 = arith.constant 0 : i32
        %dma_wait3A_350 = tpu.memref_slice %arg2[%dma_wait3A_348, %dma_wait3A_349] : memref<10000x128xf32, #tpu.memory_space<hbm>> -> memref<10000x128xf32, #tpu.memory_space<hbm>>
        tpu.wait_indirect_dma semaphore(%run_scoped3A_13 : memref<!tpu.dma_semaphore, #tpu.memory_space<semaphore_mem>>) src(%dma_wait3A_350 : memref<10000x128xf32, #tpu.memory_space<hbm>>) dst(%run_scoped3A : memref<128x128xf32, #tpu.memory_space<vmem>>)
        "tpu.region"() ({
          %run_scoped3A_459 = tpu.sem_alloc : memref<!tpu.dma_semaphore, #tpu.memory_space<semaphore_mem>>
          %dma_start3A_460 = arith.constant 0 : i32
          %dma_start3A_461 = arith.constant 0 : i32
          %dma_start3A_462 = tpu.memref_slice %arg6[%dma_start3A_460, %dma_start3A_461] : memref<10240x128xf32, #tpu.memory_space<vmem_shared>> -> memref<10240x128xf32, #tpu.memory_space<vmem_shared>>
          tpu.enqueue_indirect_dma source(%run_scoped3A : memref<128x128xf32, #tpu.memory_space<vmem>>) target(%dma_start3A_462 : memref<10240x128xf32, #tpu.memory_space<vmem_shared>>) offsets(%run_scoped3A_5 : memref<128xi32, #tpu.memory_space<vmem>>) semaphore(%run_scoped3A_459 : memref<!tpu.dma_semaphore, #tpu.memory_space<semaphore_mem>>) {add = true}
          %dma_wait3A_463 = arith.constant 0 : i32
          %dma_wait3A_464 = arith.constant 0 : i32
          %dma_wait3A_465 = tpu.memref_slice %arg6[%dma_wait3A_463, %dma_wait3A_464] : memref<10240x128xf32, #tpu.memory_space<vmem_shared>> -> memref<10240x128xf32, #tpu.memory_space<vmem_shared>>
          tpu.wait_indirect_dma semaphore(%run_scoped3A_459 : memref<!tpu.dma_semaphore, #tpu.memory_space<semaphore_mem>>) src(%run_scoped3A : memref<128x128xf32, #tpu.memory_space<vmem>>) dst(%dma_wait3A_465 : memref<10240x128xf32, #tpu.memory_space<vmem_shared>>)
          tpu.yield
        }) : () -> ()
        %add3A_351 = arith.constant 1 : i32
        %add3A_352 = arith.addi %mul3A_314, %add3A_351 : i32
        %add3A_353 = arith.constant 2 : i32
        %add3A_354 = arith.addi %add3A_352, %add3A_353 : i32
        %add3A_355 = arith.addi %mul3A_17, %add3A_354 : i32
        %mul3A_356 = arith.constant 128 : i32
        %mul3A_357 = arith.muli %add3A_355, %mul3A_356 : i32
        %multiple_of3A_358 = tpu.assume_multiple %mul3A_357, 8 : i32
        %dma_start3A_359 = tpu.memref_slice %arg3[%multiple_of3A_358] : memref<327680xi32, #tpu.memory_space<hbm>> -> memref<128xi32, #tpu.memory_space<hbm>>
        %dma_start3A_360 = tpu.memref_slice %arg3[%multiple_of3A_358] : memref<327680xi32, #tpu.memory_space<hbm>> -> memref<128xi32, #tpu.memory_space<hbm>>
        tpu.enqueue_dma source(%dma_start3A_360 : memref<128xi32, #tpu.memory_space<hbm>>) target(%run_scoped3A_4 : memref<128xi32, #tpu.memory_space<vmem>>) target_semaphore(%run_scoped3A_12 : memref<!tpu.dma_semaphore, #tpu.memory_space<semaphore_mem>>)
        %add3A_361 = arith.addi %mul3A_17, %add3A_354 : i32
        %mul3A_362 = arith.constant 128 : i32
        %mul3A_363 = arith.muli %add3A_361, %mul3A_362 : i32
        %multiple_of3A_364 = tpu.assume_multiple %mul3A_363, 8 : i32
        %dma_start3A_365 = tpu.memref_slice %arg4[%multiple_of3A_364] : memref<327680xi32, #tpu.memory_space<hbm>> -> memref<128xi32, #tpu.memory_space<hbm>>
        %dma_start3A_366 = tpu.memref_slice %arg4[%multiple_of3A_364] : memref<327680xi32, #tpu.memory_space<hbm>> -> memref<128xi32, #tpu.memory_space<hbm>>
        tpu.enqueue_dma source(%dma_start3A_366 : memref<128xi32, #tpu.memory_space<hbm>>) target(%run_scoped3A_8 : memref<128xi32, #tpu.memory_space<vmem>>) target_semaphore(%run_scoped3A_12 : memref<!tpu.dma_semaphore, #tpu.memory_space<semaphore_mem>>)
        %add3A_367 = arith.constant 1 : i32
        %add3A_368 = arith.addi %add3A_352, %add3A_367 : i32
        %add3A_369 = arith.addi %mul3A_17, %add3A_368 : i32
        %mul3A_370 = arith.constant 128 : i32
        %mul3A_371 = arith.muli %add3A_369, %mul3A_370 : i32
        %multiple_of3A_372 = tpu.assume_multiple %mul3A_371, 8 : i32
        %dma_wait3A_373 = tpu.memref_slice %arg3[%multiple_of3A_372] : memref<327680xi32, #tpu.memory_space<hbm>> -> memref<128xi32, #tpu.memory_space<hbm>>
        %dma_wait3A_374 = tpu.memref_slice %arg3[%multiple_of3A_372] : memref<327680xi32, #tpu.memory_space<hbm>> -> memref<128xi32, #tpu.memory_space<hbm>>
        tpu.wait_dma2 semaphore(%run_scoped3A_11 : memref<!tpu.dma_semaphore, #tpu.memory_space<semaphore_mem>>) src(%dma_wait3A_374 : memref<128xi32, #tpu.memory_space<hbm>>) dst(%run_scoped3A_3 : memref<128xi32, #tpu.memory_space<vmem>>)
        %add3A_375 = arith.addi %mul3A_17, %add3A_368 : i32
        %mul3A_376 = arith.constant 128 : i32
        %mul3A_377 = arith.muli %add3A_375, %mul3A_376 : i32
        %multiple_of3A_378 = tpu.assume_multiple %mul3A_377, 8 : i32
        %dma_wait3A_379 = tpu.memref_slice %arg4[%multiple_of3A_378] : memref<327680xi32, #tpu.memory_space<hbm>> -> memref<128xi32, #tpu.memory_space<hbm>>
        %dma_wait3A_380 = tpu.memref_slice %arg4[%multiple_of3A_378] : memref<327680xi32, #tpu.memory_space<hbm>> -> memref<128xi32, #tpu.memory_space<hbm>>
        tpu.wait_dma2 semaphore(%run_scoped3A_11 : memref<!tpu.dma_semaphore, #tpu.memory_space<semaphore_mem>>) src(%dma_wait3A_380 : memref<128xi32, #tpu.memory_space<hbm>>) dst(%run_scoped3A_7 : memref<128xi32, #tpu.memory_space<vmem>>)
        %dma_start3A_381 = arith.constant 0 : i32
        %dma_start3A_382 = arith.constant 0 : i32
        %dma_start3A_383 = tpu.memref_slice %arg2[%dma_start3A_381, %dma_start3A_382] : memref<10000x128xf32, #tpu.memory_space<hbm>> -> memref<10000x128xf32, #tpu.memory_space<hbm>>
        tpu.enqueue_indirect_dma source(%dma_start3A_383 : memref<10000x128xf32, #tpu.memory_space<hbm>>) target(%run_scoped3A : memref<128x128xf32, #tpu.memory_space<vmem>>) offsets(%run_scoped3A_3 : memref<128xi32, #tpu.memory_space<vmem>>) semaphore(%run_scoped3A_13 : memref<!tpu.dma_semaphore, #tpu.memory_space<semaphore_mem>>)
        %dma_wait3A_384 = arith.constant 0 : i32
        %dma_wait3A_385 = arith.constant 0 : i32
        %dma_wait3A_386 = tpu.memref_slice %arg2[%dma_wait3A_384, %dma_wait3A_385] : memref<10000x128xf32, #tpu.memory_space<hbm>> -> memref<10000x128xf32, #tpu.memory_space<hbm>>
        tpu.wait_indirect_dma semaphore(%run_scoped3A_14 : memref<!tpu.dma_semaphore, #tpu.memory_space<semaphore_mem>>) src(%dma_wait3A_386 : memref<10000x128xf32, #tpu.memory_space<hbm>>) dst(%run_scoped3A_0 : memref<128x128xf32, #tpu.memory_space<vmem>>)
        "tpu.region"() ({
          %run_scoped3A_459 = tpu.sem_alloc : memref<!tpu.dma_semaphore, #tpu.memory_space<semaphore_mem>>
          %dma_start3A_460 = arith.constant 0 : i32
          %dma_start3A_461 = arith.constant 0 : i32
          %dma_start3A_462 = tpu.memref_slice %arg6[%dma_start3A_460, %dma_start3A_461] : memref<10240x128xf32, #tpu.memory_space<vmem_shared>> -> memref<10240x128xf32, #tpu.memory_space<vmem_shared>>
          tpu.enqueue_indirect_dma source(%run_scoped3A_0 : memref<128x128xf32, #tpu.memory_space<vmem>>) target(%dma_start3A_462 : memref<10240x128xf32, #tpu.memory_space<vmem_shared>>) offsets(%run_scoped3A_6 : memref<128xi32, #tpu.memory_space<vmem>>) semaphore(%run_scoped3A_459 : memref<!tpu.dma_semaphore, #tpu.memory_space<semaphore_mem>>) {add = true}
          %dma_wait3A_463 = arith.constant 0 : i32
          %dma_wait3A_464 = arith.constant 0 : i32
          %dma_wait3A_465 = tpu.memref_slice %arg6[%dma_wait3A_463, %dma_wait3A_464] : memref<10240x128xf32, #tpu.memory_space<vmem_shared>> -> memref<10240x128xf32, #tpu.memory_space<vmem_shared>>
          tpu.wait_indirect_dma semaphore(%run_scoped3A_459 : memref<!tpu.dma_semaphore, #tpu.memory_space<semaphore_mem>>) src(%run_scoped3A_0 : memref<128x128xf32, #tpu.memory_space<vmem>>) dst(%dma_wait3A_465 : memref<10240x128xf32, #tpu.memory_space<vmem_shared>>)
          tpu.yield
        }) : () -> ()
        %add3A_387 = arith.constant 2 : i32
        %add3A_388 = arith.addi %mul3A_314, %add3A_387 : i32
        %add3A_389 = arith.constant 2 : i32
        %add3A_390 = arith.addi %add3A_388, %add3A_389 : i32
        %add3A_391 = arith.addi %mul3A_17, %add3A_390 : i32
        %mul3A_392 = arith.constant 128 : i32
        %mul3A_393 = arith.muli %add3A_391, %mul3A_392 : i32
        %multiple_of3A_394 = tpu.assume_multiple %mul3A_393, 8 : i32
        %dma_start3A_395 = tpu.memref_slice %arg3[%multiple_of3A_394] : memref<327680xi32, #tpu.memory_space<hbm>> -> memref<128xi32, #tpu.memory_space<hbm>>
        %dma_start3A_396 = tpu.memref_slice %arg3[%multiple_of3A_394] : memref<327680xi32, #tpu.memory_space<hbm>> -> memref<128xi32, #tpu.memory_space<hbm>>
        tpu.enqueue_dma source(%dma_start3A_396 : memref<128xi32, #tpu.memory_space<hbm>>) target(%run_scoped3A_1 : memref<128xi32, #tpu.memory_space<vmem>>) target_semaphore(%run_scoped3A_9 : memref<!tpu.dma_semaphore, #tpu.memory_space<semaphore_mem>>)
        %add3A_397 = arith.addi %mul3A_17, %add3A_390 : i32
        %mul3A_398 = arith.constant 128 : i32
        %mul3A_399 = arith.muli %add3A_397, %mul3A_398 : i32
        %multiple_of3A_400 = tpu.assume_multiple %mul3A_399, 8 : i32
        %dma_start3A_401 = tpu.memref_slice %arg4[%multiple_of3A_400] : memref<327680xi32, #tpu.memory_space<hbm>> -> memref<128xi32, #tpu.memory_space<hbm>>
        %dma_start3A_402 = tpu.memref_slice %arg4[%multiple_of3A_400] : memref<327680xi32, #tpu.memory_space<hbm>> -> memref<128xi32, #tpu.memory_space<hbm>>
        tpu.enqueue_dma source(%dma_start3A_402 : memref<128xi32, #tpu.memory_space<hbm>>) target(%run_scoped3A_5 : memref<128xi32, #tpu.memory_space<vmem>>) target_semaphore(%run_scoped3A_9 : memref<!tpu.dma_semaphore, #tpu.memory_space<semaphore_mem>>)
        %add3A_403 = arith.constant 1 : i32
        %add3A_404 = arith.addi %add3A_388, %add3A_403 : i32
        %add3A_405 = arith.addi %mul3A_17, %add3A_404 : i32
        %mul3A_406 = arith.constant 128 : i32
        %mul3A_407 = arith.muli %add3A_405, %mul3A_406 : i32
        %multiple_of3A_408 = tpu.assume_multiple %mul3A_407, 8 : i32
        %dma_wait3A_409 = tpu.memref_slice %arg3[%multiple_of3A_408] : memref<327680xi32, #tpu.memory_space<hbm>> -> memref<128xi32, #tpu.memory_space<hbm>>
        %dma_wait3A_410 = tpu.memref_slice %arg3[%multiple_of3A_408] : memref<327680xi32, #tpu.memory_space<hbm>> -> memref<128xi32, #tpu.memory_space<hbm>>
        tpu.wait_dma2 semaphore(%run_scoped3A_12 : memref<!tpu.dma_semaphore, #tpu.memory_space<semaphore_mem>>) src(%dma_wait3A_410 : memref<128xi32, #tpu.memory_space<hbm>>) dst(%run_scoped3A_4 : memref<128xi32, #tpu.memory_space<vmem>>)
        %add3A_411 = arith.addi %mul3A_17, %add3A_404 : i32
        %mul3A_412 = arith.constant 128 : i32
        %mul3A_413 = arith.muli %add3A_411, %mul3A_412 : i32
        %multiple_of3A_414 = tpu.assume_multiple %mul3A_413, 8 : i32
        %dma_wait3A_415 = tpu.memref_slice %arg4[%multiple_of3A_414] : memref<327680xi32, #tpu.memory_space<hbm>> -> memref<128xi32, #tpu.memory_space<hbm>>
        %dma_wait3A_416 = tpu.memref_slice %arg4[%multiple_of3A_414] : memref<327680xi32, #tpu.memory_space<hbm>> -> memref<128xi32, #tpu.memory_space<hbm>>
        tpu.wait_dma2 semaphore(%run_scoped3A_12 : memref<!tpu.dma_semaphore, #tpu.memory_space<semaphore_mem>>) src(%dma_wait3A_416 : memref<128xi32, #tpu.memory_space<hbm>>) dst(%run_scoped3A_8 : memref<128xi32, #tpu.memory_space<vmem>>)
        %dma_start3A_417 = arith.constant 0 : i32
        %dma_start3A_418 = arith.constant 0 : i32
        %dma_start3A_419 = tpu.memref_slice %arg2[%dma_start3A_417, %dma_start3A_418] : memref<10000x128xf32, #tpu.memory_space<hbm>> -> memref<10000x128xf32, #tpu.memory_space<hbm>>
        tpu.enqueue_indirect_dma source(%dma_start3A_419 : memref<10000x128xf32, #tpu.memory_space<hbm>>) target(%run_scoped3A_0 : memref<128x128xf32, #tpu.memory_space<vmem>>) offsets(%run_scoped3A_4 : memref<128xi32, #tpu.memory_space<vmem>>) semaphore(%run_scoped3A_14 : memref<!tpu.dma_semaphore, #tpu.memory_space<semaphore_mem>>)
        %dma_wait3A_420 = arith.constant 0 : i32
        %dma_wait3A_421 = arith.constant 0 : i32
        %dma_wait3A_422 = tpu.memref_slice %arg2[%dma_wait3A_420, %dma_wait3A_421] : memref<10000x128xf32, #tpu.memory_space<hbm>> -> memref<10000x128xf32, #tpu.memory_space<hbm>>
        tpu.wait_indirect_dma semaphore(%run_scoped3A_13 : memref<!tpu.dma_semaphore, #tpu.memory_space<semaphore_mem>>) src(%dma_wait3A_422 : memref<10000x128xf32, #tpu.memory_space<hbm>>) dst(%run_scoped3A : memref<128x128xf32, #tpu.memory_space<vmem>>)
        "tpu.region"() ({
          %run_scoped3A_459 = tpu.sem_alloc : memref<!tpu.dma_semaphore, #tpu.memory_space<semaphore_mem>>
          %dma_start3A_460 = arith.constant 0 : i32
          %dma_start3A_461 = arith.constant 0 : i32
          %dma_start3A_462 = tpu.memref_slice %arg6[%dma_start3A_460, %dma_start3A_461] : memref<10240x128xf32, #tpu.memory_space<vmem_shared>> -> memref<10240x128xf32, #tpu.memory_space<vmem_shared>>
          tpu.enqueue_indirect_dma source(%run_scoped3A : memref<128x128xf32, #tpu.memory_space<vmem>>) target(%dma_start3A_462 : memref<10240x128xf32, #tpu.memory_space<vmem_shared>>) offsets(%run_scoped3A_7 : memref<128xi32, #tpu.memory_space<vmem>>) semaphore(%run_scoped3A_459 : memref<!tpu.dma_semaphore, #tpu.memory_space<semaphore_mem>>) {add = true}
          %dma_wait3A_463 = arith.constant 0 : i32
          %dma_wait3A_464 = arith.constant 0 : i32
          %dma_wait3A_465 = tpu.memref_slice %arg6[%dma_wait3A_463, %dma_wait3A_464] : memref<10240x128xf32, #tpu.memory_space<vmem_shared>> -> memref<10240x128xf32, #tpu.memory_space<vmem_shared>>
          tpu.wait_indirect_dma semaphore(%run_scoped3A_459 : memref<!tpu.dma_semaphore, #tpu.memory_space<semaphore_mem>>) src(%run_scoped3A : memref<128x128xf32, #tpu.memory_space<vmem>>) dst(%dma_wait3A_465 : memref<10240x128xf32, #tpu.memory_space<vmem_shared>>)
          tpu.yield
        }) : () -> ()
        %add3A_423 = arith.constant 3 : i32
        %add3A_424 = arith.addi %mul3A_314, %add3A_423 : i32
        %add3A_425 = arith.constant 2 : i32
        %add3A_426 = arith.addi %add3A_424, %add3A_425 : i32
        %add3A_427 = arith.addi %mul3A_17, %add3A_426 : i32
        %mul3A_428 = arith.constant 128 : i32
        %mul3A_429 = arith.muli %add3A_427, %mul3A_428 : i32
        %multiple_of3A_430 = tpu.assume_multiple %mul3A_429, 8 : i32
        %dma_start3A_431 = tpu.memref_slice %arg3[%multiple_of3A_430] : memref<327680xi32, #tpu.memory_space<hbm>> -> memref<128xi32, #tpu.memory_space<hbm>>
        %dma_start3A_432 = tpu.memref_slice %arg3[%multiple_of3A_430] : memref<327680xi32, #tpu.memory_space<hbm>> -> memref<128xi32, #tpu.memory_space<hbm>>
        tpu.enqueue_dma source(%dma_start3A_432 : memref<128xi32, #tpu.memory_space<hbm>>) target(%run_scoped3A_2 : memref<128xi32, #tpu.memory_space<vmem>>) target_semaphore(%run_scoped3A_10 : memref<!tpu.dma_semaphore, #tpu.memory_space<semaphore_mem>>)
        %add3A_433 = arith.addi %mul3A_17, %add3A_426 : i32
        %mul3A_434 = arith.constant 128 : i32
        %mul3A_435 = arith.muli %add3A_433, %mul3A_434 : i32
        %multiple_of3A_436 = tpu.assume_multiple %mul3A_435, 8 : i32
        %dma_start3A_437 = tpu.memref_slice %arg4[%multiple_of3A_436] : memref<327680xi32, #tpu.memory_space<hbm>> -> memref<128xi32, #tpu.memory_space<hbm>>
        %dma_start3A_438 = tpu.memref_slice %arg4[%multiple_of3A_436] : memref<327680xi32, #tpu.memory_space<hbm>> -> memref<128xi32, #tpu.memory_space<hbm>>
        tpu.enqueue_dma source(%dma_start3A_438 : memref<128xi32, #tpu.memory_space<hbm>>) target(%run_scoped3A_6 : memref<128xi32, #tpu.memory_space<vmem>>) target_semaphore(%run_scoped3A_10 : memref<!tpu.dma_semaphore, #tpu.memory_space<semaphore_mem>>)
        %add3A_439 = arith.constant 1 : i32
        %add3A_440 = arith.addi %add3A_424, %add3A_439 : i32
        %add3A_441 = arith.addi %mul3A_17, %add3A_440 : i32
        %mul3A_442 = arith.constant 128 : i32
        %mul3A_443 = arith.muli %add3A_441, %mul3A_442 : i32
        %multiple_of3A_444 = tpu.assume_multiple %mul3A_443, 8 : i32
        %dma_wait3A_445 = tpu.memref_slice %arg3[%multiple_of3A_444] : memref<327680xi32, #tpu.memory_space<hbm>> -> memref<128xi32, #tpu.memory_space<hbm>>
        %dma_wait3A_446 = tpu.memref_slice %arg3[%multiple_of3A_444] : memref<327680xi32, #tpu.memory_space<hbm>> -> memref<128xi32, #tpu.memory_space<hbm>>
        tpu.wait_dma2 semaphore(%run_scoped3A_9 : memref<!tpu.dma_semaphore, #tpu.memory_space<semaphore_mem>>) src(%dma_wait3A_446 : memref<128xi32, #tpu.memory_space<hbm>>) dst(%run_scoped3A_1 : memref<128xi32, #tpu.memory_space<vmem>>)
        %add3A_447 = arith.addi %mul3A_17, %add3A_440 : i32
        %mul3A_448 = arith.constant 128 : i32
        %mul3A_449 = arith.muli %add3A_447, %mul3A_448 : i32
        %multiple_of3A_450 = tpu.assume_multiple %mul3A_449, 8 : i32
        %dma_wait3A_451 = tpu.memref_slice %arg4[%multiple_of3A_450] : memref<327680xi32, #tpu.memory_space<hbm>> -> memref<128xi32, #tpu.memory_space<hbm>>
        %dma_wait3A_452 = tpu.memref_slice %arg4[%multiple_of3A_450] : memref<327680xi32, #tpu.memory_space<hbm>> -> memref<128xi32, #tpu.memory_space<hbm>>
        tpu.wait_dma2 semaphore(%run_scoped3A_9 : memref<!tpu.dma_semaphore, #tpu.memory_space<semaphore_mem>>) src(%dma_wait3A_452 : memref<128xi32, #tpu.memory_space<hbm>>) dst(%run_scoped3A_5 : memref<128xi32, #tpu.memory_space<vmem>>)
        %dma_start3A_453 = arith.constant 0 : i32
        %dma_start3A_454 = arith.constant 0 : i32
        %dma_start3A_455 = tpu.memref_slice %arg2[%dma_start3A_453, %dma_start3A_454] : memref<10000x128xf32, #tpu.memory_space<hbm>> -> memref<10000x128xf32, #tpu.memory_space<hbm>>
        tpu.enqueue_indirect_dma source(%dma_start3A_455 : memref<10000x128xf32, #tpu.memory_space<hbm>>) target(%run_scoped3A : memref<128x128xf32, #tpu.memory_space<vmem>>) offsets(%run_scoped3A_1 : memref<128xi32, #tpu.memory_space<vmem>>) semaphore(%run_scoped3A_13 : memref<!tpu.dma_semaphore, #tpu.memory_space<semaphore_mem>>)
        %dma_wait3A_456 = arith.constant 0 : i32
        %dma_wait3A_457 = arith.constant 0 : i32
        %dma_wait3A_458 = tpu.memref_slice %arg2[%dma_wait3A_456, %dma_wait3A_457] : memref<10000x128xf32, #tpu.memory_space<hbm>> -> memref<10000x128xf32, #tpu.memory_space<hbm>>
        tpu.wait_indirect_dma semaphore(%run_scoped3A_14 : memref<!tpu.dma_semaphore, #tpu.memory_space<semaphore_mem>>) src(%dma_wait3A_458 : memref<10000x128xf32, #tpu.memory_space<hbm>>) dst(%run_scoped3A_0 : memref<128x128xf32, #tpu.memory_space<vmem>>)
        "tpu.region"() ({
          %run_scoped3A_459 = tpu.sem_alloc : memref<!tpu.dma_semaphore, #tpu.memory_space<semaphore_mem>>
          %dma_start3A_460 = arith.constant 0 : i32
          %dma_start3A_461 = arith.constant 0 : i32
          %dma_start3A_462 = tpu.memref_slice %arg6[%dma_start3A_460, %dma_start3A_461] : memref<10240x128xf32, #tpu.memory_space<vmem_shared>> -> memref<10240x128xf32, #tpu.memory_space<vmem_shared>>
          tpu.enqueue_indirect_dma source(%run_scoped3A_0 : memref<128x128xf32, #tpu.memory_space<vmem>>) target(%dma_start3A_462 : memref<10240x128xf32, #tpu.memory_space<vmem_shared>>) offsets(%run_scoped3A_8 : memref<128xi32, #tpu.memory_space<vmem>>) semaphore(%run_scoped3A_459 : memref<!tpu.dma_semaphore, #tpu.memory_space<semaphore_mem>>) {add = true}
          %dma_wait3A_463 = arith.constant 0 : i32
          %dma_wait3A_464 = arith.constant 0 : i32
          %dma_wait3A_465 = tpu.memref_slice %arg6[%dma_wait3A_463, %dma_wait3A_464] : memref<10240x128xf32, #tpu.memory_space<vmem_shared>> -> memref<10240x128xf32, #tpu.memory_space<vmem_shared>>
          tpu.wait_indirect_dma semaphore(%run_scoped3A_459 : memref<!tpu.dma_semaphore, #tpu.memory_space<semaphore_mem>>) src(%run_scoped3A_0 : memref<128x128xf32, #tpu.memory_space<vmem>>) dst(%dma_wait3A_465 : memref<10240x128xf32, #tpu.memory_space<vmem_shared>>)
          tpu.yield
        }) : () -> ()
      }
      %scan3A_219 = arith.constant 18 : i32
      %add3A_220 = arith.constant 78 : i32
      %add3A_221 = arith.addi %mul3A_17, %add3A_220 : i32
      %mul3A_222 = arith.constant 128 : i32
      %mul3A_223 = arith.muli %add3A_221, %mul3A_222 : i32
      %multiple_of3A_224 = tpu.assume_multiple %mul3A_223, 8 : i32
      %dma_start3A_225 = tpu.memref_slice %arg3[%multiple_of3A_224] : memref<327680xi32, #tpu.memory_space<hbm>> -> memref<128xi32, #tpu.memory_space<hbm>>
      %dma_start3A_226 = tpu.memref_slice %arg3[%multiple_of3A_224] : memref<327680xi32, #tpu.memory_space<hbm>> -> memref<128xi32, #tpu.memory_space<hbm>>
      tpu.enqueue_dma source(%dma_start3A_226 : memref<128xi32, #tpu.memory_space<hbm>>) target(%run_scoped3A_3 : memref<128xi32, #tpu.memory_space<vmem>>) target_semaphore(%run_scoped3A_11 : memref<!tpu.dma_semaphore, #tpu.memory_space<semaphore_mem>>)
      %add3A_227 = arith.constant 78 : i32
      %add3A_228 = arith.addi %mul3A_17, %add3A_227 : i32
      %mul3A_229 = arith.constant 128 : i32
      %mul3A_230 = arith.muli %add3A_228, %mul3A_229 : i32
      %multiple_of3A_231 = tpu.assume_multiple %mul3A_230, 8 : i32
      %dma_start3A_232 = tpu.memref_slice %arg4[%multiple_of3A_231] : memref<327680xi32, #tpu.memory_space<hbm>> -> memref<128xi32, #tpu.memory_space<hbm>>
      %dma_start3A_233 = tpu.memref_slice %arg4[%multiple_of3A_231] : memref<327680xi32, #tpu.memory_space<hbm>> -> memref<128xi32, #tpu.memory_space<hbm>>
      tpu.enqueue_dma source(%dma_start3A_233 : memref<128xi32, #tpu.memory_space<hbm>>) target(%run_scoped3A_7 : memref<128xi32, #tpu.memory_space<vmem>>) target_semaphore(%run_scoped3A_11 : memref<!tpu.dma_semaphore, #tpu.memory_space<semaphore_mem>>)
      %add3A_234 = arith.constant 77 : i32
      %add3A_235 = arith.addi %mul3A_17, %add3A_234 : i32
      %mul3A_236 = arith.constant 128 : i32
      %mul3A_237 = arith.muli %add3A_235, %mul3A_236 : i32
      %multiple_of3A_238 = tpu.assume_multiple %mul3A_237, 8 : i32
      %dma_wait3A_239 = tpu.memref_slice %arg3[%multiple_of3A_238] : memref<327680xi32, #tpu.memory_space<hbm>> -> memref<128xi32, #tpu.memory_space<hbm>>
      %dma_wait3A_240 = tpu.memref_slice %arg3[%multiple_of3A_238] : memref<327680xi32, #tpu.memory_space<hbm>> -> memref<128xi32, #tpu.memory_space<hbm>>
      tpu.wait_dma2 semaphore(%run_scoped3A_10 : memref<!tpu.dma_semaphore, #tpu.memory_space<semaphore_mem>>) src(%dma_wait3A_240 : memref<128xi32, #tpu.memory_space<hbm>>) dst(%run_scoped3A_2 : memref<128xi32, #tpu.memory_space<vmem>>)
      %add3A_241 = arith.constant 77 : i32
      %add3A_242 = arith.addi %mul3A_17, %add3A_241 : i32
      %mul3A_243 = arith.constant 128 : i32
      %mul3A_244 = arith.muli %add3A_242, %mul3A_243 : i32
      %multiple_of3A_245 = tpu.assume_multiple %mul3A_244, 8 : i32
      %dma_wait3A_246 = tpu.memref_slice %arg4[%multiple_of3A_245] : memref<327680xi32, #tpu.memory_space<hbm>> -> memref<128xi32, #tpu.memory_space<hbm>>
      %dma_wait3A_247 = tpu.memref_slice %arg4[%multiple_of3A_245] : memref<327680xi32, #tpu.memory_space<hbm>> -> memref<128xi32, #tpu.memory_space<hbm>>
      tpu.wait_dma2 semaphore(%run_scoped3A_10 : memref<!tpu.dma_semaphore, #tpu.memory_space<semaphore_mem>>) src(%dma_wait3A_247 : memref<128xi32, #tpu.memory_space<hbm>>) dst(%run_scoped3A_6 : memref<128xi32, #tpu.memory_space<vmem>>)
      %dma_start3A_248 = arith.constant 0 : i32
      %dma_start3A_249 = arith.constant 0 : i32
      %dma_start3A_250 = tpu.memref_slice %arg2[%dma_start3A_248, %dma_start3A_249] : memref<10000x128xf32, #tpu.memory_space<hbm>> -> memref<10000x128xf32, #tpu.memory_space<hbm>>
      tpu.enqueue_indirect_dma source(%dma_start3A_250 : memref<10000x128xf32, #tpu.memory_space<hbm>>) target(%run_scoped3A_0 : memref<128x128xf32, #tpu.memory_space<vmem>>) offsets(%run_scoped3A_2 : memref<128xi32, #tpu.memory_space<vmem>>) semaphore(%run_scoped3A_14 : memref<!tpu.dma_semaphore, #tpu.memory_space<semaphore_mem>>)
      %dma_wait3A_251 = arith.constant 0 : i32
      %dma_wait3A_252 = arith.constant 0 : i32
      %dma_wait3A_253 = tpu.memref_slice %arg2[%dma_wait3A_251, %dma_wait3A_252] : memref<10000x128xf32, #tpu.memory_space<hbm>> -> memref<10000x128xf32, #tpu.memory_space<hbm>>
      tpu.wait_indirect_dma semaphore(%run_scoped3A_13 : memref<!tpu.dma_semaphore, #tpu.memory_space<semaphore_mem>>) src(%dma_wait3A_253 : memref<10000x128xf32, #tpu.memory_space<hbm>>) dst(%run_scoped3A : memref<128x128xf32, #tpu.memory_space<vmem>>)
      "tpu.region"() ({
        %run_scoped3A_312 = tpu.sem_alloc : memref<!tpu.dma_semaphore, #tpu.memory_space<semaphore_mem>>
        %dma_start3A_313 = arith.constant 0 : i32
        %dma_start3A_314 = arith.constant 0 : i32
        %dma_start3A_315 = tpu.memref_slice %arg6[%dma_start3A_313, %dma_start3A_314] : memref<10240x128xf32, #tpu.memory_space<vmem_shared>> -> memref<10240x128xf32, #tpu.memory_space<vmem_shared>>
        tpu.enqueue_indirect_dma source(%run_scoped3A : memref<128x128xf32, #tpu.memory_space<vmem>>) target(%dma_start3A_315 : memref<10240x128xf32, #tpu.memory_space<vmem_shared>>) offsets(%run_scoped3A_5 : memref<128xi32, #tpu.memory_space<vmem>>) semaphore(%run_scoped3A_312 : memref<!tpu.dma_semaphore, #tpu.memory_space<semaphore_mem>>) {add = true}
        %dma_wait3A_316 = arith.constant 0 : i32
        %dma_wait3A_317 = arith.constant 0 : i32
        %dma_wait3A_318 = tpu.memref_slice %arg6[%dma_wait3A_316, %dma_wait3A_317] : memref<10240x128xf32, #tpu.memory_space<vmem_shared>> -> memref<10240x128xf32, #tpu.memory_space<vmem_shared>>
        tpu.wait_indirect_dma semaphore(%run_scoped3A_312 : memref<!tpu.dma_semaphore, #tpu.memory_space<semaphore_mem>>) src(%run_scoped3A : memref<128x128xf32, #tpu.memory_space<vmem>>) dst(%dma_wait3A_318 : memref<10240x128xf32, #tpu.memory_space<vmem_shared>>)
        tpu.yield
      }) : () -> ()
      %add3A_254 = arith.constant 79 : i32
      %add3A_255 = arith.addi %mul3A_17, %add3A_254 : i32
      %mul3A_256 = arith.constant 128 : i32
      %mul3A_257 = arith.muli %add3A_255, %mul3A_256 : i32
      %multiple_of3A_258 = tpu.assume_multiple %mul3A_257, 8 : i32
      %dma_start3A_259 = tpu.memref_slice %arg3[%multiple_of3A_258] : memref<327680xi32, #tpu.memory_space<hbm>> -> memref<128xi32, #tpu.memory_space<hbm>>
      %dma_start3A_260 = tpu.memref_slice %arg3[%multiple_of3A_258] : memref<327680xi32, #tpu.memory_space<hbm>> -> memref<128xi32, #tpu.memory_space<hbm>>
      tpu.enqueue_dma source(%dma_start3A_260 : memref<128xi32, #tpu.memory_space<hbm>>) target(%run_scoped3A_4 : memref<128xi32, #tpu.memory_space<vmem>>) target_semaphore(%run_scoped3A_12 : memref<!tpu.dma_semaphore, #tpu.memory_space<semaphore_mem>>)
      %add3A_261 = arith.constant 79 : i32
      %add3A_262 = arith.addi %mul3A_17, %add3A_261 : i32
      %mul3A_263 = arith.constant 128 : i32
      %mul3A_264 = arith.muli %add3A_262, %mul3A_263 : i32
      %multiple_of3A_265 = tpu.assume_multiple %mul3A_264, 8 : i32
      %dma_start3A_266 = tpu.memref_slice %arg4[%multiple_of3A_265] : memref<327680xi32, #tpu.memory_space<hbm>> -> memref<128xi32, #tpu.memory_space<hbm>>
      %dma_start3A_267 = tpu.memref_slice %arg4[%multiple_of3A_265] : memref<327680xi32, #tpu.memory_space<hbm>> -> memref<128xi32, #tpu.memory_space<hbm>>
      tpu.enqueue_dma source(%dma_start3A_267 : memref<128xi32, #tpu.memory_space<hbm>>) target(%run_scoped3A_8 : memref<128xi32, #tpu.memory_space<vmem>>) target_semaphore(%run_scoped3A_12 : memref<!tpu.dma_semaphore, #tpu.memory_space<semaphore_mem>>)
      %add3A_268 = arith.constant 78 : i32
      %add3A_269 = arith.addi %mul3A_17, %add3A_268 : i32
      %mul3A_270 = arith.constant 128 : i32
      %mul3A_271 = arith.muli %add3A_269, %mul3A_270 : i32
      %multiple_of3A_272 = tpu.assume_multiple %mul3A_271, 8 : i32
      %dma_wait3A_273 = tpu.memref_slice %arg3[%multiple_of3A_272] : memref<327680xi32, #tpu.memory_space<hbm>> -> memref<128xi32, #tpu.memory_space<hbm>>
      %dma_wait3A_274 = tpu.memref_slice %arg3[%multiple_of3A_272] : memref<327680xi32, #tpu.memory_space<hbm>> -> memref<128xi32, #tpu.memory_space<hbm>>
      tpu.wait_dma2 semaphore(%run_scoped3A_11 : memref<!tpu.dma_semaphore, #tpu.memory_space<semaphore_mem>>) src(%dma_wait3A_274 : memref<128xi32, #tpu.memory_space<hbm>>) dst(%run_scoped3A_3 : memref<128xi32, #tpu.memory_space<vmem>>)
      %add3A_275 = arith.constant 78 : i32
      %add3A_276 = arith.addi %mul3A_17, %add3A_275 : i32
      %mul3A_277 = arith.constant 128 : i32
      %mul3A_278 = arith.muli %add3A_276, %mul3A_277 : i32
      %multiple_of3A_279 = tpu.assume_multiple %mul3A_278, 8 : i32
      %dma_wait3A_280 = tpu.memref_slice %arg4[%multiple_of3A_279] : memref<327680xi32, #tpu.memory_space<hbm>> -> memref<128xi32, #tpu.memory_space<hbm>>
      %dma_wait3A_281 = tpu.memref_slice %arg4[%multiple_of3A_279] : memref<327680xi32, #tpu.memory_space<hbm>> -> memref<128xi32, #tpu.memory_space<hbm>>
      tpu.wait_dma2 semaphore(%run_scoped3A_11 : memref<!tpu.dma_semaphore, #tpu.memory_space<semaphore_mem>>) src(%dma_wait3A_281 : memref<128xi32, #tpu.memory_space<hbm>>) dst(%run_scoped3A_7 : memref<128xi32, #tpu.memory_space<vmem>>)
      %dma_start3A_282 = arith.constant 0 : i32
      %dma_start3A_283 = arith.constant 0 : i32
      %dma_start3A_284 = tpu.memref_slice %arg2[%dma_start3A_282, %dma_start3A_283] : memref<10000x128xf32, #tpu.memory_space<hbm>> -> memref<10000x128xf32, #tpu.memory_space<hbm>>
      tpu.enqueue_indirect_dma source(%dma_start3A_284 : memref<10000x128xf32, #tpu.memory_space<hbm>>) target(%run_scoped3A : memref<128x128xf32, #tpu.memory_space<vmem>>) offsets(%run_scoped3A_3 : memref<128xi32, #tpu.memory_space<vmem>>) semaphore(%run_scoped3A_13 : memref<!tpu.dma_semaphore, #tpu.memory_space<semaphore_mem>>)
      %dma_wait3A_285 = arith.constant 0 : i32
      %dma_wait3A_286 = arith.constant 0 : i32
      %dma_wait3A_287 = tpu.memref_slice %arg2[%dma_wait3A_285, %dma_wait3A_286] : memref<10000x128xf32, #tpu.memory_space<hbm>> -> memref<10000x128xf32, #tpu.memory_space<hbm>>
      tpu.wait_indirect_dma semaphore(%run_scoped3A_14 : memref<!tpu.dma_semaphore, #tpu.memory_space<semaphore_mem>>) src(%dma_wait3A_287 : memref<10000x128xf32, #tpu.memory_space<hbm>>) dst(%run_scoped3A_0 : memref<128x128xf32, #tpu.memory_space<vmem>>)
      "tpu.region"() ({
        %run_scoped3A_312 = tpu.sem_alloc : memref<!tpu.dma_semaphore, #tpu.memory_space<semaphore_mem>>
        %dma_start3A_313 = arith.constant 0 : i32
        %dma_start3A_314 = arith.constant 0 : i32
        %dma_start3A_315 = tpu.memref_slice %arg6[%dma_start3A_313, %dma_start3A_314] : memref<10240x128xf32, #tpu.memory_space<vmem_shared>> -> memref<10240x128xf32, #tpu.memory_space<vmem_shared>>
        tpu.enqueue_indirect_dma source(%run_scoped3A_0 : memref<128x128xf32, #tpu.memory_space<vmem>>) target(%dma_start3A_315 : memref<10240x128xf32, #tpu.memory_space<vmem_shared>>) offsets(%run_scoped3A_6 : memref<128xi32, #tpu.memory_space<vmem>>) semaphore(%run_scoped3A_312 : memref<!tpu.dma_semaphore, #tpu.memory_space<semaphore_mem>>) {add = true}
        %dma_wait3A_316 = arith.constant 0 : i32
        %dma_wait3A_317 = arith.constant 0 : i32
        %dma_wait3A_318 = tpu.memref_slice %arg6[%dma_wait3A_316, %dma_wait3A_317] : memref<10240x128xf32, #tpu.memory_space<vmem_shared>> -> memref<10240x128xf32, #tpu.memory_space<vmem_shared>>
        tpu.wait_indirect_dma semaphore(%run_scoped3A_312 : memref<!tpu.dma_semaphore, #tpu.memory_space<semaphore_mem>>) src(%run_scoped3A_0 : memref<128x128xf32, #tpu.memory_space<vmem>>) dst(%dma_wait3A_318 : memref<10240x128xf32, #tpu.memory_space<vmem_shared>>)
        tpu.yield
      }) : () -> ()
      %add3A_288 = arith.constant 79 : i32
      %add3A_289 = arith.addi %mul3A_17, %add3A_288 : i32
      %mul3A_290 = arith.constant 128 : i32
      %mul3A_291 = arith.muli %add3A_289, %mul3A_290 : i32
      %multiple_of3A_292 = tpu.assume_multiple %mul3A_291, 8 : i32
      %dma_wait3A_293 = tpu.memref_slice %arg3[%multiple_of3A_292] : memref<327680xi32, #tpu.memory_space<hbm>> -> memref<128xi32, #tpu.memory_space<hbm>>
      %dma_wait3A_294 = tpu.memref_slice %arg3[%multiple_of3A_292] : memref<327680xi32, #tpu.memory_space<hbm>> -> memref<128xi32, #tpu.memory_space<hbm>>
      tpu.wait_dma2 semaphore(%run_scoped3A_12 : memref<!tpu.dma_semaphore, #tpu.memory_space<semaphore_mem>>) src(%dma_wait3A_294 : memref<128xi32, #tpu.memory_space<hbm>>) dst(%run_scoped3A_4 : memref<128xi32, #tpu.memory_space<vmem>>)
      %add3A_295 = arith.constant 79 : i32
      %add3A_296 = arith.addi %mul3A_17, %add3A_295 : i32
      %mul3A_297 = arith.constant 128 : i32
      %mul3A_298 = arith.muli %add3A_296, %mul3A_297 : i32
      %multiple_of3A_299 = tpu.assume_multiple %mul3A_298, 8 : i32
      %dma_wait3A_300 = tpu.memref_slice %arg4[%multiple_of3A_299] : memref<327680xi32, #tpu.memory_space<hbm>> -> memref<128xi32, #tpu.memory_space<hbm>>
      %dma_wait3A_301 = tpu.memref_slice %arg4[%multiple_of3A_299] : memref<327680xi32, #tpu.memory_space<hbm>> -> memref<128xi32, #tpu.memory_space<hbm>>
      tpu.wait_dma2 semaphore(%run_scoped3A_12 : memref<!tpu.dma_semaphore, #tpu.memory_space<semaphore_mem>>) src(%dma_wait3A_301 : memref<128xi32, #tpu.memory_space<hbm>>) dst(%run_scoped3A_8 : memref<128xi32, #tpu.memory_space<vmem>>)
      %dma_start3A_302 = arith.constant 0 : i32
      %dma_start3A_303 = arith.constant 0 : i32
      %dma_start3A_304 = tpu.memref_slice %arg2[%dma_start3A_302, %dma_start3A_303] : memref<10000x128xf32, #tpu.memory_space<hbm>> -> memref<10000x128xf32, #tpu.memory_space<hbm>>
      tpu.enqueue_indirect_dma source(%dma_start3A_304 : memref<10000x128xf32, #tpu.memory_space<hbm>>) target(%run_scoped3A_0 : memref<128x128xf32, #tpu.memory_space<vmem>>) offsets(%run_scoped3A_4 : memref<128xi32, #tpu.memory_space<vmem>>) semaphore(%run_scoped3A_14 : memref<!tpu.dma_semaphore, #tpu.memory_space<semaphore_mem>>)
      %dma_wait3A_305 = arith.constant 0 : i32
      %dma_wait3A_306 = arith.constant 0 : i32
      %dma_wait3A_307 = tpu.memref_slice %arg2[%dma_wait3A_305, %dma_wait3A_306] : memref<10000x128xf32, #tpu.memory_space<hbm>> -> memref<10000x128xf32, #tpu.memory_space<hbm>>
      tpu.wait_indirect_dma semaphore(%run_scoped3A_13 : memref<!tpu.dma_semaphore, #tpu.memory_space<semaphore_mem>>) src(%dma_wait3A_307 : memref<10000x128xf32, #tpu.memory_space<hbm>>) dst(%run_scoped3A : memref<128x128xf32, #tpu.memory_space<vmem>>)
      "tpu.region"() ({
        %run_scoped3A_312 = tpu.sem_alloc : memref<!tpu.dma_semaphore, #tpu.memory_space<semaphore_mem>>
        %dma_start3A_313 = arith.constant 0 : i32
        %dma_start3A_314 = arith.constant 0 : i32
        %dma_start3A_315 = tpu.memref_slice %arg6[%dma_start3A_313, %dma_start3A_314] : memref<10240x128xf32, #tpu.memory_space<vmem_shared>> -> memref<10240x128xf32, #tpu.memory_space<vmem_shared>>
        tpu.enqueue_indirect_dma source(%run_scoped3A : memref<128x128xf32, #tpu.memory_space<vmem>>) target(%dma_start3A_315 : memref<10240x128xf32, #tpu.memory_space<vmem_shared>>) offsets(%run_scoped3A_7 : memref<128xi32, #tpu.memory_space<vmem>>) semaphore(%run_scoped3A_312 : memref<!tpu.dma_semaphore, #tpu.memory_space<semaphore_mem>>) {add = true}
        %dma_wait3A_316 = arith.constant 0 : i32
        %dma_wait3A_317 = arith.constant 0 : i32
        %dma_wait3A_318 = tpu.memref_slice %arg6[%dma_wait3A_316, %dma_wait3A_317] : memref<10240x128xf32, #tpu.memory_space<vmem_shared>> -> memref<10240x128xf32, #tpu.memory_space<vmem_shared>>
        tpu.wait_indirect_dma semaphore(%run_scoped3A_312 : memref<!tpu.dma_semaphore, #tpu.memory_space<semaphore_mem>>) src(%run_scoped3A : memref<128x128xf32, #tpu.memory_space<vmem>>) dst(%dma_wait3A_318 : memref<10240x128xf32, #tpu.memory_space<vmem_shared>>)
        tpu.yield
      }) : () -> ()
      %dma_wait3A_308 = arith.constant 0 : i32
      %dma_wait3A_309 = arith.constant 0 : i32
      %dma_wait3A_310 = tpu.memref_slice %arg2[%dma_wait3A_308, %dma_wait3A_309] : memref<10000x128xf32, #tpu.memory_space<hbm>> -> memref<10000x128xf32, #tpu.memory_space<hbm>>
      tpu.wait_indirect_dma semaphore(%run_scoped3A_14 : memref<!tpu.dma_semaphore, #tpu.memory_space<semaphore_mem>>) src(%dma_wait3A_310 : memref<10000x128xf32, #tpu.memory_space<hbm>>) dst(%run_scoped3A_0 : memref<128x128xf32, #tpu.memory_space<vmem>>)
      "tpu.region"() ({
        %run_scoped3A_312 = tpu.sem_alloc : memref<!tpu.dma_semaphore, #tpu.memory_space<semaphore_mem>>
        %dma_start3A_313 = arith.constant 0 : i32
        %dma_start3A_314 = arith.constant 0 : i32
        %dma_start3A_315 = tpu.memref_slice %arg6[%dma_start3A_313, %dma_start3A_314] : memref<10240x128xf32, #tpu.memory_space<vmem_shared>> -> memref<10240x128xf32, #tpu.memory_space<vmem_shared>>
        tpu.enqueue_indirect_dma source(%run_scoped3A_0 : memref<128x128xf32, #tpu.memory_space<vmem>>) target(%dma_start3A_315 : memref<10240x128xf32, #tpu.memory_space<vmem_shared>>) offsets(%run_scoped3A_8 : memref<128xi32, #tpu.memory_space<vmem>>) semaphore(%run_scoped3A_312 : memref<!tpu.dma_semaphore, #tpu.memory_space<semaphore_mem>>) {add = true}
        %dma_wait3A_316 = arith.constant 0 : i32
        %dma_wait3A_317 = arith.constant 0 : i32
        %dma_wait3A_318 = tpu.memref_slice %arg6[%dma_wait3A_316, %dma_wait3A_317] : memref<10240x128xf32, #tpu.memory_space<vmem_shared>> -> memref<10240x128xf32, #tpu.memory_space<vmem_shared>>
        tpu.wait_indirect_dma semaphore(%run_scoped3A_312 : memref<!tpu.dma_semaphore, #tpu.memory_space<semaphore_mem>>) src(%run_scoped3A_0 : memref<128x128xf32, #tpu.memory_space<vmem>>) dst(%dma_wait3A_318 : memref<10240x128xf32, #tpu.memory_space<vmem_shared>>)
        tpu.yield
      }) : () -> ()
      %barrier3A_311 = arith.constant 0 : index
      tpu.barrier barrier_id(%barrier3A_311)
      "tpu.region"() ({
        %run_scoped3A_312 = tpu.sem_alloc : memref<!tpu.dma_semaphore, #tpu.memory_space<semaphore_mem>>
        %dma_start3A_313 = arith.constant 0 : i32
        %dma_start3A_314 = tpu.memref_slice %arg5[%arg0, %mul3A_25, %dma_start3A_313] : memref<2x10240x128xf32, #tpu.memory_space<hbm>> -> memref<1x640x128xf32, #tpu.memory_space<hbm>>
        %dma_start3A_315 = tpu.memref_squeeze %dma_start3A_314 : memref<1x640x128xf32, #tpu.memory_space<hbm>> -> memref<640x128xf32, #tpu.memory_space<hbm>>
        %dma_start3A_316 = arith.constant 0 : i32
        %dma_start3A_317 = tpu.memref_slice %arg6[%mul3A_25, %dma_start3A_316] : memref<10240x128xf32, #tpu.memory_space<vmem_shared>> -> memref<640x128xf32, #tpu.memory_space<vmem_shared>>
        tpu.enqueue_dma source(%dma_start3A_317 : memref<640x128xf32, #tpu.memory_space<vmem_shared>>) target(%dma_start3A_315 : memref<640x128xf32, #tpu.memory_space<hbm>>) target_semaphore(%run_scoped3A_312 : memref<!tpu.dma_semaphore, #tpu.memory_space<semaphore_mem>>)
        %dma_wait3A_318 = arith.constant 0 : i32
        %dma_wait3A_319 = tpu.memref_slice %arg5[%arg0, %mul3A_25, %dma_wait3A_318] : memref<2x10240x128xf32, #tpu.memory_space<hbm>> -> memref<1x640x128xf32, #tpu.memory_space<hbm>>
        %dma_wait3A_320 = tpu.memref_squeeze %dma_wait3A_319 : memref<1x640x128xf32, #tpu.memory_space<hbm>> -> memref<640x128xf32, #tpu.memory_space<hbm>>
        %dma_wait3A_321 = arith.constant 0 : i32
        %dma_wait3A_322 = tpu.memref_slice %arg6[%mul3A_25, %dma_wait3A_321] : memref<10240x128xf32, #tpu.memory_space<vmem_shared>> -> memref<640x128xf32, #tpu.memory_space<vmem_shared>>
        tpu.wait_dma2 semaphore(%run_scoped3A_312 : memref<!tpu.dma_semaphore, #tpu.memory_space<semaphore_mem>>) src(%dma_wait3A_322 : memref<640x128xf32, #tpu.memory_space<vmem_shared>>) dst(%dma_wait3A_320 : memref<640x128xf32, #tpu.memory_space<hbm>>)
        tpu.yield
      }) : () -> ()
      tpu.yield
    }) : () -> ()
    return
  }
}

module attributes {stable_mosaic.version = 14 : i64} {
  func.func @_layer_kernel(%arg0: i32, %arg1: memref<2x1000x128xf32, #tpu.memory_space<vmem>>, %arg2: memref<128x128xf32, #tpu.memory_space<vmem>>, %arg3: memref<1x128xf32, #tpu.memory_space<vmem>>, %arg4: memref<1000x128xf32, #tpu.memory_space<vmem>>) attributes {dimension_semantics = [#tpu.dimension_semantics<arbitrary>], iteration_bounds = array<i64: 10>, scalar_prefetch = 0 : i64, scratch_operands = 0 : i64, tpu.core_type = #tpu.core_type<tc>, window_params = [{transform_indices = @transform_0, window_bounds = array<i64: 2, 1000, 128>}, {pipeline_mode = #tpu.pipeline_mode<synchronous>, transform_indices = @transform_1, window_bounds = array<i64: 128, 128>}, {pipeline_mode = #tpu.pipeline_mode<synchronous>, transform_indices = @transform_2, window_bounds = array<i64: 1, 128>}, {transform_indices = @transform_3, window_bounds = array<i64: 1000, 128>}]} {
    %get3A = arith.constant 0 : index
    %get3A_0 = arith.constant 0 : index
    %get3A_1 = arith.constant 0 : index
    %get3A_2 = vector.load %arg1[%get3A, %get3A_0, %get3A_1] : memref<2x1000x128xf32, #tpu.memory_space<vmem>>, vector<1x1000x128xf32>
    %get3A_3 = vector.shape_cast %get3A_2 : vector<1x1000x128xf32> to vector<1000x128xf32>
    %get3A_4 = arith.constant 1 : index
    %get3A_5 = arith.constant 0 : index
    %get3A_6 = arith.constant 0 : index
    %get3A_7 = vector.load %arg1[%get3A_4, %get3A_5, %get3A_6] : memref<2x1000x128xf32, #tpu.memory_space<vmem>>, vector<1x1000x128xf32>
    %get3A_8 = vector.shape_cast %get3A_7 : vector<1x1000x128xf32> to vector<1000x128xf32>
    %add3A = arith.addf %get3A_3, %get3A_8 : vector<1000x128xf32>
    %get3A_9 = arith.constant 0 : index
    %get3A_10 = arith.constant 0 : index
    %get3A_11 = vector.load %arg2[%get3A_9, %get3A_10] : memref<128x128xf32, #tpu.memory_space<vmem>>, vector<128x128xf32>
    %dot_general3A = arith.constant dense<0.000000e+00> : vector<1000x128xf32>
    %dot_general3A_12 = tpu.matmul %add3A, %get3A_11, %dot_general3A {dimension_numbers = #tpu.dot_dimension_numbers<[1], [0], [0], [1], [0, 0, 1, 1], [], []>, transpose_lhs_hint = false} : vector<1000x128xf32>, vector<128x128xf32>, vector<1000x128xf32> -> vector<1000x128xf32>
    %get3A_13 = arith.constant 0 : index
    %get3A_14 = arith.constant 0 : index
    %get3A_15 = vector.load %arg3[%get3A_13, %get3A_14] : memref<1x128xf32, #tpu.memory_space<vmem>>, vector<1x128xf32>
    %add3A_16 = vector.broadcast %get3A_15 : vector<1x128xf32> to vector<1000x128xf32>
    %add3A_17 = arith.addf %dot_general3A_12, %add3A_16 : vector<1000x128xf32>
    %max3A = arith.constant 0.000000e+00 : f32
    %max3A_18 = vector.broadcast %max3A : f32 to vector<1000x128xf32>
    %max3A_19 = arith.maximumf %add3A_17, %max3A_18 : vector<1000x128xf32>
    %swap3A = arith.constant 0 : index
    %swap3A_20 = arith.constant 0 : index
    %swap3A_21 = vector.load %arg4[%swap3A, %swap3A_20] : memref<1000x128xf32, #tpu.memory_space<vmem>>, vector<1000x128xf32>
    tpu.vector_store %arg4[%swap3A, %swap3A_20], %max3A_19 {strides = array<i32>} : memref<1000x128xf32, #tpu.memory_space<vmem>>, vector<1000x128xf32>,
    return
  }
  func.func @transform_0(%arg0: i32) -> (i32, i32, i32) {
    %c0_i32 = arith.constant 0 : i32
    %c0_i32_0 = arith.constant 0 : i32
    %c0_i32_1 = arith.constant 0 : i32
    return %c0_i32, %arg0, %c0_i32_0 : i32, i32, i32
  }
  func.func @transform_1(%arg0: i32) -> (i32, i32) {
    %c0_i32 = arith.constant 0 : i32
    %c0_i32_0 = arith.constant 0 : i32
    %c0_i32_1 = arith.constant 0 : i32
    return %c0_i32, %c0_i32_0 : i32, i32
  }
  func.func @transform_2(%arg0: i32) -> (i32, i32) {
    %c0_i32 = arith.constant 0 : i32
    %c0_i32_0 = arith.constant 0 : i32
    %c0_i32_1 = arith.constant 0 : i32
    return %c0_i32, %c0_i32_0 : i32, i32
  }
  func.func @transform_3(%arg0: i32) -> (i32, i32) {
    %c0_i32 = arith.constant 0 : i32
    %c0_i32_0 = arith.constant 0 : i32
    return %arg0, %c0_i32 : i32, i32
  }
}

module attributes {stable_mosaic.version = 14 : i64} {
  func.func @_layer_head_kernel(%arg0: i32, %arg1: memref<2x1000x128xf32, #tpu.memory_space<vmem>>, %arg2: memref<128x128xf32, #tpu.memory_space<vmem>>, %arg3: memref<1x128xf32, #tpu.memory_space<vmem>>, %arg4: memref<128x24xf32, #tpu.memory_space<vmem>>, %arg5: memref<1x24xf32, #tpu.memory_space<vmem>>, %arg6: memref<1000x2xf32, #tpu.memory_space<vmem>>, %arg7: memref<1000x16xf32, #tpu.memory_space<vmem>>) attributes {dimension_semantics = [#tpu.dimension_semantics<arbitrary>], iteration_bounds = array<i64: 10>, scalar_prefetch = 0 : i64, scratch_operands = 0 : i64, tpu.core_type = #tpu.core_type<tc>, window_params = [{transform_indices = @transform_0, window_bounds = array<i64: 2, 1000, 128>}, {pipeline_mode = #tpu.pipeline_mode<synchronous>, transform_indices = @transform_1, window_bounds = array<i64: 128, 128>}, {pipeline_mode = #tpu.pipeline_mode<synchronous>, transform_indices = @transform_2, window_bounds = array<i64: 1, 128>}, {pipeline_mode = #tpu.pipeline_mode<synchronous>, transform_indices = @transform_3, window_bounds = array<i64: 128, 24>}, {pipeline_mode = #tpu.pipeline_mode<synchronous>, transform_indices = @transform_4, window_bounds = array<i64: 1, 24>}, {transform_indices = @transform_5, window_bounds = array<i64: 1000, 2>}, {transform_indices = @transform_6, window_bounds = array<i64: 1000, 16>}]} {
    %get3A = arith.constant 0 : index
    %get3A_0 = arith.constant 0 : index
    %get3A_1 = arith.constant 0 : index
    %get3A_2 = vector.load %arg1[%get3A, %get3A_0, %get3A_1] : memref<2x1000x128xf32, #tpu.memory_space<vmem>>, vector<1x1000x128xf32>
    %get3A_3 = vector.shape_cast %get3A_2 : vector<1x1000x128xf32> to vector<1000x128xf32>
    %get3A_4 = arith.constant 1 : index
    %get3A_5 = arith.constant 0 : index
    %get3A_6 = arith.constant 0 : index
    %get3A_7 = vector.load %arg1[%get3A_4, %get3A_5, %get3A_6] : memref<2x1000x128xf32, #tpu.memory_space<vmem>>, vector<1x1000x128xf32>
    %get3A_8 = vector.shape_cast %get3A_7 : vector<1x1000x128xf32> to vector<1000x128xf32>
    %add3A = arith.addf %get3A_3, %get3A_8 : vector<1000x128xf32>
    %get3A_9 = arith.constant 0 : index
    %get3A_10 = arith.constant 0 : index
    %get3A_11 = vector.load %arg2[%get3A_9, %get3A_10] : memref<128x128xf32, #tpu.memory_space<vmem>>, vector<128x128xf32>
    %dot_general3A = arith.constant dense<0.000000e+00> : vector<1000x128xf32>
    %dot_general3A_12 = tpu.matmul %add3A, %get3A_11, %dot_general3A {dimension_numbers = #tpu.dot_dimension_numbers<[1], [0], [0], [1], [0, 0, 1, 1], [], []>, transpose_lhs_hint = false} : vector<1000x128xf32>, vector<128x128xf32>, vector<1000x128xf32> -> vector<1000x128xf32>
    %get3A_13 = arith.constant 0 : index
    %get3A_14 = arith.constant 0 : index
    %get3A_15 = vector.load %arg3[%get3A_13, %get3A_14] : memref<1x128xf32, #tpu.memory_space<vmem>>, vector<1x128xf32>
    %add3A_16 = vector.broadcast %get3A_15 : vector<1x128xf32> to vector<1000x128xf32>
    %add3A_17 = arith.addf %dot_general3A_12, %add3A_16 : vector<1000x128xf32>
    %max3A = arith.constant 0.000000e+00 : f32
    %max3A_18 = vector.broadcast %max3A : f32 to vector<1000x128xf32>
    %max3A_19 = arith.maximumf %add3A_17, %max3A_18 : vector<1000x128xf32>
    %get3A_20 = arith.constant 0 : index
    %get3A_21 = arith.constant 0 : index
    %get3A_22 = vector.load %arg4[%get3A_20, %get3A_21] : memref<128x24xf32, #tpu.memory_space<vmem>>, vector<128x24xf32>
    %dot_general3A_23 = arith.constant dense<0.000000e+00> : vector<1000x24xf32>
    %dot_general3A_24 = tpu.matmul %max3A_19, %get3A_22, %dot_general3A_23 {dimension_numbers = #tpu.dot_dimension_numbers<[1], [0], [0], [1], [0, 0, 1, 1], [], []>, transpose_lhs_hint = false} : vector<1000x128xf32>, vector<128x24xf32>, vector<1000x24xf32> -> vector<1000x24xf32>
    %get3A_25 = arith.constant 0 : index
    %get3A_26 = arith.constant 0 : index
    %get3A_27 = vector.load %arg5[%get3A_25, %get3A_26] : memref<1x24xf32, #tpu.memory_space<vmem>>, vector<1x24xf32>
    %add3A_28 = vector.broadcast %get3A_27 : vector<1x24xf32> to vector<1000x24xf32>
    %add3A_29 = arith.addf %dot_general3A_24, %add3A_28 : vector<1000x24xf32>
    %slice3A = vector.extract_strided_slice %add3A_29 {offsets = [0, 0], sizes = [1000, 2], strides = [1, 1]} : vector<1000x24xf32> to vector<1000x2xf32>
    %swap3A = arith.constant 0 : index
    %swap3A_30 = arith.constant 0 : index
    %swap3A_31 = vector.load %arg6[%swap3A, %swap3A_30] : memref<1000x2xf32, #tpu.memory_space<vmem>>, vector<1000x2xf32>
    tpu.vector_store %arg6[%swap3A, %swap3A_30], %slice3A {strides = array<i32>} : memref<1000x2xf32, #tpu.memory_space<vmem>>, vector<1000x2xf32>,
    %slice3A_32 = vector.extract_strided_slice %add3A_29 {offsets = [0, 2], sizes = [1000, 16], strides = [1, 1]} : vector<1000x24xf32> to vector<1000x16xf32>
    %swap3A_33 = arith.constant 0 : index
    %swap3A_34 = arith.constant 0 : index
    %swap3A_35 = vector.load %arg7[%swap3A_33, %swap3A_34] : memref<1000x16xf32, #tpu.memory_space<vmem>>, vector<1000x16xf32>
    tpu.vector_store %arg7[%swap3A_33, %swap3A_34], %slice3A_32 {strides = array<i32>} : memref<1000x16xf32, #tpu.memory_space<vmem>>, vector<1000x16xf32>,
    return
  }
  func.func @transform_0(%arg0: i32) -> (i32, i32, i32) {
    %c0_i32 = arith.constant 0 : i32
    %c0_i32_0 = arith.constant 0 : i32
    %c0_i32_1 = arith.constant 0 : i32
    return %c0_i32, %arg0, %c0_i32_0 : i32, i32, i32
  }
  func.func @transform_1(%arg0: i32) -> (i32, i32) {
    %c0_i32 = arith.constant 0 : i32
    %c0_i32_0 = arith.constant 0 : i32
    %c0_i32_1 = arith.constant 0 : i32
    return %c0_i32, %c0_i32_0 : i32, i32
  }
  func.func @transform_2(%arg0: i32) -> (i32, i32) {
    %c0_i32 = arith.constant 0 : i32
    %c0_i32_0 = arith.constant 0 : i32
    %c0_i32_1 = arith.constant 0 : i32
    return %c0_i32, %c0_i32_0 : i32, i32
  }
  func.func @transform_3(%arg0: i32) -> (i32, i32) {
    %c0_i32 = arith.constant 0 : i32
    %c0_i32_0 = arith.constant 0 : i32
    %c0_i32_1 = arith.constant 0 : i32
    return %c0_i32, %c0_i32_0 : i32, i32
  }
  func.func @transform_4(%arg0: i32) -> (i32, i32) {
    %c0_i32 = arith.constant 0 : i32
    %c0_i32_0 = arith.constant 0 : i32
    %c0_i32_1 = arith.constant 0 : i32
    return %c0_i32, %c0_i32_0 : i32, i32
  }
  func.func @transform_5(%arg0: i32) -> (i32, i32) {
    %c0_i32 = arith.constant 0 : i32
    %c0_i32_0 = arith.constant 0 : i32
    return %arg0, %c0_i32 : i32, i32
  }
  func.func @transform_6(%arg0: i32) -> (i32, i32) {
    %c0_i32 = arith.constant 0 : i32
    %c0_i32_0 = arith.constant 0 : i32
    return %arg0, %c0_i32 : i32, i32
  }
}

</mosaic_0001>

<sc_bundles>
// kernel: kernel.6.cloned.1.call-start
scs
__scs_entry_jumppad:
0x0: {  	(pc) =	sbr.rel $0x88, $3  }
0x1: {  	(tag) =	ssettag $0x0;
	lr =	simm.s32 $0x1  }
0x2: {  	[smem:$0x3F97] =	sst lr;
	_ =	strace $0xD0000000  }
0x3: {  	_ = 	snop  }
0x4: {  	_ = 	snop  }
0x5: {  	_ = 	snop  }
0x6: {  	_ = 	snop  }
0x7: {  	_ = 	snop  }
__scs_overlays_trampoline_lowered:
0x8: {  	[smem:$0x3FA6] =	sst s0  }
0x9: {  	[smem:$0x3FA7] =	sst s1  }
0xa: {  	[smem:$0x3FA8] =	sst s2  }
0xb: {  	[smem:$0x3FA9] =	sst s3  }
0xc: {  	[smem:$0x3FAA] =	sst s4  }
0xd: {  	[smem:$0x3FAB] =	sst s5  }
0xe: {  	[smem:$0x3FAC] =	sst s6  }
0xf: {  	[smem:$0x3FAD] =	sst s7  }
0x10: {  	[smem:$0x3FAE] =	sst s8  }
0x11: {  	[smem:$0x3FAF] =	sst s9;
	s0 =	simm.s32 @!p0 $0x0  }
0x12: {  	s1 =	sld [smem:$0x3F95];
	s0 =	simm.s32 @p0 $0x1  }
0x13: {  	[smem:$0x3FB0] =	sst s0;
	s0 =	simm.s32 @!p1 $0x0  }
0x14: {  	s2 =	sld [smem:$0x3F94];
	s0 =	simm.s32 @p1 $0x1  }
0x15: {  	[smem:$0x3FB1] =	sst s0;
	s0 =	simm.s32 @!p2 $0x0  }
0x16: {  	s3 =	sld [smem:$0x3FDB];
	s0 =	simm.s32 @p2 $0x1  }
0x17: {  	s4 =	simm.s32 $0x1BF5;
	[smem:$0x3FB3] =	sst s0  }
0x18: {  	s0 =	sld [smem:$0x3F96];
	_ =	swait.ge [sflag:s4], $0x0  }
0x19: {  	s7 =	sld [smem:$0x3F97]  }
0x1a: {  	s8 =	sadd.s32 $0xFFFFE003, lr  }
0x1b: {  	s9 =	sadd.s32 $0xFFFFFEF7, lr;
	s5 =	simm.s32 $0xFFFFFFFF;
	p2 =	slt.u32 s8, $0xFFFFF086  }
0x1c: {  	p1 =	slt.u32 s9, $0xF7A;
	s5 =	simm.s32 @!p2 $0x0  }
0x1d: {  	s5 =	simm.s32 @p1 $0x1;
	p0 =	seq.s32 s7, s2  }
0x1e: {  	s7 =	smul.u32 @!p0 $0xF7A, s2;
	p2 =	seq.s32 @!p0 s5, $0x0  }
0x1f: {  	s9 =	smul.u32 $0xF7A, s1;
	s8 =	simm.s32 @!p0 $0x1BF5;
	p2 =	por !p2, p0  }
0x20: {  	[sflag:s8] =	ssyncset.s32 @!p0 $0xFFFFF086;
	s6 =	sadd.s32 @!p0 s3, s7;
	s7 =	simm.s32 @!p0 $0x108  }
0x21: {  	s3 =	sadd.s32 s3, s9;
	s6 =	sadd.s32 @!p0 $0x88, s6;
	s7 =	simm.s32 @p2 $0x1082  }
0x22: {  	[simem:s7], [sflag:s8] =	dma.local @!p0 [hbm:s6], $0xF7A  }
0x23: {  	s9 =	sor.u32 $0xD0000000, s2;
	s6 =	simm.s32 $0x108;
	_ =	swait.ge @!p0 [sflag:s8], $0x0  }
0x24: {  	s3 =	sadd.s32 $0x88, s3;
	s6 =	simm.s32 @!p1 $0x1082;
	[sflag:s4] =	ssyncset.s32 $0xFFFFF086  }
0x25: {  	[simem:s6], [sflag:s4] =	dma.local [hbm:s3], $0xF7A  }
0x26: {  	[smem:$0x3F97] =	sst s1;
	(tag) =	ssettag s2;
	_ =	strace s9  }
0x27: {  	s1 =	sld [smem:$0x3FA7]  }
0x28: {  	s2 =	sld [smem:$0x3FA8]  }
0x29: {  	s4 =	sld [smem:$0x3FAA]  }
0x2a: {  	p0 =	seq.s32 s5, $0x0;
	s5 =	sld [smem:$0x3FAB]  }
0x2b: {  	s6 =	sld [smem:$0x3FAC]  }
0x2c: {  	s7 =	sld [smem:$0x3FAD]  }
0x2d: {  	s3 =	simm.s32 $0x108;
	s8 =	sld [smem:$0x3FAE]  }
0x2e: {  	s3 =	simm.s32 @!p0 $0x1082;
	s9 =	sld [smem:$0x3FAF]  }
0x2f: {  	lr =	sadd.s32 s0, s3;
	s0 =	sld [smem:$0x3FA6]  }
0x30: {  	s3 =	sld [smem:$0x3FA9]  }
0x31: {  	[smem:$0x3FB2] =	sst s10  }
0x32: {  	s10 =	sld [smem:$0x3FB0];
	_ =	sdelay $0x3  }
0x33: {  	p0 =	seq.s32 s10, $0x1;
	s10 =	sld [smem:$0x3FB2];
	_ =	sdelay $0x3  }
0x34: {  	[smem:$0x3FB2] =	sst s10  }
0x35: {  	s10 =	sld [smem:$0x3FB1];
	_ =	sdelay $0x3  }
0x36: {  	p1 =	seq.s32 s10, $0x1;
	s10 =	sld [smem:$0x3FB2];
	_ =	sdelay $0x3  }
0x37: {  	[smem:$0x3FB2] =	sst s10  }
0x38: {  	s10 =	sld [smem:$0x3FB3]  }
0x39: {  	_ = 	snop;
	(pc) =	sbr.ind lr, $3  }
0x3a: {  	_ = 	snop  }
0x3b: {  	_ = 	snop  }
0x3c: {  	p2 =	seq.s32 s10, $0x1;
	s10 =	sld [smem:$0x3FB2]  }
0x3d: {  	_ =	shalt  }
0x3e: {  	_ =	shalt  }
0x3f: {  	_ =	shalt  }
0x40: {  	_ =	shalt  }
0x41: {  	_ =	shalt  }
0x42: {  	_ =	shalt  }
0x43: {  	_ =	shalt  }
0x44: {  	_ =	shalt  }
0x45: {  	_ =	shalt  }
0x46: {  	_ =	shalt  }
0x47: {  	_ =	shalt  }
0x48: {  	_ =	shalt  }
0x49: {  	_ =	shalt  }
0x4a: {  	_ =	shalt  }
0x4b: {  	_ =	shalt  }
0x4c: {  	_ =	shalt  }
0x4d: {  	_ =	shalt  }
0x4e: {  	_ =	shalt  }
0x4f: {  	_ =	shalt  }
0x50: {  	_ =	shalt  }
0x51: {  	_ =	shalt  }
0x52: {  	_ =	shalt  }
0x53: {  	_ =	shalt  }
0x54: {  	_ =	shalt  }
0x55: {  	_ =	shalt  }
0x56: {  	_ =	shalt  }
0x57: {  	_ =	shalt  }
0x58: {  	_ =	shalt  }
0x59: {  	_ =	shalt  }
0x5a: {  	_ =	shalt  }
0x5b: {  	_ =	shalt  }
0x5c: {  	_ =	shalt  }
0x5d: {  	_ =	shalt  }
0x5e: {  	_ =	shalt  }
0x5f: {  	_ =	shalt  }
0x60: {  	_ =	shalt  }
0x61: {  	_ =	shalt  }
0x62: {  	_ =	shalt  }
0x63: {  	_ =	shalt  }
0x64: {  	_ =	shalt  }
0x65: {  	_ =	shalt  }
0x66: {  	_ =	shalt  }
0x67: {  	_ =	shalt  }
0x68: {  	_ =	shalt  }
0x69: {  	_ =	shalt  }
0x6a: {  	_ =	shalt  }
0x6b: {  	_ =	shalt  }
0x6c: {  	_ =	shalt  }
0x6d: {  	_ =	shalt  }
0x6e: {  	_ =	shalt  }
0x6f: {  	_ =	shalt  }
0x70: {  	_ =	shalt  }
0x71: {  	_ =	shalt  }
0x72: {  	_ =	shalt  }
0x73: {  	_ =	shalt  }
0x74: {  	_ =	shalt  }
0x75: {  	_ =	shalt  }
0x76: {  	_ =	shalt  }
0x77: {  	_ =	shalt  }
0x78: {  	_ =	shalt  }
0x79: {  	_ =	shalt  }
0x7a: {  	_ =	shalt  }
0x7b: {  	_ =	shalt  }
0x7c: {  	_ =	shalt  }
0x7d: {  	_ =	shalt  }
0x7e: {  	_ =	shalt  }
0x7f: {  	_ =	shalt  }
0x80: {  	_ =	shalt  }
0x81: {  	_ =	shalt  }
0x82: {  	_ =	shalt  }
0x83: {  	_ =	shalt  }
0x84: {  	_ =	shalt  }
0x85: {  	_ =	shalt  }
0x86: {  	_ =	shalt  }
0x87: {  	_ =	shalt  }
.Lfunc_end0:
.L_simem_size_0:
called_computation_lowered:
.L_overlay_start_0:
0x88: {  	s2 =	sld [smem:$0x3FD9]  }
0x89: {  	s3 =	sld [smem:$0x3FFE];
	_ =	sdelay $0x1  }
0x8a: {  	s1 =	srdreg.scid  }
0x8b: {  	s0 =	sand.u32 $0x1, s1  }
0x8c: {  	s17 =	sshll.u32 s0, $0xA;
	s2 =	sadd.s32 s3, s2  }
0x8d: {  	s2 =	sadd.s32 s2, s17  }
0x8e: {  	[smem:$0x3FBE] =	sst s2  }
0x8f: {  	_ = 	snop  }
0x90: {  	s2 =	sld [smem:$0x3FC9];
	(tm) =	ssettm $0x1  }
0x91: {  	s18 =	sld [smem:$0x3FFB];
	_ =	sdelay $0x3  }
0x92: {  	_ =	strace s18  }
0x93: {  	s3 =	sld [smem:$0x3FFC];
	_ =	sdelay $0x3  }
0x94: {  	_ =	strace s3  }
0x95: {  	s3 =	sld [smem:$0x3FFD];
	_ =	sdelay $0x3  }
0x96: {  	_ =	strace s3  }
0x97: {  	_ =	strace $0x8FFFFFFF  }
0x98: {  	s19 =	sld [smem:$0x3FDB];
	_ =	sdelay $0x1  }
0x99: {  	s4 =	simm.s32 $_scs_section_size  }
0x9a: {  	s5 =	simm.s32 $_size__tile_overlayer_lowered;
	s6 =	simm.s32 $_tile_overlayer_lowered  }
0x9b: {  	s22 =	simm.s32 $0x1BFF;
	s21 =	sshll.u32 s6, $0x1;
	s3 =	sadd.s32 s4, s19  }
0x9c: {  	s7 =	simm.s32 $0x0;
	s20 =	sshll.u32 s5, $0x1;
	s5 =	sadd.s32 s21, s3  }
0x9d: {  	[timem:s7], [sflag:s22] =	dma.local [hbm:s5], s20  }
0x9e: {  	_ =	swait.ge [sflag:s22], s20  }
0x9f: {  	s4 =	ssub.s32 $0x0, s20;
	[sflag:s22] =	ssyncset.done $0x0  }
0xa0: {  	[sflag:s22] =	ssyncadd.s32 s4;
	_ =	sdelay $0x1  }
0xa1: {  	s23 =	simm.s32 $0x1B8B  }
0xa2: {  	_ =	swait.ge [sflag:s23], $0x1  }
0xa3: {  	[sflag:s23] =	ssyncset.done $0x0  }
0xa4: {  	s25 =	simm.s32 $0x1B8E;
	s24 =	sld [smem:$0x3FFE];
	[sflag:s23] =	ssyncadd.s32 $0xFFFFFFFF  }
0xa5: {  	s26 =	simm.s32 $execute0_lowered;
	[smem:$0x3FD2] =	sst s25  }
0xa6: {  	s5 =	sshll.u32 s26, $0x1;
	_ =	strace $0x80000046;
	[dreg:$0x1] =	wrdreg $0xFFFFFFFF  }
0xa7: {  	s28 =	simm.s32 $_size_execute0_lowered;
	s3 =	sadd.s32 s3, s5;
	[dreg:$0x0] =	wrdreg $0x0  }
0xa8: {  	s5 =	sshll.u32 s28, $0x1;
	[dreg:$0x2] =	wrdreg s3  }
0xa9: {  	[dreg:$0x3] =	wrdreg s5  }
0xaa: {  	[dreg:$0x4] =	wrdreg $0xC0  }
0xab: {  	_ =	task [dreg:s7], $0x5FFFF  }
0xac: {  	[dreg:$0x1] =	wrdreg $0xFFFFFFFF  }
0xad: {  	[dreg:$0x0] =	wrdreg $0x60  }
0xae: {  	[dreg:$0x2] =	wrdreg s2  }
0xaf: {  	[dreg:$0x3] =	wrdreg s24  }
0xb0: {  	[dreg:$0x4] =	wrdreg $0x0  }
0xb1: {  	[dreg:$0x5] =	wrdreg $0x9  }
0xb2: {  	_ =	task.clear_ibuf [dreg:s7], $0x6FFFF;
	_ =	strace $0x90000046  }
0xb3: {  	s29 =	simm.s32 $0x9;
	_ =	strace $0x80000048  }
0xb4: {  	_ =	swait.ge [sflag:s29], $0x1  }
0xb5: {  	[sflag:s29] =	ssyncadd.s32 $0xFFFFFFFF  }
0xb6: {  	_ =	strace $0x90000048  }
0xb7: {  	_ =	sfence  }
0xb8: {  	s30 =	sld [smem:$0x0];
	_ =	sdelay $0x2  }
0xb9: {  	s31 =	sshll.u32 s1, $0xD;
	s1 =	sshrl.u32 s1, $0x2  }
0xba: {  	s3 =	sand.u32 $0x4000, s31;
	s1 =	sadd.s32 s1, s30  }
0xbb: {  	s0 =	sor.u32 s3, s0;
	s1 =	sshll.u32 s1, $0x11  }
0xbc: {  	s0 =	sor.u32 s1, s0  }
0xbd: {  	s0 =	sadd.s32 $0x8F2B, s0  }
0xbe: {  	[sflag:s0] =	ssyncadd.remote.s32 $0x1  }
0xbf: {  	_ =	sfence.sel $0xFFFF  }
0xc0: {  	[dreg:$0x0] =	wrdreg $0xFFFFFFFF;
	(pc) =	sbr.abs _section_cstart, $3  }
0xc1: {  	[dreg:$0x1] =	wrdreg $0xFFFFFFFF  }
0xc2: {  	_ =	task.clear_ibuf [dreg:s7], $0x2FFFF;
	_ =	strace $0x9FFFFFFF  }
0xc3: {  	(tm) =	ssettm $0x7FFFFFFF  }
tec
execute0_lowered:
.L_overlay_start_1:
0x0: {  	(tag) =	ssettag $0x1  }
0x1: {  	s1 =	rddreg [dreg:$0x0]  }
0x2: {  	s0 =	rddreg [dreg:$0x1]  }
0x3: {  	s2 =	rddreg [dreg:$0x2];
	s13 =	stileid.u32  }
0x4: {  	s3 =	srdreg.scid;
	s6 =	smul.u32 $0x14000, s13  }
0x5: {  	s4 =	simm.s32 $0x0;
	s29 =	simm.s32 $0x14000;
	s10 =	smul.u32 $0x50000, s13  }
0x6: {  	s30 =	simm.s32 $0x7;
	s3 =	sand.u32 $0x1, s3;
	s23 =	smul.u32 $0x50, s13  }
0x7: {  	s31 =	simm.s32 $0x1C000;
	[smem:$0x7FF] =	sst s4;
	s5 =	smul.u32 $0x140000, s3  }
0x8: {  	s12 =	sshll.u32 s3, $0x4;
	s9 =	ssub.s32 $0x2, s3;
	s3 =	smul.u32 $0x500, s3  }
0x9: {  	s7 =	sadd.s32 $0xA600, s0;
	s8 =	sadd.s32 $0x600, s0;
	s14 =	sshrl.u32 s10, $0x2  }
0xa: {  	s5 =	sadd.s32 s6, s5;
	s6 =	sor.u32 s13, s12;
	s3 =	sadd.s32 s23, s3  }
0xb: {  	s5 =	sshrl.u32 s5, $0x3;
	s12 =	smul.u32 $0x500, s6;
	s3 =	sshll.u32 s3, $0x4  }
0xc: {  	s0 =	sadd.s32 s5, s0;
	s5 =	sadd.s32 s14, s2;
	s14 =	sadd.s32 s3, s7  }
0xd: {  	_ =	strace $0x80000047;
	s15 =	sadd.s32 s7, s12;
	[dreg:$0x4] =	wrdreg s14  }
0xe: {  	s11 =	sshrl.u32 s9, $0x1;
	s17 =	sadd.s32 s8, s12;
	[dreg:$0xa] =	wrdreg s15  }
0xf: {  	s9 =	ssub.s32 s9, s11;
	s23 =	sadd.s32 $0x4000, s5;
	[dreg:$0xb] =	wrdreg s17  }
0x10: {  	s16 =	sor.u32 $0x10, s12;
	s0 =	sadd.s32 $0x14600, s0;
	[dreg:$0x1a] =	wrdreg s23  }
0x11: {  	s6 =	smul.u32 $0x2800, s6;
	s18 =	sadd.s32 s7, s16;
	[dreg:$0x1c] =	wrdreg s0  }
0x12: {  	s19 =	sor.u32 $0x20, s12;
	s10 =	sadd.s32 s8, s16;
	[dreg:$0xc] =	wrdreg s18  }
0x13: {  	s22 =	sor.u32 $0x30, s12;
	s20 =	sadd.s32 s7, s19;
	[dreg:$0xd] =	wrdreg s10  }
0x14: {  	s25 =	sor.u32 $0x40, s12;
	s21 =	sadd.s32 s8, s19;
	[dreg:$0xe] =	wrdreg s20  }
0x15: {  	s12 =	sor.u32 $0x50, s12;
	s24 =	sadd.s32 s7, s22;
	[dreg:$0xf] =	wrdreg s21  }
0x16: {  	s6 =	sshrl.u32 s6, $0x3;
	s26 =	sadd.s32 s7, s25;
	[dreg:$0x10] =	wrdreg s24  }
0x17: {  	s28 =	sadd.s32 $0x10000, s5;
	s11 =	sadd.s32 s7, s12;
	[dreg:$0x12] =	wrdreg s26  }
0x18: {  	s14 =	simm.s32 $0x1C180;
	s13 =	sadd.s32 s8, s12;
	[dreg:$0x14] =	wrdreg s11  }
0x19: {  	s15 =	sadd.s32 s3, s8;
	s16 =	sor.u32 $0x80, s3;
	[dreg:$0x15] =	wrdreg s13  }
0x1a: {  	s3 =	sor.u32 $0x60, s3;
	s10 =	sadd.s32 s8, s22;
	[dreg:$0x5] =	wrdreg s15  }
0x1b: {  	s19 =	sadd.s32 $0x4E0, s6;
	s17 =	sadd.s32 s16, s7;
	[dreg:$0x11] =	wrdreg s10  }
0x1c: {  	s6 =	sadd.s32 $0x4F0, s6;
	s18 =	sadd.s32 s16, s8;
	[dreg:$0x6] =	wrdreg s17  }
0x1d: {  	s0 =	simm.s32 $0x1C200;
	s20 =	sadd.s32 s3, s7;
	[dreg:$0x7] =	wrdreg s18  }
0x1e: {  	s12 =	simm.s32 $0x18000;
	s21 =	sadd.s32 s7, s19;
	[dreg:$0x8] =	wrdreg s20  }
0x1f: {  	s22 =	sadd.s32 s8, s19;
	s7 =	sadd.s32 s7, s6;
	[dreg:$0x16] =	wrdreg s21  }
0x20: {  	s3 =	sadd.s32 s3, s8;
	s6 =	sadd.s32 s8, s6;
	[dreg:$0x17] =	wrdreg s22  }
0x21: {  	s24 =	sadd.s32 $0x8000, s5;
	s26 =	sadd.s32 $0xC000, s5;
	[dreg:$0x18] =	wrdreg s7  }
0x22: {  	s11 =	simm.s32 $0x2;
	s13 =	simm.s32 $0x5;
	[dreg:$0x19] =	wrdreg s6  }
0x23: {  	s15 =	simm.s32 $0x1C380;
	s16 =	simm.s32 $0x3;
	[dreg:$0x9] =	wrdreg s3  }
0x24: {  	s19 =	simm.s32 $0x0;
	s10 =	sadd.s32 s8, s25;
	[dreg:$0x1b] =	wrdreg s24  }
0x25: {  	s25 =	smax.u32 s9, $0x1;
	[dreg:$0x1e] =	wrdreg s26;
	s3 =	simm.s32 $0x1C080  }
0x26: {  	s6 =	simm.s32 $0x1C280;
	s7 =	simm.s32 $0x1;
	s8 =	simm.s32 $0x80  }
0x27: {  	s9 =	simm.s32 $0x1C100;
	s17 =	simm.s32 $0x6;
	[dreg:$0x13] =	wrdreg s10  }
0x28: {  	v0 =	vimm.f32 $0.0e+00;
	s18 =	simm.s32 $0x4;
	[dreg:$0x1d] =	wrdreg s25;
	s10 =	simm.s32 $0x1C300  }
.LBB2_1:
0x29: {  	s20 =	simm.s32 $0x0;
	s21 =	simm.s32 $0x200  }
.LBB2_2:
0x2a: {  	p0 =	sne.s32 s21, $0xFE00;
	[tilespmem:s20+$0x14070] =	vst v0  }
0x2b: {  	[tilespmem:s20+$0x14000] =	vst v0  }
0x2c: {  	[tilespmem:s20+$0x14010] =	vst v0  }
.Ltmp0:
0x2d: {  	[tilespmem:s20+$0x14020] =	vst v0;
	(pc) =	sbr.rel @p0 .LBB2_2-.Ltmp0, $4  }
0x2e: {  	[tilespmem:s20+$0x14030] =	vst v0  }
0x2f: {  	[tilespmem:s20+$0x14040] =	vst v0  }
0x30: {  	[tilespmem:s20+$0x14050] =	vst v0  }
0x31: {  	[tilespmem:s20+$0x14060] =	vst v0;
	s20 =	sshra.s32 s21, $0x2;
	s21 =	sadd.s32 $0x200, s21  }
0x32: {  	[tilespmem:s20+$0x14070] =	vst v0  }
0x33: {  	[tilespmem:s20+$0x14000] =	vst v0  }
0x34: {  	[tilespmem:s20+$0x14010] =	vst v0  }
0x35: {  	[tilespmem:s20+$0x14020] =	vst v0  }
0x36: {  	[tilespmem:s20+$0x14030] =	vst v0  }
0x37: {  	[tilespmem:s20+$0x14040] =	vst v0  }
0x38: {  	[tilespmem:s20+$0x14050] =	vst v0  }
0x39: {  	[tilespmem:s20+$0x14060] =	vst v0  }
0x3a: {  	[spmem:s5] =	stream.linear.scatter [tilespmem:s29], [sflag:$0x7], $0x4000, $0x38;
	[tilespmem:$0x1C400] =	vst v63  }
0x3b: {  	_ =	swait.ge [sflag:s30], $0x4000  }
0x3c: {  	[sflag:s30] =	ssyncset.done $0x0  }
0x3d: {  	s23 =	rddreg [dreg:$0x1a];
	[sflag:s30] =	ssyncadd.s32 $0xFFFFC000  }
0x3e: {  	[spmem:s23] =	stream.linear.scatter [tilespmem:s29], [sflag:$0x7], $0x4000, $0x38;
	[tilespmem:$0x1C400] =	vst v63  }
0x3f: {  	_ =	swait.ge [sflag:s30], $0x4000  }
0x40: {  	[sflag:s30] =	ssyncset.done $0x0  }
0x41: {  	s24 =	rddreg [dreg:$0x1b];
	[sflag:s30] =	ssyncadd.s32 $0xFFFFC000  }
0x42: {  	[spmem:s24] =	stream.linear.scatter [tilespmem:s29], [sflag:$0x7], $0x4000, $0x38;
	[tilespmem:$0x1C400] =	vst v63  }
0x43: {  	_ =	swait.ge [sflag:s30], $0x4000  }
0x44: {  	[sflag:s30] =	ssyncset.done $0x0  }
0x45: {  	s25 =	rddreg [dreg:$0x1e];
	[sflag:s30] =	ssyncadd.s32 $0xFFFFC000  }
0x46: {  	[spmem:s25] =	stream.linear.scatter [tilespmem:s29], [sflag:$0x7], $0x4000, $0x38;
	[tilespmem:$0x1C400] =	vst v63  }
0x47: {  	_ =	swait.ge [sflag:s30], $0x4000  }
0x48: {  	[sflag:s30] =	ssyncset.done $0x0  }
0x49: {  	[sflag:s30] =	ssyncadd.s32 $0xFFFFC000  }
0x4a: {  	[spmem:s28] =	stream.linear.scatter [tilespmem:s29], [sflag:$0x7], $0x4000, $0x38;
	[tilespmem:$0x1C400] =	vst v63  }
0x4b: {  	_ =	swait.ge [sflag:s30], $0x4000  }
0x4c: {  	[sflag:s30] =	ssyncset.done $0x0  }
0x4d: {  	[sflag:s30] =	ssyncadd.s32 $0xFFFFC000  }
0x4e: {  	[bflag:$0x0] =	sbarrier.arrive $0xFFFF  }
0x4f: {  	s20 =	simm.s32 $0x0;
	s21 =	rddreg [dreg:$0xa]  }
0x50: {  	[tilespmem:s31], [sflag:$0x1] =	stream.linear.gather [hbm4b:s21+s20], $0x80, $0x38;
	[tilespmem:$0x1C400] =	vst v63  }
0x51: {  	s26 =	rddreg [dreg:$0xb]  }
0x52: {  	[tilespmem:s0], [sflag:$0x1] =	stream.linear.gather [hbm4b:s26+s20], $0x80, $0x38;
	[tilespmem:$0x1C400] =	vst v63  }
0x53: {  	s22 =	rddreg [dreg:$0xc]  }
0x54: {  	[tilespmem:s3], [sflag:$0x2] =	stream.linear.gather [hbm4b:s22+s20], $0x80, $0x38;
	[tilespmem:$0x1C400] =	vst v63  }
0x55: {  	s23 =	rddreg [dreg:$0xd]  }
0x56: {  	[tilespmem:s6], [sflag:$0x2] =	stream.linear.gather [hbm4b:s23+s20], $0x80, $0x38;
	[tilespmem:$0x1C400] =	vst v63  }
0x57: {  	_ =	swait.ge [sflag:s7], $0x80  }
0x58: {  	[sflag:s7] =	ssyncset.done $0x0  }
0x59: {  	[sflag:s7] =	ssyncadd.s32 $0xFFFFFF80  }
0x5a: {  	_ =	swait.ge [sflag:s7], $0x80  }
0x5b: {  	[sflag:s7] =	ssyncset.done $0x0  }
0x5c: {  	[sflag:s7] =	ssyncadd.s32 $0xFFFFFF80  }
0x5d: {  	[tilespmem:s29], [sflag:$0x5] =	stream.indirect.gather [hbm4b:s1+s8], $0x80, s31, s8, $0xb8;
	[tilespmem:$0x1C400] =	vst v63  }
0x5e: {  	s24 =	rddreg [dreg:$0xe]  }
0x5f: {  	[tilespmem:s9], [sflag:$0x3] =	stream.linear.gather [hbm4b:s24+s20], $0x80, $0x38;
	[tilespmem:$0x1C400] =	vst v63  }
0x60: {  	s25 =	rddreg [dreg:$0xf]  }
0x61: {  	[tilespmem:s10], [sflag:$0x3] =	stream.linear.gather [hbm4b:s25+s20], $0x80, $0x38;
	[tilespmem:$0x1C400] =	vst v63  }
0x62: {  	_ =	swait.ge [sflag:s11], $0x80  }
0x63: {  	[sflag:s11] =	ssyncset.done $0x0  }
0x64: {  	[sflag:s11] =	ssyncadd.s32 $0xFFFFFF80  }
0x65: {  	_ =	swait.ge [sflag:s11], $0x80  }
0x66: {  	[sflag:s11] =	ssyncset.done $0x0  }
0x67: {  	[sflag:s11] =	ssyncadd.s32 $0xFFFFFF80  }
0x68: {  	[tilespmem:s12], [sflag:$0x6] =	stream.indirect.gather [hbm4b:s1+s8], $0x80, s3, s8, $0xb8;
	[tilespmem:$0x1C400] =	vst v63  }
0x69: {  	_ =	swait.ge [sflag:s13], $0x4000  }
0x6a: {  	[sflag:s13] =	ssyncset.done $0x0  }
0x6b: {  	[sflag:s13] =	ssyncadd.s32 $0xFFFFC000  }
0x6c: {  	[spmem:s2] =	stream.indirect.scatter.add.f32 [tilespmem:s29], [sflag:$0x7], $0x80, s0, s8, $0xb8;
	[tilespmem:$0x1C400] =	vst v63  }
0x6d: {  	_ =	swait.ge [sflag:s30], $0x4000  }
0x6e: {  	[sflag:s30] =	ssyncset.done $0x0  }
0x6f: {  	s26 =	rddreg [dreg:$0x10];
	[sflag:s30] =	ssyncadd.s32 $0xFFFFC000  }
0x70: {  	[tilespmem:s14], [sflag:$0x4] =	stream.linear.gather [hbm4b:s26+s20], $0x80, $0x38;
	[tilespmem:$0x1C400] =	vst v63  }
0x71: {  	s22 =	rddreg [dreg:$0x11]  }
0x72: {  	[tilespmem:s15], [sflag:$0x4] =	stream.linear.gather [hbm4b:s22+s20], $0x80, $0x38;
	[tilespmem:$0x1C400] =	vst v63  }
0x73: {  	_ =	swait.ge [sflag:s16], $0x80  }
0x74: {  	[sflag:s16] =	ssyncset.done $0x0  }
0x75: {  	[sflag:s16] =	ssyncadd.s32 $0xFFFFFF80  }
0x76: {  	_ =	swait.ge [sflag:s16], $0x80  }
0x77: {  	[sflag:s16] =	ssyncset.done $0x0  }
0x78: {  	[sflag:s16] =	ssyncadd.s32 $0xFFFFFF80  }
0x79: {  	[tilespmem:s29], [sflag:$0x5] =	stream.indirect.gather [hbm4b:s1+s8], $0x80, s9, s8, $0xb8;
	[tilespmem:$0x1C400] =	vst v63  }
0x7a: {  	_ =	swait.ge [sflag:s17], $0x4000  }
0x7b: {  	[sflag:s17] =	ssyncset.done $0x0  }
0x7c: {  	[sflag:s17] =	ssyncadd.s32 $0xFFFFC000  }
0x7d: {  	[spmem:s2] =	stream.indirect.scatter.add.f32 [tilespmem:s12], [sflag:$0x7], $0x80, s6, s8, $0xb8;
	[tilespmem:$0x1C400] =	vst v63  }
0x7e: {  	_ =	swait.ge [sflag:s30], $0x4000  }
0x7f: {  	[sflag:s30] =	ssyncset.done $0x0  }
0x80: {  	s23 =	rddreg [dreg:$0x12];
	[sflag:s30] =	ssyncadd.s32 $0xFFFFC000  }
0x81: {  	[tilespmem:s31], [sflag:$0x1] =	stream.linear.gather [hbm4b:s23+s20], $0x80, $0x38;
	[tilespmem:$0x1C400] =	vst v63  }
0x82: {  	s24 =	rddreg [dreg:$0x13]  }
0x83: {  	[tilespmem:s0], [sflag:$0x1] =	stream.linear.gather [hbm4b:s24+s20], $0x80, $0x38;
	[tilespmem:$0x1C400] =	vst v63  }
0x84: {  	_ =	swait.ge [sflag:s18], $0x80  }
0x85: {  	[sflag:s18] =	ssyncset.done $0x0  }
0x86: {  	[sflag:s18] =	ssyncadd.s32 $0xFFFFFF80  }
0x87: {  	_ =	swait.ge [sflag:s18], $0x80  }
0x88: {  	[sflag:s18] =	ssyncset.done $0x0  }
0x89: {  	[sflag:s18] =	ssyncadd.s32 $0xFFFFFF80  }
0x8a: {  	[tilespmem:s12], [sflag:$0x6] =	stream.indirect.gather [hbm4b:s1+s8], $0x80, s14, s8, $0xb8;
	[tilespmem:$0x1C400] =	vst v63  }
0x8b: {  	_ =	swait.ge [sflag:s13], $0x4000  }
0x8c: {  	[sflag:s13] =	ssyncset.done $0x0  }
0x8d: {  	[sflag:s13] =	ssyncadd.s32 $0xFFFFC000  }
0x8e: {  	[spmem:s2] =	stream.indirect.scatter.add.f32 [tilespmem:s29], [sflag:$0x7], $0x80, s10, s8, $0xb8;
	[tilespmem:$0x1C400] =	vst v63  }
0x8f: {  	_ =	swait.ge [sflag:s30], $0x4000  }
0x90: {  	[sflag:s30] =	ssyncset.done $0x0  }
0x91: {  	s25 =	rddreg [dreg:$0x14];
	[sflag:s30] =	ssyncadd.s32 $0xFFFFC000  }
0x92: {  	[tilespmem:s3], [sflag:$0x2] =	stream.linear.gather [hbm4b:s25+s20], $0x80, $0x38;
	[tilespmem:$0x1C400] =	vst v63  }
0x93: {  	s26 =	rddreg [dreg:$0x15]  }
0x94: {  	[tilespmem:s6], [sflag:$0x2] =	stream.linear.gather [hbm4b:s26+s20], $0x80, $0x38;
	[tilespmem:$0x1C400] =	vst v63  }
0x95: {  	_ =	swait.ge [sflag:s7], $0x80  }
0x96: {  	[sflag:s7] =	ssyncset.done $0x0  }
0x97: {  	[sflag:s7] =	ssyncadd.s32 $0xFFFFFF80  }
0x98: {  	_ =	swait.ge [sflag:s7], $0x80  }
0x99: {  	[sflag:s7] =	ssyncset.done $0x0  }
0x9a: {  	[sflag:s7] =	ssyncadd.s32 $0xFFFFFF80  }
0x9b: {  	[tilespmem:s29], [sflag:$0x5] =	stream.indirect.gather [hbm4b:s1+s8], $0x80, s31, s8, $0xb8;
	[tilespmem:$0x1C400] =	vst v63  }
0x9c: {  	_ =	swait.ge [sflag:s17], $0x4000  }
0x9d: {  	[sflag:s17] =	ssyncset.done $0x0  }
0x9e: {  	[sflag:s17] =	ssyncadd.s32 $0xFFFFC000  }
0x9f: {  	[spmem:s2] =	stream.indirect.scatter.add.f32 [tilespmem:s12], [sflag:$0x7], $0x80, s15, s8, $0xb8;
	[tilespmem:$0x1C400] =	vst v63  }
0xa0: {  	_ =	swait.ge [sflag:s30], $0x4000  }
0xa1: {  	s22 =	rddreg [dreg:$0x8];
	[sflag:s30] =	ssyncset.done $0x0  }
0xa2: {  	s23 =	rddreg [dreg:$0x9];
	[sflag:s30] =	ssyncadd.s32 $0xFFFFC000;
	s20 =	sadd.s32 $0x0, s22  }
0xa3: {  	[tilespmem:s9], [sflag:$0x3] =	stream.linear.gather [hbm4b:s20+s4], $0x80, $0x38;
	[tilespmem:$0x1C400] =	vst v63  }
0xa4: {  	s24 =	sadd.s32 $0x0, s23  }
0xa5: {  	[tilespmem:s10], [sflag:$0x3] =	stream.linear.gather [hbm4b:s24+s4], $0x80, $0x38;
	[tilespmem:$0x1C400] =	vst v63  }
0xa6: {  	_ =	swait.ge [sflag:s11], $0x80  }
0xa7: {  	[sflag:s11] =	ssyncset.done $0x0  }
0xa8: {  	[sflag:s11] =	ssyncadd.s32 $0xFFFFFF80  }
0xa9: {  	_ =	swait.ge [sflag:s11], $0x80  }
0xaa: {  	[sflag:s11] =	ssyncset.done $0x0  }
0xab: {  	[sflag:s11] =	ssyncadd.s32 $0xFFFFFF80  }
0xac: {  	[tilespmem:s12], [sflag:$0x6] =	stream.indirect.gather [hbm4b:s1+s8], $0x80, s3, s8, $0xb8;
	[tilespmem:$0x1C400] =	vst v63  }
0xad: {  	_ =	swait.ge [sflag:s13], $0x4000  }
0xae: {  	[sflag:s13] =	ssyncset.done $0x0  }
0xaf: {  	[sflag:s13] =	ssyncadd.s32 $0xFFFFC000  }
0xb0: {  	[spmem:s2] =	stream.indirect.scatter.add.f32 [tilespmem:s29], [sflag:$0x7], $0x80, s0, s8, $0xb8;
	[tilespmem:$0x1C400] =	vst v63  }
0xb1: {  	_ =	swait.ge [sflag:s30], $0x4000  }
0xb2: {  	s25 =	rddreg [dreg:$0x4]  }
0xb3: {  	s26 =	rddreg [dreg:$0x5];
	[sflag:s30] =	ssyncset.done $0x0;
	s20 =	sadd.s32 $0x0, s25  }
0xb4: {  	[sflag:s30] =	ssyncadd.s32 $0xFFFFC000;
	s21 =	sadd.s32 $0x0, s26;
	s22 =	sadd.s32 $0x70, s20  }
0xb5: {  	[tilespmem:s14], [sflag:$0x4] =	stream.linear.gather [hbm4b:s22+s4], $0x80, $0x38;
	[tilespmem:$0x1C400] =	vst v63  }
0xb6: {  	s23 =	sadd.s32 $0x70, s21  }
0xb7: {  	[tilespmem:s15], [sflag:$0x4] =	stream.linear.gather [hbm4b:s23+s4], $0x80, $0x38;
	[tilespmem:$0x1C400] =	vst v63  }
0xb8: {  	_ =	swait.ge [sflag:s16], $0x80  }
0xb9: {  	[sflag:s16] =	ssyncset.done $0x0  }
0xba: {  	[sflag:s16] =	ssyncadd.s32 $0xFFFFFF80  }
0xbb: {  	_ =	swait.ge [sflag:s16], $0x80  }
0xbc: {  	[sflag:s16] =	ssyncset.done $0x0  }
0xbd: {  	[sflag:s16] =	ssyncadd.s32 $0xFFFFFF80  }
0xbe: {  	[tilespmem:s29], [sflag:$0x5] =	stream.indirect.gather [hbm4b:s1+s8], $0x80, s9, s8, $0xb8;
	[tilespmem:$0x1C400] =	vst v63  }
0xbf: {  	_ =	swait.ge [sflag:s17], $0x4000  }
0xc0: {  	[sflag:s17] =	ssyncset.done $0x0  }
0xc1: {  	[sflag:s17] =	ssyncadd.s32 $0xFFFFC000  }
0xc2: {  	[spmem:s2] =	stream.indirect.scatter.add.f32 [tilespmem:s12], [sflag:$0x7], $0x80, s6, s8, $0xb8;
	[tilespmem:$0x1C400] =	vst v63  }
0xc3: {  	_ =	swait.ge [sflag:s30], $0x4000  }
0xc4: {  	s24 =	rddreg [dreg:$0x6];
	[sflag:s30] =	ssyncset.done $0x0  }
0xc5: {  	s23 =	rddreg [dreg:$0x7];
	[sflag:s30] =	ssyncadd.s32 $0xFFFFC000;
	s22 =	sadd.s32 $0x0, s24  }
0xc6: {  	[tilespmem:s31], [sflag:$0x1] =	stream.linear.gather [hbm4b:s22+s4], $0x80, $0x38;
	[tilespmem:$0x1C400] =	vst v63  }
0xc7: {  	s25 =	sadd.s32 $0x0, s23  }
0xc8: {  	[tilespmem:s0], [sflag:$0x1] =	stream.linear.gather [hbm4b:s25+s4], $0x80, $0x38;
	[tilespmem:$0x1C400] =	vst v63  }
0xc9: {  	_ =	swait.ge [sflag:s18], $0x80  }
0xca: {  	[sflag:s18] =	ssyncset.done $0x0  }
0xcb: {  	[sflag:s18] =	ssyncadd.s32 $0xFFFFFF80  }
0xcc: {  	_ =	swait.ge [sflag:s18], $0x80  }
0xcd: {  	[sflag:s18] =	ssyncset.done $0x0  }
0xce: {  	[sflag:s18] =	ssyncadd.s32 $0xFFFFFF80  }
0xcf: {  	[tilespmem:s12], [sflag:$0x6] =	stream.indirect.gather [hbm4b:s1+s8], $0x80, s14, s8, $0xb8;
	[tilespmem:$0x1C400] =	vst v63  }
0xd0: {  	_ =	swait.ge [sflag:s13], $0x4000  }
0xd1: {  	[sflag:s13] =	ssyncset.done $0x0  }
0xd2: {  	[sflag:s13] =	ssyncadd.s32 $0xFFFFC000  }
0xd3: {  	[spmem:s2] =	stream.indirect.scatter.add.f32 [tilespmem:s29], [sflag:$0x7], $0x80, s10, s8, $0xb8;
	[tilespmem:$0x1C400] =	vst v63  }
0xd4: {  	_ =	swait.ge [sflag:s30], $0x4000  }
0xd5: {  	[sflag:s30] =	ssyncset.done $0x0  }
0xd6: {  	s20 =	sadd.s32 $0x90, s20;
	[sflag:s30] =	ssyncadd.s32 $0xFFFFC000  }
0xd7: {  	[tilespmem:s3], [sflag:$0x2] =	stream.linear.gather [hbm4b:s20+s4], $0x80, $0x38;
	[tilespmem:$0x1C400] =	vst v63  }
0xd8: {  	s26 =	sadd.s32 $0x90, s21  }
0xd9: {  	[tilespmem:s6], [sflag:$0x2] =	stream.linear.gather [hbm4b:s26+s4], $0x80, $0x38;
	[tilespmem:$0x1C400] =	vst v63  }
0xda: {  	_ =	swait.ge [sflag:s7], $0x80  }
0xdb: {  	[sflag:s7] =	ssyncset.done $0x0  }
0xdc: {  	[sflag:s7] =	ssyncadd.s32 $0xFFFFFF80  }
0xdd: {  	_ =	swait.ge [sflag:s7], $0x80  }
0xde: {  	[sflag:s7] =	ssyncset.done $0x0  }
0xdf: {  	[sflag:s7] =	ssyncadd.s32 $0xFFFFFF80  }
0xe0: {  	[tilespmem:s29], [sflag:$0x5] =	stream.indirect.gather [hbm4b:s1+s8], $0x80, s31, s8, $0xb8;
	[tilespmem:$0x1C400] =	vst v63  }
0xe1: {  	_ =	swait.ge [sflag:s17], $0x4000  }
0xe2: {  	[sflag:s17] =	ssyncset.done $0x0  }
0xe3: {  	[sflag:s17] =	ssyncadd.s32 $0xFFFFC000  }
0xe4: {  	[spmem:s2] =	stream.indirect.scatter.add.f32 [tilespmem:s12], [sflag:$0x7], $0x80, s15, s8, $0xb8;
	[tilespmem:$0x1C400] =	vst v63  }
0xe5: {  	s21 =	simm.s32 $0x80;
	s20 =	simm.s32 $0x40;
	_ =	swait.ge [sflag:s30], $0x4000  }
.LBB2_4:
0xe6: {  	s23 =	rddreg [dreg:$0x8];
	[sflag:s30] =	ssyncset.done $0x0  }
0xe7: {  	s24 =	rddreg [dreg:$0x9];
	[sflag:s30] =	ssyncadd.s32 $0xFFFFC000;
	s23 =	sadd.s32 s20, s23  }
0xe8: {  	[tilespmem:s9], [sflag:$0x3] =	stream.linear.gather [hbm4b:s23+s4], $0x80, $0x38;
	[tilespmem:$0x1C400] =	vst v63  }
0xe9: {  	s24 =	sadd.s32 s20, s24  }
0xea: {  	[tilespmem:s10], [sflag:$0x3] =	stream.linear.gather [hbm4b:s24+s4], $0x80, $0x38;
	[tilespmem:$0x1C400] =	vst v63  }
0xeb: {  	_ =	swait.ge [sflag:s11], $0x80  }
0xec: {  	[sflag:s11] =	ssyncset.done $0x0  }
0xed: {  	[sflag:s11] =	ssyncadd.s32 $0xFFFFFF80  }
0xee: {  	_ =	swait.ge [sflag:s11], $0x80  }
0xef: {  	[sflag:s11] =	ssyncset.done $0x0  }
0xf0: {  	[sflag:s11] =	ssyncadd.s32 $0xFFFFFF80  }
0xf1: {  	[tilespmem:s12], [sflag:$0x6] =	stream.indirect.gather [hbm4b:s1+s8], $0x80, s3, s8, $0xb8;
	[tilespmem:$0x1C400] =	vst v63  }
0xf2: {  	_ =	swait.ge [sflag:s13], $0x4000  }
0xf3: {  	[sflag:s13] =	ssyncset.done $0x0  }
0xf4: {  	[sflag:s13] =	ssyncadd.s32 $0xFFFFC000  }
0xf5: {  	[spmem:s2] =	stream.indirect.scatter.add.f32 [tilespmem:s29], [sflag:$0x7], $0x80, s0, s8, $0xb8;
	[tilespmem:$0x1C400] =	vst v63  }
0xf6: {  	_ =	swait.ge [sflag:s30], $0x4000  }
0xf7: {  	s25 =	rddreg [dreg:$0x4]  }
0xf8: {  	s26 =	rddreg [dreg:$0x5];
	[sflag:s30] =	ssyncset.done $0x0;
	s23 =	sadd.s32 s20, s25  }
0xf9: {  	[sflag:s30] =	ssyncadd.s32 $0xFFFFC000;
	s24 =	sadd.s32 s20, s26;
	s25 =	sadd.s32 $0x70, s23  }
0xfa: {  	[tilespmem:s14], [sflag:$0x4] =	stream.linear.gather [hbm4b:s25+s4], $0x80, $0x38;
	[tilespmem:$0x1C400] =	vst v63  }
0xfb: {  	s26 =	sadd.s32 $0x70, s24  }
0xfc: {  	[tilespmem:s15], [sflag:$0x4] =	stream.linear.gather [hbm4b:s26+s4], $0x80, $0x38;
	[tilespmem:$0x1C400] =	vst v63  }
0xfd: {  	_ =	swait.ge [sflag:s16], $0x80  }
0xfe: {  	[sflag:s16] =	ssyncset.done $0x0  }
0xff: {  	[sflag:s16] =	ssyncadd.s32 $0xFFFFFF80  }
0x100: {  	_ =	swait.ge [sflag:s16], $0x80  }
0x101: {  	[sflag:s16] =	ssyncset.done $0x0  }
0x102: {  	[sflag:s16] =	ssyncadd.s32 $0xFFFFFF80  }
0x103: {  	[tilespmem:s29], [sflag:$0x5] =	stream.indirect.gather [hbm4b:s1+s8], $0x80, s9, s8, $0xb8;
	[tilespmem:$0x1C400] =	vst v63  }
0x104: {  	_ =	swait.ge [sflag:s17], $0x4000  }
0x105: {  	[sflag:s17] =	ssyncset.done $0x0  }
0x106: {  	[sflag:s17] =	ssyncadd.s32 $0xFFFFC000  }
0x107: {  	[spmem:s2] =	stream.indirect.scatter.add.f32 [tilespmem:s12], [sflag:$0x7], $0x80, s6, s8, $0xb8;
	[tilespmem:$0x1C400] =	vst v63  }
0x108: {  	_ =	swait.ge [sflag:s30], $0x4000  }
0x109: {  	s25 =	rddreg [dreg:$0x6];
	[sflag:s30] =	ssyncset.done $0x0  }
0x10a: {  	s26 =	rddreg [dreg:$0x7];
	[sflag:s30] =	ssyncadd.s32 $0xFFFFC000;
	s25 =	sadd.s32 s20, s25  }
0x10b: {  	[tilespmem:s31], [sflag:$0x1] =	stream.linear.gather [hbm4b:s25+s4], $0x80, $0x38;
	[tilespmem:$0x1C400] =	vst v63  }
0x10c: {  	s26 =	sadd.s32 s20, s26  }
0x10d: {  	[tilespmem:s0], [sflag:$0x1] =	stream.linear.gather [hbm4b:s26+s4], $0x80, $0x38;
	[tilespmem:$0x1C400] =	vst v63  }
0x10e: {  	_ =	swait.ge [sflag:s18], $0x80  }
0x10f: {  	[sflag:s18] =	ssyncset.done $0x0  }
0x110: {  	[sflag:s18] =	ssyncadd.s32 $0xFFFFFF80  }
0x111: {  	_ =	swait.ge [sflag:s18], $0x80  }
0x112: {  	[sflag:s18] =	ssyncset.done $0x0  }
0x113: {  	[sflag:s18] =	ssyncadd.s32 $0xFFFFFF80  }
0x114: {  	[tilespmem:s12], [sflag:$0x6] =	stream.indirect.gather [hbm4b:s1+s8], $0x80, s14, s8, $0xb8;
	[tilespmem:$0x1C400] =	vst v63  }
0x115: {  	_ =	swait.ge [sflag:s13], $0x4000  }
0x116: {  	[sflag:s13] =	ssyncset.done $0x0  }
0x117: {  	[sflag:s13] =	ssyncadd.s32 $0xFFFFC000  }
0x118: {  	[spmem:s2] =	stream.indirect.scatter.add.f32 [tilespmem:s29], [sflag:$0x7], $0x80, s10, s8, $0xb8;
	[tilespmem:$0x1C400] =	vst v63  }
0x119: {  	_ =	swait.ge [sflag:s30], $0x4000  }
0x11a: {  	[sflag:s30] =	ssyncset.done $0x0  }
0x11b: {  	s25 =	sadd.s32 $0x90, s23;
	[sflag:s30] =	ssyncadd.s32 $0xFFFFC000  }
0x11c: {  	[tilespmem:s3], [sflag:$0x2] =	stream.linear.gather [hbm4b:s25+s4], $0x80, $0x38;
	[tilespmem:$0x1C400] =	vst v63  }
0x11d: {  	s26 =	sadd.s32 $0x90, s24  }
0x11e: {  	[tilespmem:s6], [sflag:$0x2] =	stream.linear.gather [hbm4b:s26+s4], $0x80, $0x38;
	[tilespmem:$0x1C400] =	vst v63  }
0x11f: {  	_ =	swait.ge [sflag:s7], $0x80  }
0x120: {  	[sflag:s7] =	ssyncset.done $0x0  }
0x121: {  	[sflag:s7] =	ssyncadd.s32 $0xFFFFFF80  }
0x122: {  	_ =	swait.ge [sflag:s7], $0x80  }
0x123: {  	[sflag:s7] =	ssyncset.done $0x0  }
0x124: {  	p0 =	sne.s32 s21, $0x440;
	[sflag:s7] =	ssyncadd.s32 $0xFFFFFF80  }
0x125: {  	[tilespmem:s29], [sflag:$0x5] =	stream.indirect.gather [hbm4b:s1+s8], $0x80, s31, s8, $0xb8;
	[tilespmem:$0x1C400] =	vst v63  }
.Ltmp1:
0x126: {  	_ =	swait.ge [sflag:s17], $0x4000;
	(pc) =	sbr.rel @p0 .LBB2_4-.Ltmp1, $4  }
0x127: {  	[sflag:s17] =	ssyncset.done $0x0  }
0x128: {  	s22 =	smov.u32 s21;
	[sflag:s17] =	ssyncadd.s32 $0xFFFFC000  }
0x129: {  	[spmem:s2] =	stream.indirect.scatter.add.f32 [tilespmem:s12], [sflag:$0x7], $0x80, s15, s8, $0xb8;
	[tilespmem:$0x1C400] =	vst v63  }
0x12a: {  	s21 =	sadd.s32 $0x40, s21;
	s20 =	smov.u32 s22;
	_ =	swait.ge [sflag:s30], $0x4000  }
0x12b: {  	s21 =	rddreg [dreg:$0x8];
	[sflag:s30] =	ssyncset.done $0x0  }
0x12c: {  	s22 =	rddreg [dreg:$0x9];
	[sflag:s30] =	ssyncadd.s32 $0xFFFFC000;
	s21 =	sadd.s32 s20, s21  }
0x12d: {  	[tilespmem:s9], [sflag:$0x3] =	stream.linear.gather [hbm4b:s21+s4], $0x80, $0x38;
	[tilespmem:$0x1C400] =	vst v63  }
0x12e: {  	s24 =	sadd.s32 s20, s22  }
0x12f: {  	[tilespmem:s10], [sflag:$0x3] =	stream.linear.gather [hbm4b:s24+s4], $0x80, $0x38;
	[tilespmem:$0x1C400] =	vst v63  }
0x130: {  	_ =	swait.ge [sflag:s11], $0x80  }
0x131: {  	[sflag:s11] =	ssyncset.done $0x0  }
0x132: {  	[sflag:s11] =	ssyncadd.s32 $0xFFFFFF80  }
0x133: {  	_ =	swait.ge [sflag:s11], $0x80  }
0x134: {  	[sflag:s11] =	ssyncset.done $0x0  }
0x135: {  	[sflag:s11] =	ssyncadd.s32 $0xFFFFFF80  }
0x136: {  	[tilespmem:s12], [sflag:$0x6] =	stream.indirect.gather [hbm4b:s1+s8], $0x80, s3, s8, $0xb8;
	[tilespmem:$0x1C400] =	vst v63  }
0x137: {  	_ =	swait.ge [sflag:s13], $0x4000  }
0x138: {  	[sflag:s13] =	ssyncset.done $0x0  }
0x139: {  	[sflag:s13] =	ssyncadd.s32 $0xFFFFC000  }
0x13a: {  	[spmem:s2] =	stream.indirect.scatter.add.f32 [tilespmem:s29], [sflag:$0x7], $0x80, s0, s8, $0xb8;
	[tilespmem:$0x1C400] =	vst v63  }
0x13b: {  	_ =	swait.ge [sflag:s30], $0x4000  }
0x13c: {  	s25 =	rddreg [dreg:$0x4]  }
0x13d: {  	s26 =	rddreg [dreg:$0x5];
	[sflag:s30] =	ssyncset.done $0x0;
	s21 =	sadd.s32 s20, s25  }
0x13e: {  	[sflag:s30] =	ssyncadd.s32 $0xFFFFC000;
	s22 =	sadd.s32 s20, s26;
	s23 =	sadd.s32 $0x70, s21  }
0x13f: {  	[tilespmem:s14], [sflag:$0x4] =	stream.linear.gather [hbm4b:s23+s4], $0x80, $0x38;
	[tilespmem:$0x1C400] =	vst v63  }
0x140: {  	s24 =	sadd.s32 $0x70, s22  }
0x141: {  	[tilespmem:s15], [sflag:$0x4] =	stream.linear.gather [hbm4b:s24+s4], $0x80, $0x38;
	[tilespmem:$0x1C400] =	vst v63  }
0x142: {  	_ =	swait.ge [sflag:s16], $0x80  }
0x143: {  	[sflag:s16] =	ssyncset.done $0x0  }
0x144: {  	[sflag:s16] =	ssyncadd.s32 $0xFFFFFF80  }
0x145: {  	_ =	swait.ge [sflag:s16], $0x80  }
0x146: {  	[sflag:s16] =	ssyncset.done $0x0  }
0x147: {  	[sflag:s16] =	ssyncadd.s32 $0xFFFFFF80  }
0x148: {  	[tilespmem:s29], [sflag:$0x5] =	stream.indirect.gather [hbm4b:s1+s8], $0x80, s9, s8, $0xb8;
	[tilespmem:$0x1C400] =	vst v63  }
0x149: {  	_ =	swait.ge [sflag:s17], $0x4000  }
0x14a: {  	[sflag:s17] =	ssyncset.done $0x0  }
0x14b: {  	[sflag:s17] =	ssyncadd.s32 $0xFFFFC000  }
0x14c: {  	[spmem:s2] =	stream.indirect.scatter.add.f32 [tilespmem:s12], [sflag:$0x7], $0x80, s6, s8, $0xb8;
	[tilespmem:$0x1C400] =	vst v63  }
0x14d: {  	_ =	swait.ge [sflag:s30], $0x4000  }
0x14e: {  	s25 =	rddreg [dreg:$0x6];
	[sflag:s30] =	ssyncset.done $0x0  }
0x14f: {  	s24 =	rddreg [dreg:$0x7];
	[sflag:s30] =	ssyncadd.s32 $0xFFFFC000;
	s23 =	sadd.s32 s20, s25  }
0x150: {  	[tilespmem:s31], [sflag:$0x1] =	stream.linear.gather [hbm4b:s23+s4], $0x80, $0x38;
	[tilespmem:$0x1C400] =	vst v63  }
0x151: {  	s26 =	sadd.s32 s20, s24  }
0x152: {  	[tilespmem:s0], [sflag:$0x1] =	stream.linear.gather [hbm4b:s26+s4], $0x80, $0x38;
	[tilespmem:$0x1C400] =	vst v63  }
0x153: {  	_ =	swait.ge [sflag:s18], $0x80  }
0x154: {  	[sflag:s18] =	ssyncset.done $0x0  }
0x155: {  	[sflag:s18] =	ssyncadd.s32 $0xFFFFFF80  }
0x156: {  	_ =	swait.ge [sflag:s18], $0x80  }
0x157: {  	[sflag:s18] =	ssyncset.done $0x0  }
0x158: {  	[sflag:s18] =	ssyncadd.s32 $0xFFFFFF80  }
0x159: {  	[tilespmem:s12], [sflag:$0x6] =	stream.indirect.gather [hbm4b:s1+s8], $0x80, s14, s8, $0xb8;
	[tilespmem:$0x1C400] =	vst v63  }
0x15a: {  	_ =	swait.ge [sflag:s13], $0x4000  }
0x15b: {  	[sflag:s13] =	ssyncset.done $0x0  }
0x15c: {  	[sflag:s13] =	ssyncadd.s32 $0xFFFFC000  }
0x15d: {  	[spmem:s2] =	stream.indirect.scatter.add.f32 [tilespmem:s29], [sflag:$0x7], $0x80, s10, s8, $0xb8;
	[tilespmem:$0x1C400] =	vst v63  }
0x15e: {  	_ =	swait.ge [sflag:s30], $0x4000  }
0x15f: {  	[sflag:s30] =	ssyncset.done $0x0  }
0x160: {  	s23 =	sadd.s32 $0x90, s21;
	[sflag:s30] =	ssyncadd.s32 $0xFFFFC000  }
0x161: {  	[tilespmem:s3], [sflag:$0x2] =	stream.linear.gather [hbm4b:s23+s4], $0x80, $0x38;
	[tilespmem:$0x1C400] =	vst v63  }
0x162: {  	s24 =	sadd.s32 $0x90, s22  }
0x163: {  	[tilespmem:s6], [sflag:$0x2] =	stream.linear.gather [hbm4b:s24+s4], $0x80, $0x38;
	[tilespmem:$0x1C400] =	vst v63  }
0x164: {  	_ =	swait.ge [sflag:s7], $0x80  }
0x165: {  	[sflag:s7] =	ssyncset.done $0x0  }
0x166: {  	[sflag:s7] =	ssyncadd.s32 $0xFFFFFF80  }
0x167: {  	_ =	swait.ge [sflag:s7], $0x80  }
0x168: {  	[sflag:s7] =	ssyncset.done $0x0  }
0x169: {  	[sflag:s7] =	ssyncadd.s32 $0xFFFFFF80  }
0x16a: {  	[tilespmem:s29], [sflag:$0x5] =	stream.indirect.gather [hbm4b:s1+s8], $0x80, s31, s8, $0xb8;
	[tilespmem:$0x1C400] =	vst v63  }
0x16b: {  	_ =	swait.ge [sflag:s17], $0x4000  }
0x16c: {  	[sflag:s17] =	ssyncset.done $0x0  }
0x16d: {  	[sflag:s17] =	ssyncadd.s32 $0xFFFFC000  }
0x16e: {  	[spmem:s2] =	stream.indirect.scatter.add.f32 [tilespmem:s12], [sflag:$0x7], $0x80, s15, s8, $0xb8;
	[tilespmem:$0x1C400] =	vst v63  }
0x16f: {  	_ =	swait.ge [sflag:s30], $0x4000  }
0x170: {  	[sflag:s30] =	ssyncset.done $0x0  }
0x171: {  	s25 =	rddreg [dreg:$0x16];
	[sflag:s30] =	ssyncadd.s32 $0xFFFFC000  }
0x172: {  	[tilespmem:s9], [sflag:$0x3] =	stream.linear.gather [hbm4b:s25+s4], $0x80, $0x38;
	[tilespmem:$0x1C400] =	vst v63  }
0x173: {  	s26 =	rddreg [dreg:$0x17]  }
0x174: {  	[tilespmem:s10], [sflag:$0x3] =	stream.linear.gather [hbm4b:s26+s4], $0x80, $0x38;
	[tilespmem:$0x1C400] =	vst v63  }
0x175: {  	_ =	swait.ge [sflag:s11], $0x80  }
0x176: {  	[sflag:s11] =	ssyncset.done $0x0  }
0x177: {  	[sflag:s11] =	ssyncadd.s32 $0xFFFFFF80  }
0x178: {  	_ =	swait.ge [sflag:s11], $0x80  }
0x179: {  	[sflag:s11] =	ssyncset.done $0x0  }
0x17a: {  	[sflag:s11] =	ssyncadd.s32 $0xFFFFFF80  }
0x17b: {  	[tilespmem:s12], [sflag:$0x6] =	stream.indirect.gather [hbm4b:s1+s8], $0x80, s3, s8, $0xb8;
	[tilespmem:$0x1C400] =	vst v63  }
0x17c: {  	_ =	swait.ge [sflag:s13], $0x4000  }
0x17d: {  	[sflag:s13] =	ssyncset.done $0x0  }
0x17e: {  	[sflag:s13] =	ssyncadd.s32 $0xFFFFC000  }
0x17f: {  	[spmem:s2] =	stream.indirect.scatter.add.f32 [tilespmem:s29], [sflag:$0x7], $0x80, s0, s8, $0xb8;
	[tilespmem:$0x1C400] =	vst v63  }
0x180: {  	_ =	swait.ge [sflag:s30], $0x4000  }
0x181: {  	[sflag:s30] =	ssyncset.done $0x0  }
0x182: {  	s21 =	rddreg [dreg:$0x18];
	[sflag:s30] =	ssyncadd.s32 $0xFFFFC000  }
0x183: {  	[tilespmem:s14], [sflag:$0x4] =	stream.linear.gather [hbm4b:s21+s4], $0x80, $0x38;
	[tilespmem:$0x1C400] =	vst v63  }
0x184: {  	s22 =	rddreg [dreg:$0x19]  }
0x185: {  	[tilespmem:s15], [sflag:$0x4] =	stream.linear.gather [hbm4b:s22+s4], $0x80, $0x38;
	[tilespmem:$0x1C400] =	vst v63  }
0x186: {  	_ =	swait.ge [sflag:s16], $0x80  }
0x187: {  	[sflag:s16] =	ssyncset.done $0x0  }
0x188: {  	[sflag:s16] =	ssyncadd.s32 $0xFFFFFF80  }
0x189: {  	_ =	swait.ge [sflag:s16], $0x80  }
0x18a: {  	[sflag:s16] =	ssyncset.done $0x0  }
0x18b: {  	[sflag:s16] =	ssyncadd.s32 $0xFFFFFF80  }
0x18c: {  	[tilespmem:s29], [sflag:$0x5] =	stream.indirect.gather [hbm4b:s1+s8], $0x80, s9, s8, $0xb8;
	[tilespmem:$0x1C400] =	vst v63  }
0x18d: {  	_ =	swait.ge [sflag:s17], $0x4000  }
0x18e: {  	[sflag:s17] =	ssyncset.done $0x0  }
0x18f: {  	[sflag:s17] =	ssyncadd.s32 $0xFFFFC000  }
0x190: {  	[spmem:s2] =	stream.indirect.scatter.add.f32 [tilespmem:s12], [sflag:$0x7], $0x80, s6, s8, $0xb8;
	[tilespmem:$0x1C400] =	vst v63  }
0x191: {  	_ =	swait.ge [sflag:s30], $0x4000  }
0x192: {  	[sflag:s30] =	ssyncset.done $0x0  }
0x193: {  	[sflag:s30] =	ssyncadd.s32 $0xFFFFC000  }
0x194: {  	_ =	swait.ge [sflag:s18], $0x80  }
0x195: {  	[sflag:s18] =	ssyncset.done $0x0  }
0x196: {  	[sflag:s18] =	ssyncadd.s32 $0xFFFFFF80  }
0x197: {  	_ =	swait.ge [sflag:s18], $0x80  }
0x198: {  	[sflag:s18] =	ssyncset.done $0x0  }
0x199: {  	[sflag:s18] =	ssyncadd.s32 $0xFFFFFF80  }
0x19a: {  	[tilespmem:s12], [sflag:$0x6] =	stream.indirect.gather [hbm4b:s1+s8], $0x80, s14, s8, $0xb8;
	[tilespmem:$0x1C400] =	vst v63  }
0x19b: {  	_ =	swait.ge [sflag:s13], $0x4000  }
0x19c: {  	[sflag:s13] =	ssyncset.done $0x0  }
0x19d: {  	[sflag:s13] =	ssyncadd.s32 $0xFFFFC000  }
0x19e: {  	[spmem:s2] =	stream.indirect.scatter.add.f32 [tilespmem:s29], [sflag:$0x7], $0x80, s10, s8, $0xb8;
	[tilespmem:$0x1C400] =	vst v63  }
0x19f: {  	_ =	swait.ge [sflag:s30], $0x4000  }
0x1a0: {  	[sflag:s30] =	ssyncset.done $0x0  }
0x1a1: {  	[sflag:s30] =	ssyncadd.s32 $0xFFFFC000  }
0x1a2: {  	_ =	swait.ge [sflag:s17], $0x4000  }
0x1a3: {  	[sflag:s17] =	ssyncset.done $0x0  }
0x1a4: {  	[sflag:s17] =	ssyncadd.s32 $0xFFFFC000  }
0x1a5: {  	[spmem:s2] =	stream.indirect.scatter.add.f32 [tilespmem:s12], [sflag:$0x7], $0x80, s15, s8, $0xb8;
	[tilespmem:$0x1C400] =	vst v63  }
0x1a6: {  	_ =	swait.ge [sflag:s30], $0x4000  }
0x1a7: {  	[sflag:s30] =	ssyncset.done $0x0  }
0x1a8: {  	s23 =	stileid.u32;
	[sflag:s30] =	ssyncadd.s32 $0xFFFFC000  }
0x1a9: {  	s20 =	sshll.u32 s23, $0x6;
	[bflag:$0x0] =	sbarrier.arrive $0xFFFF  }
0x1aa: {  	s20 =	sor.u32 $0x1C07, s20;
	s24 =	sshrl.u32 s5, $0x3;
	s25 =	rddreg [dreg:$0x1c]  }
0x1ab: {  	[hbm:s25], [sflag:s20] =	dma.local [spmem:s24], $0x2800  }
0x1ac: {  	_ =	swait.ge [sflag:s30], $0x2800  }
0x1ad: {  	s19 =	sadd.s32 $0x1, s19;
	s26 =	rddreg [dreg:$0x1d]  }
0x1ae: {  	p0 =	sne.s32 s19, s26  }
.Ltmp2:
0x1af: {  	_ = 	snop;
	(pc) =	sbr.rel @p0 .LBB2_1-.Ltmp2, $3  }
0x1b0: {  	_ =	sdelay $0x1  }
0x1b1: {  	[sflag:s30] =	ssyncset.done $0x0  }
0x1b2: {  	[sflag:s30] =	ssyncadd.s32 $0xFFFFD800  }
0x1b3: {  	_ =	sfence.sel $0x180000  }
0x1b4: {  	[bflag:$0x0] =	sbarrier.arrive $0xFFFF  }
0x1b5: {  	_ =	strace $0x90000047  }
0x1b6: {  	s0 =	stileid.u32;
	[bflag:$0x2] =	sbarrier.arrive $0xFFFF  }
0x1b7: {  	p0 =	sne.s32 s0, $0x0;
	s0 =	rddreg [dreg:$0x3]  }
0x1b8: {  	s0 =	sadd.s32 @!p0 $0x100000, s0  }
0x1b9: {  	[sflag:s0] =	ssyncadd.tile.s32 @!p0 $0x1;
	_ =	shalt  }
.Lfunc_end2:
_tile_overlayer_lowered:
.L_overlay_start_2:
0x1ba: {  	(tag) =	ssettag $0x2  }
0x1bb: {  	s0 =	rddreg [dreg:$0x0];
	s2 =	stileid.u32  }
0x1bc: {  	s1 =	rddreg [dreg:$0x1];
	p0 =	sne.s32 s2, $0x0  }
0x1bd: {  	s3 =	rddreg [dreg:$0x2];
	[bflag:$0x3] =	sbarrier.arrive $0xFFFF;
	s2 =	simm.s32 @!p0 $0x1C01  }
0x1be: {  	[timem:s3], [sflag:s2] =	dma.local @!p0 [hbm:s0], s1  }
0x1bf: {  	s0 =	simm.s32 @!p0 $0x1  }
0x1c0: {  	_ =	swait.ge @!p0 [sflag:s0], s1  }
0x1c1: {  	s1 =	ssub.s32 @!p0 $0x0, s1;
	[sflag:s0] =	ssyncset.done @!p0 $0x0  }
0x1c2: {  	[sflag:s0] =	ssyncadd.s32 @!p0 s1  }
0x1c3: {  	[bflag:$0x3] =	sbarrier.arrive $0xFFFF  }
0x1c4: {  	_ =	shalt  }

// kernel: kernel.9.cloned.1.call-start
scs
__scs_entry_jumppad:
0x0: {  	(pc) =	sbr.rel $0x88, $3  }
0x1: {  	(tag) =	ssettag $0x0;
	lr =	simm.s32 $0x1  }
0x2: {  	[smem:$0x3F97] =	sst lr;
	_ =	strace $0xD0000000  }
0x3: {  	_ = 	snop  }
0x4: {  	_ = 	snop  }
0x5: {  	_ = 	snop  }
0x6: {  	_ = 	snop  }
0x7: {  	_ = 	snop  }
__scs_overlays_trampoline_lowered:
0x8: {  	[smem:$0x3FA6] =	sst s0  }
0x9: {  	[smem:$0x3FA7] =	sst s1  }
0xa: {  	[smem:$0x3FA8] =	sst s2  }
0xb: {  	[smem:$0x3FA9] =	sst s3  }
0xc: {  	[smem:$0x3FAA] =	sst s4  }
0xd: {  	[smem:$0x3FAB] =	sst s5  }
0xe: {  	[smem:$0x3FAC] =	sst s6  }
0xf: {  	[smem:$0x3FAD] =	sst s7  }
0x10: {  	[smem:$0x3FAE] =	sst s8  }
0x11: {  	[smem:$0x3FAF] =	sst s9;
	s0 =	simm.s32 @!p0 $0x0  }
0x12: {  	s1 =	sld [smem:$0x3F95];
	s0 =	simm.s32 @p0 $0x1  }
0x13: {  	[smem:$0x3FB0] =	sst s0;
	s0 =	simm.s32 @!p1 $0x0  }
0x14: {  	s2 =	sld [smem:$0x3F94];
	s0 =	simm.s32 @p1 $0x1  }
0x15: {  	[smem:$0x3FB1] =	sst s0;
	s0 =	simm.s32 @!p2 $0x0  }
0x16: {  	s3 =	sld [smem:$0x3FDB];
	s0 =	simm.s32 @p2 $0x1  }
0x17: {  	s4 =	simm.s32 $0x1BF5;
	[smem:$0x3FB3] =	sst s0  }
0x18: {  	s0 =	sld [smem:$0x3F96];
	_ =	swait.ge [sflag:s4], $0x0  }
0x19: {  	s7 =	sld [smem:$0x3F97]  }
0x1a: {  	s8 =	sadd.s32 $0xFFFFE003, lr  }
0x1b: {  	s9 =	sadd.s32 $0xFFFFFEF7, lr;
	s5 =	simm.s32 $0xFFFFFFFF;
	p2 =	slt.u32 s8, $0xFFFFF086  }
0x1c: {  	p1 =	slt.u32 s9, $0xF7A;
	s5 =	simm.s32 @!p2 $0x0  }
0x1d: {  	s5 =	simm.s32 @p1 $0x1;
	p0 =	seq.s32 s7, s2  }
0x1e: {  	s7 =	smul.u32 @!p0 $0xF7A, s2;
	p2 =	seq.s32 @!p0 s5, $0x0  }
0x1f: {  	s9 =	smul.u32 $0xF7A, s1;
	s8 =	simm.s32 @!p0 $0x1BF5;
	p2 =	por !p2, p0  }
0x20: {  	[sflag:s8] =	ssyncset.s32 @!p0 $0xFFFFF086;
	s6 =	sadd.s32 @!p0 s3, s7;
	s7 =	simm.s32 @!p0 $0x108  }
0x21: {  	s3 =	sadd.s32 s3, s9;
	s6 =	sadd.s32 @!p0 $0x88, s6;
	s7 =	simm.s32 @p2 $0x1082  }
0x22: {  	[simem:s7], [sflag:s8] =	dma.local @!p0 [hbm:s6], $0xF7A  }
0x23: {  	s9 =	sor.u32 $0xD0000000, s2;
	s6 =	simm.s32 $0x108;
	_ =	swait.ge @!p0 [sflag:s8], $0x0  }
0x24: {  	s3 =	sadd.s32 $0x88, s3;
	s6 =	simm.s32 @!p1 $0x1082;
	[sflag:s4] =	ssyncset.s32 $0xFFFFF086  }
0x25: {  	[simem:s6], [sflag:s4] =	dma.local [hbm:s3], $0xF7A  }
0x26: {  	[smem:$0x3F97] =	sst s1;
	(tag) =	ssettag s2;
	_ =	strace s9  }
0x27: {  	s1 =	sld [smem:$0x3FA7]  }
0x28: {  	s2 =	sld [smem:$0x3FA8]  }
0x29: {  	s4 =	sld [smem:$0x3FAA]  }
0x2a: {  	p0 =	seq.s32 s5, $0x0;
	s5 =	sld [smem:$0x3FAB]  }
0x2b: {  	s6 =	sld [smem:$0x3FAC]  }
0x2c: {  	s7 =	sld [smem:$0x3FAD]  }
0x2d: {  	s3 =	simm.s32 $0x108;
	s8 =	sld [smem:$0x3FAE]  }
0x2e: {  	s3 =	simm.s32 @!p0 $0x1082;
	s9 =	sld [smem:$0x3FAF]  }
0x2f: {  	lr =	sadd.s32 s0, s3;
	s0 =	sld [smem:$0x3FA6]  }
0x30: {  	s3 =	sld [smem:$0x3FA9]  }
0x31: {  	[smem:$0x3FB2] =	sst s10  }
0x32: {  	s10 =	sld [smem:$0x3FB0];
	_ =	sdelay $0x3  }
0x33: {  	p0 =	seq.s32 s10, $0x1;
	s10 =	sld [smem:$0x3FB2];
	_ =	sdelay $0x3  }
0x34: {  	[smem:$0x3FB2] =	sst s10  }
0x35: {  	s10 =	sld [smem:$0x3FB1];
	_ =	sdelay $0x3  }
0x36: {  	p1 =	seq.s32 s10, $0x1;
	s10 =	sld [smem:$0x3FB2];
	_ =	sdelay $0x3  }
0x37: {  	[smem:$0x3FB2] =	sst s10  }
0x38: {  	s10 =	sld [smem:$0x3FB3]  }
0x39: {  	_ = 	snop;
	(pc) =	sbr.ind lr, $3  }
0x3a: {  	_ = 	snop  }
0x3b: {  	_ = 	snop  }
0x3c: {  	p2 =	seq.s32 s10, $0x1;
	s10 =	sld [smem:$0x3FB2]  }
0x3d: {  	_ =	shalt  }
0x3e: {  	_ =	shalt  }
0x3f: {  	_ =	shalt  }
0x40: {  	_ =	shalt  }
0x41: {  	_ =	shalt  }
0x42: {  	_ =	shalt  }
0x43: {  	_ =	shalt  }
0x44: {  	_ =	shalt  }
0x45: {  	_ =	shalt  }
0x46: {  	_ =	shalt  }
0x47: {  	_ =	shalt  }
0x48: {  	_ =	shalt  }
0x49: {  	_ =	shalt  }
0x4a: {  	_ =	shalt  }
0x4b: {  	_ =	shalt  }
0x4c: {  	_ =	shalt  }
0x4d: {  	_ =	shalt  }
0x4e: {  	_ =	shalt  }
0x4f: {  	_ =	shalt  }
0x50: {  	_ =	shalt  }
0x51: {  	_ =	shalt  }
0x52: {  	_ =	shalt  }
0x53: {  	_ =	shalt  }
0x54: {  	_ =	shalt  }
0x55: {  	_ =	shalt  }
0x56: {  	_ =	shalt  }
0x57: {  	_ =	shalt  }
0x58: {  	_ =	shalt  }
0x59: {  	_ =	shalt  }
0x5a: {  	_ =	shalt  }
0x5b: {  	_ =	shalt  }
0x5c: {  	_ =	shalt  }
0x5d: {  	_ =	shalt  }
0x5e: {  	_ =	shalt  }
0x5f: {  	_ =	shalt  }
0x60: {  	_ =	shalt  }
0x61: {  	_ =	shalt  }
0x62: {  	_ =	shalt  }
0x63: {  	_ =	shalt  }
0x64: {  	_ =	shalt  }
0x65: {  	_ =	shalt  }
0x66: {  	_ =	shalt  }
0x67: {  	_ =	shalt  }
0x68: {  	_ =	shalt  }
0x69: {  	_ =	shalt  }
0x6a: {  	_ =	shalt  }
0x6b: {  	_ =	shalt  }
0x6c: {  	_ =	shalt  }
0x6d: {  	_ =	shalt  }
0x6e: {  	_ =	shalt  }
0x6f: {  	_ =	shalt  }
0x70: {  	_ =	shalt  }
0x71: {  	_ =	shalt  }
0x72: {  	_ =	shalt  }
0x73: {  	_ =	shalt  }
0x74: {  	_ =	shalt  }
0x75: {  	_ =	shalt  }
0x76: {  	_ =	shalt  }
0x77: {  	_ =	shalt  }
0x78: {  	_ =	shalt  }
0x79: {  	_ =	shalt  }
0x7a: {  	_ =	shalt  }
0x7b: {  	_ =	shalt  }
0x7c: {  	_ =	shalt  }
0x7d: {  	_ =	shalt  }
0x7e: {  	_ =	shalt  }
0x7f: {  	_ =	shalt  }
0x80: {  	_ =	shalt  }
0x81: {  	_ =	shalt  }
0x82: {  	_ =	shalt  }
0x83: {  	_ =	shalt  }
0x84: {  	_ =	shalt  }
0x85: {  	_ =	shalt  }
0x86: {  	_ =	shalt  }
0x87: {  	_ =	shalt  }
.Lfunc_end0:
.L_simem_size_0:
called_computation.1_lowered:
.L_overlay_start_0:
0x88: {  	s2 =	sld [smem:$0x3FD9]  }
0x89: {  	s3 =	sld [smem:$0x3FFE];
	_ =	sdelay $0x1  }
0x8a: {  	s1 =	srdreg.scid  }
0x8b: {  	s0 =	sand.u32 $0x1, s1  }
0x8c: {  	s16 =	sshll.u32 s0, $0xA;
	s2 =	sadd.s32 s3, s2  }
0x8d: {  	s2 =	sadd.s32 s2, s16  }
0x8e: {  	[smem:$0x3FBE] =	sst s2  }
0x8f: {  	_ = 	snop  }
0x90: {  	(tm) =	ssettm $0x1  }
0x91: {  	s17 =	sld [smem:$0x3FFB];
	_ =	sdelay $0x3  }
0x92: {  	_ =	strace s17  }
0x93: {  	s2 =	sld [smem:$0x3FFC];
	_ =	sdelay $0x3  }
0x94: {  	_ =	strace s2  }
0x95: {  	s2 =	sld [smem:$0x3FFD];
	_ =	sdelay $0x3  }
0x96: {  	_ =	strace s2  }
0x97: {  	_ =	strace $0x8FFFFFFF  }
0x98: {  	s18 =	sld [smem:$0x3FDB];
	_ =	sdelay $0x1  }
0x99: {  	s19 =	simm.s32 $_scs_section_size  }
0x9a: {  	s4 =	simm.s32 $_size__tile_overlayer_lowered;
	s5 =	simm.s32 $_tile_overlayer_lowered  }
0x9b: {  	s22 =	simm.s32 $0x1BFF;
	s21 =	sshll.u32 s5, $0x1;
	s2 =	sadd.s32 s19, s18  }
0x9c: {  	s6 =	simm.s32 $0x0;
	s20 =	sshll.u32 s4, $0x1;
	s4 =	sadd.s32 s21, s2  }
0x9d: {  	[timem:s6], [sflag:s22] =	dma.local [hbm:s4], s20  }
0x9e: {  	_ =	swait.ge [sflag:s22], s20  }
0x9f: {  	s3 =	ssub.s32 $0x0, s20;
	[sflag:s22] =	ssyncset.done $0x0  }
0xa0: {  	[sflag:s22] =	ssyncadd.s32 s3;
	_ =	sdelay $0x1  }
0xa1: {  	s23 =	simm.s32 $0x1B8B  }
0xa2: {  	_ =	swait.ge [sflag:s23], $0x1  }
0xa3: {  	[sflag:s23] =	ssyncset.done $0x0  }
0xa4: {  	s25 =	simm.s32 $0x1B8E;
	s24 =	sld [smem:$0x3FFE];
	[sflag:s23] =	ssyncadd.s32 $0xFFFFFFFF  }
0xa5: {  	s26 =	simm.s32 $execute0_lowered;
	[smem:$0x3FD2] =	sst s25  }
0xa6: {  	s4 =	sshll.u32 s26, $0x1;
	_ =	strace $0x80000049;
	[dreg:$0x1] =	wrdreg $0xFFFFFFFF  }
0xa7: {  	s28 =	simm.s32 $_size_execute0_lowered;
	s2 =	sadd.s32 s2, s4;
	[dreg:$0x0] =	wrdreg $0x0  }
0xa8: {  	s4 =	sshll.u32 s28, $0x1;
	[dreg:$0x2] =	wrdreg s2  }
0xa9: {  	[dreg:$0x3] =	wrdreg s4  }
0xaa: {  	[dreg:$0x4] =	wrdreg $0xC0  }
0xab: {  	_ =	task [dreg:s6], $0x5FFFF  }
0xac: {  	[dreg:$0x1] =	wrdreg $0xFFFFFFFF  }
0xad: {  	[dreg:$0x0] =	wrdreg $0x60  }
0xae: {  	[dreg:$0x2] =	wrdreg s24  }
0xaf: {  	[dreg:$0x3] =	wrdreg $0x0  }
0xb0: {  	[dreg:$0x4] =	wrdreg $0x9  }
0xb1: {  	_ =	task.clear_ibuf [dreg:s6], $0x5FFFF;
	_ =	strace $0x90000049  }
0xb2: {  	s29 =	simm.s32 $0x9;
	_ =	strace $0x8000004B  }
0xb3: {  	_ =	swait.ge [sflag:s29], $0x1  }
0xb4: {  	[sflag:s29] =	ssyncadd.s32 $0xFFFFFFFF  }
0xb5: {  	_ =	strace $0x9000004B  }
0xb6: {  	_ =	sfence  }
0xb7: {  	s30 =	sld [smem:$0x0];
	_ =	sdelay $0x2  }
0xb8: {  	s31 =	sshll.u32 s1, $0xD;
	s1 =	sshrl.u32 s1, $0x2  }
0xb9: {  	s3 =	sand.u32 $0x4000, s31;
	s1 =	sadd.s32 s1, s30  }
0xba: {  	s0 =	sor.u32 s3, s0;
	s1 =	sshll.u32 s1, $0x11  }
0xbb: {  	s0 =	sor.u32 s1, s0  }
0xbc: {  	s0 =	sadd.s32 $0x8F2B, s0  }
0xbd: {  	[sflag:s0] =	ssyncadd.remote.s32 $0x1  }
0xbe: {  	_ =	sfence.sel $0xFFFF  }
0xbf: {  	[dreg:$0x0] =	wrdreg $0xFFFFFFFF;
	(pc) =	sbr.abs _section_cstart, $3  }
0xc0: {  	[dreg:$0x1] =	wrdreg $0xFFFFFFFF  }
0xc1: {  	_ =	task.clear_ibuf [dreg:s6], $0x2FFFF;
	_ =	strace $0x9FFFFFFF  }
0xc2: {  	(tm) =	ssettm $0x7FFFFFFF  }
0xc3: {  	_ =	shalt  }
tec
execute0_lowered:
.L_overlay_start_1:
0x0: {  	(tag) =	ssettag $0x1  }
0x1: {  	s0 =	rddreg [dreg:$0x0]  }
0x2: {  	s1 =	rddreg [dreg:$0x1];
	s13 =	stileid.u32  }
0x3: {  	s2 =	srdreg.scid;
	s3 =	simm.s32 $0x0;
	s6 =	smul.u32 $0x14000, s13  }
0x4: {  	s29 =	simm.s32 $0x14000;
	s30 =	simm.s32 $0x7;
	s10 =	smul.u32 $0x50000, s13  }
0x5: {  	s31 =	simm.s32 $0x1C000;
	s2 =	sand.u32 $0x1, s2;
	s23 =	smul.u32 $0x50, s13  }
0x6: {  	[smem:$0x7FF] =	sst s3;
	s4 =	sadd.s32 $0x14600, s0;
	s5 =	smul.u32 $0x140000, s2  }
0x7: {  	s12 =	sshll.u32 s2, $0x4;
	s9 =	ssub.s32 $0x2, s2;
	s2 =	smul.u32 $0x500, s2  }
0x8: {  	s7 =	sadd.s32 $0xA600, s0;
	s8 =	sadd.s32 $0x600, s0;
	s14 =	sshrl.u32 s10, $0x2  }
0x9: {  	s5 =	sadd.s32 s6, s5;
	s6 =	sor.u32 s13, s12;
	s2 =	sadd.s32 s23, s2  }
0xa: {  	s5 =	sshrl.u32 s5, $0x3;
	s12 =	smul.u32 $0x500, s6;
	s2 =	sshll.u32 s2, $0x4  }
0xb: {  	s0 =	sadd.s32 s5, s0;
	s5 =	sadd.s32 s14, s1;
	s14 =	sadd.s32 s2, s7  }
0xc: {  	_ =	strace $0x8000004A;
	s15 =	sadd.s32 s7, s12;
	[dreg:$0x3] =	wrdreg s14  }
0xd: {  	s11 =	sshrl.u32 s9, $0x1;
	s17 =	sadd.s32 s8, s12;
	[dreg:$0x9] =	wrdreg s15  }
0xe: {  	s9 =	ssub.s32 s9, s11;
	s23 =	sadd.s32 $0x4000, s5;
	[dreg:$0xa] =	wrdreg s17  }
0xf: {  	s16 =	sor.u32 $0x10, s12;
	s0 =	sadd.s32 $0x3B800, s0;
	[dreg:$0x19] =	wrdreg s23  }
0x10: {  	s6 =	smul.u32 $0x2800, s6;
	s18 =	sadd.s32 s7, s16;
	[dreg:$0x1b] =	wrdreg s0  }
0x11: {  	s19 =	sor.u32 $0x20, s12;
	s10 =	sadd.s32 s8, s16;
	[dreg:$0xb] =	wrdreg s18  }
0x12: {  	s22 =	sor.u32 $0x30, s12;
	s20 =	sadd.s32 s7, s19;
	[dreg:$0xc] =	wrdreg s10  }
0x13: {  	s25 =	sor.u32 $0x40, s12;
	s21 =	sadd.s32 s8, s19;
	[dreg:$0xd] =	wrdreg s20  }
0x14: {  	s12 =	sor.u32 $0x50, s12;
	s24 =	sadd.s32 s7, s22;
	[dreg:$0xe] =	wrdreg s21  }
0x15: {  	s6 =	sshrl.u32 s6, $0x3;
	s26 =	sadd.s32 s7, s25;
	[dreg:$0xf] =	wrdreg s24  }
0x16: {  	s28 =	sadd.s32 $0x10000, s5;
	s11 =	sadd.s32 s7, s12;
	[dreg:$0x11] =	wrdreg s26  }
0x17: {  	s14 =	simm.s32 $0x1C180;
	s13 =	sadd.s32 s8, s12;
	[dreg:$0x13] =	wrdreg s11  }
0x18: {  	s15 =	sadd.s32 s2, s8;
	s16 =	sor.u32 $0x80, s2;
	[dreg:$0x14] =	wrdreg s13  }
0x19: {  	s2 =	sor.u32 $0x60, s2;
	s10 =	sadd.s32 s8, s22;
	[dreg:$0x4] =	wrdreg s15  }
0x1a: {  	s19 =	sadd.s32 $0x4E0, s6;
	s17 =	sadd.s32 s16, s7;
	[dreg:$0x10] =	wrdreg s10  }
0x1b: {  	s6 =	sadd.s32 $0x4F0, s6;
	s18 =	sadd.s32 s16, s8;
	[dreg:$0x5] =	wrdreg s17  }
0x1c: {  	s0 =	simm.s32 $0x1C200;
	s20 =	sadd.s32 s2, s7;
	[dreg:$0x6] =	wrdreg s18  }
0x1d: {  	s12 =	simm.s32 $0x18000;
	s21 =	sadd.s32 s7, s19;
	[dreg:$0x7] =	wrdreg s20  }
0x1e: {  	s22 =	sadd.s32 s8, s19;
	s7 =	sadd.s32 s7, s6;
	[dreg:$0x15] =	wrdreg s21  }
0x1f: {  	s2 =	sadd.s32 s2, s8;
	s6 =	sadd.s32 s8, s6;
	[dreg:$0x16] =	wrdreg s22  }
0x20: {  	s24 =	sadd.s32 $0x8000, s5;
	s26 =	sadd.s32 $0xC000, s5;
	[dreg:$0x17] =	wrdreg s7  }
0x21: {  	s11 =	simm.s32 $0x2;
	s13 =	simm.s32 $0x5;
	[dreg:$0x18] =	wrdreg s6  }
0x22: {  	s15 =	simm.s32 $0x1C380;
	s16 =	simm.s32 $0x3;
	[dreg:$0x8] =	wrdreg s2  }
0x23: {  	s19 =	simm.s32 $0x0;
	s10 =	sadd.s32 s8, s25;
	[dreg:$0x1a] =	wrdreg s24  }
0x24: {  	s25 =	smax.u32 s9, $0x1;
	[dreg:$0x1d] =	wrdreg s26;
	s2 =	simm.s32 $0x1C080  }
0x25: {  	s6 =	simm.s32 $0x1C280;
	s7 =	simm.s32 $0x1;
	s8 =	simm.s32 $0x80  }
0x26: {  	s9 =	simm.s32 $0x1C100;
	s17 =	simm.s32 $0x6;
	[dreg:$0x12] =	wrdreg s10  }
0x27: {  	v0 =	vimm.f32 $0.0e+00;
	s18 =	simm.s32 $0x4;
	[dreg:$0x1c] =	wrdreg s25;
	s10 =	simm.s32 $0x1C300  }
.LBB2_1:
0x28: {  	s20 =	simm.s32 $0x0;
	s21 =	simm.s32 $0x200  }
.LBB2_2:
0x29: {  	p0 =	sne.s32 s21, $0xFE00;
	[tilespmem:s20+$0x14070] =	vst v0  }
0x2a: {  	[tilespmem:s20+$0x14000] =	vst v0  }
0x2b: {  	[tilespmem:s20+$0x14010] =	vst v0  }
.Ltmp0:
0x2c: {  	[tilespmem:s20+$0x14020] =	vst v0;
	(pc) =	sbr.rel @p0 .LBB2_2-.Ltmp0, $4  }
0x2d: {  	[tilespmem:s20+$0x14030] =	vst v0  }
0x2e: {  	[tilespmem:s20+$0x14040] =	vst v0  }
0x2f: {  	[tilespmem:s20+$0x14050] =	vst v0  }
0x30: {  	[tilespmem:s20+$0x14060] =	vst v0;
	s20 =	sshra.s32 s21, $0x2;
	s21 =	sadd.s32 $0x200, s21  }
0x31: {  	[tilespmem:s20+$0x14070] =	vst v0  }
0x32: {  	[tilespmem:s20+$0x14000] =	vst v0  }
0x33: {  	[tilespmem:s20+$0x14010] =	vst v0  }
0x34: {  	[tilespmem:s20+$0x14020] =	vst v0  }
0x35: {  	[tilespmem:s20+$0x14030] =	vst v0  }
0x36: {  	[tilespmem:s20+$0x14040] =	vst v0  }
0x37: {  	[tilespmem:s20+$0x14050] =	vst v0  }
0x38: {  	[tilespmem:s20+$0x14060] =	vst v0  }
0x39: {  	[spmem:s5] =	stream.linear.scatter [tilespmem:s29], [sflag:$0x7], $0x4000, $0x38;
	[tilespmem:$0x1C400] =	vst v63  }
0x3a: {  	_ =	swait.ge [sflag:s30], $0x4000  }
0x3b: {  	[sflag:s30] =	ssyncset.done $0x0  }
0x3c: {  	s23 =	rddreg [dreg:$0x19];
	[sflag:s30] =	ssyncadd.s32 $0xFFFFC000  }
0x3d: {  	[spmem:s23] =	stream.linear.scatter [tilespmem:s29], [sflag:$0x7], $0x4000, $0x38;
	[tilespmem:$0x1C400] =	vst v63  }
0x3e: {  	_ =	swait.ge [sflag:s30], $0x4000  }
0x3f: {  	[sflag:s30] =	ssyncset.done $0x0  }
0x40: {  	s24 =	rddreg [dreg:$0x1a];
	[sflag:s30] =	ssyncadd.s32 $0xFFFFC000  }
0x41: {  	[spmem:s24] =	stream.linear.scatter [tilespmem:s29], [sflag:$0x7], $0x4000, $0x38;
	[tilespmem:$0x1C400] =	vst v63  }
0x42: {  	_ =	swait.ge [sflag:s30], $0x4000  }
0x43: {  	[sflag:s30] =	ssyncset.done $0x0  }
0x44: {  	s25 =	rddreg [dreg:$0x1d];
	[sflag:s30] =	ssyncadd.s32 $0xFFFFC000  }
0x45: {  	[spmem:s25] =	stream.linear.scatter [tilespmem:s29], [sflag:$0x7], $0x4000, $0x38;
	[tilespmem:$0x1C400] =	vst v63  }
0x46: {  	_ =	swait.ge [sflag:s30], $0x4000  }
0x47: {  	[sflag:s30] =	ssyncset.done $0x0  }
0x48: {  	[sflag:s30] =	ssyncadd.s32 $0xFFFFC000  }
0x49: {  	[spmem:s28] =	stream.linear.scatter [tilespmem:s29], [sflag:$0x7], $0x4000, $0x38;
	[tilespmem:$0x1C400] =	vst v63  }
0x4a: {  	_ =	swait.ge [sflag:s30], $0x4000  }
0x4b: {  	[sflag:s30] =	ssyncset.done $0x0  }
0x4c: {  	[sflag:s30] =	ssyncadd.s32 $0xFFFFC000  }
0x4d: {  	[bflag:$0x0] =	sbarrier.arrive $0xFFFF  }
0x4e: {  	s20 =	simm.s32 $0x0;
	s21 =	rddreg [dreg:$0x9]  }
0x4f: {  	[tilespmem:s31], [sflag:$0x1] =	stream.linear.gather [hbm4b:s21+s20], $0x80, $0x38;
	[tilespmem:$0x1C400] =	vst v63  }
0x50: {  	s26 =	rddreg [dreg:$0xa]  }
0x51: {  	[tilespmem:s0], [sflag:$0x1] =	stream.linear.gather [hbm4b:s26+s20], $0x80, $0x38;
	[tilespmem:$0x1C400] =	vst v63  }
0x52: {  	s22 =	rddreg [dreg:$0xb]  }
0x53: {  	[tilespmem:s2], [sflag:$0x2] =	stream.linear.gather [hbm4b:s22+s20], $0x80, $0x38;
	[tilespmem:$0x1C400] =	vst v63  }
0x54: {  	s23 =	rddreg [dreg:$0xc]  }
0x55: {  	[tilespmem:s6], [sflag:$0x2] =	stream.linear.gather [hbm4b:s23+s20], $0x80, $0x38;
	[tilespmem:$0x1C400] =	vst v63  }
0x56: {  	_ =	swait.ge [sflag:s7], $0x80  }
0x57: {  	[sflag:s7] =	ssyncset.done $0x0  }
0x58: {  	[sflag:s7] =	ssyncadd.s32 $0xFFFFFF80  }
0x59: {  	_ =	swait.ge [sflag:s7], $0x80  }
0x5a: {  	[sflag:s7] =	ssyncset.done $0x0  }
0x5b: {  	[sflag:s7] =	ssyncadd.s32 $0xFFFFFF80  }
0x5c: {  	[tilespmem:s29], [sflag:$0x5] =	stream.indirect.gather [hbm4b:s4+s8], $0x80, s31, s8, $0xb8;
	[tilespmem:$0x1C400] =	vst v63  }
0x5d: {  	s24 =	rddreg [dreg:$0xd]  }
0x5e: {  	[tilespmem:s9], [sflag:$0x3] =	stream.linear.gather [hbm4b:s24+s20], $0x80, $0x38;
	[tilespmem:$0x1C400] =	vst v63  }
0x5f: {  	s25 =	rddreg [dreg:$0xe]  }
0x60: {  	[tilespmem:s10], [sflag:$0x3] =	stream.linear.gather [hbm4b:s25+s20], $0x80, $0x38;
	[tilespmem:$0x1C400] =	vst v63  }
0x61: {  	_ =	swait.ge [sflag:s11], $0x80  }
0x62: {  	[sflag:s11] =	ssyncset.done $0x0  }
0x63: {  	[sflag:s11] =	ssyncadd.s32 $0xFFFFFF80  }
0x64: {  	_ =	swait.ge [sflag:s11], $0x80  }
0x65: {  	[sflag:s11] =	ssyncset.done $0x0  }
0x66: {  	[sflag:s11] =	ssyncadd.s32 $0xFFFFFF80  }
0x67: {  	[tilespmem:s12], [sflag:$0x6] =	stream.indirect.gather [hbm4b:s4+s8], $0x80, s2, s8, $0xb8;
	[tilespmem:$0x1C400] =	vst v63  }
0x68: {  	_ =	swait.ge [sflag:s13], $0x4000  }
0x69: {  	[sflag:s13] =	ssyncset.done $0x0  }
0x6a: {  	[sflag:s13] =	ssyncadd.s32 $0xFFFFC000  }
0x6b: {  	[spmem:s1] =	stream.indirect.scatter.add.f32 [tilespmem:s29], [sflag:$0x7], $0x80, s0, s8, $0xb8;
	[tilespmem:$0x1C400] =	vst v63  }
0x6c: {  	_ =	swait.ge [sflag:s30], $0x4000  }
0x6d: {  	[sflag:s30] =	ssyncset.done $0x0  }
0x6e: {  	s26 =	rddreg [dreg:$0xf];
	[sflag:s30] =	ssyncadd.s32 $0xFFFFC000  }
0x6f: {  	[tilespmem:s14], [sflag:$0x4] =	stream.linear.gather [hbm4b:s26+s20], $0x80, $0x38;
	[tilespmem:$0x1C400] =	vst v63  }
0x70: {  	s22 =	rddreg [dreg:$0x10]  }
0x71: {  	[tilespmem:s15], [sflag:$0x4] =	stream.linear.gather [hbm4b:s22+s20], $0x80, $0x38;
	[tilespmem:$0x1C400] =	vst v63  }
0x72: {  	_ =	swait.ge [sflag:s16], $0x80  }
0x73: {  	[sflag:s16] =	ssyncset.done $0x0  }
0x74: {  	[sflag:s16] =	ssyncadd.s32 $0xFFFFFF80  }
0x75: {  	_ =	swait.ge [sflag:s16], $0x80  }
0x76: {  	[sflag:s16] =	ssyncset.done $0x0  }
0x77: {  	[sflag:s16] =	ssyncadd.s32 $0xFFFFFF80  }
0x78: {  	[tilespmem:s29], [sflag:$0x5] =	stream.indirect.gather [hbm4b:s4+s8], $0x80, s9, s8, $0xb8;
	[tilespmem:$0x1C400] =	vst v63  }
0x79: {  	_ =	swait.ge [sflag:s17], $0x4000  }
0x7a: {  	[sflag:s17] =	ssyncset.done $0x0  }
0x7b: {  	[sflag:s17] =	ssyncadd.s32 $0xFFFFC000  }
0x7c: {  	[spmem:s1] =	stream.indirect.scatter.add.f32 [tilespmem:s12], [sflag:$0x7], $0x80, s6, s8, $0xb8;
	[tilespmem:$0x1C400] =	vst v63  }
0x7d: {  	_ =	swait.ge [sflag:s30], $0x4000  }
0x7e: {  	[sflag:s30] =	ssyncset.done $0x0  }
0x7f: {  	s23 =	rddreg [dreg:$0x11];
	[sflag:s30] =	ssyncadd.s32 $0xFFFFC000  }
0x80: {  	[tilespmem:s31], [sflag:$0x1] =	stream.linear.gather [hbm4b:s23+s20], $0x80, $0x38;
	[tilespmem:$0x1C400] =	vst v63  }
0x81: {  	s24 =	rddreg [dreg:$0x12]  }
0x82: {  	[tilespmem:s0], [sflag:$0x1] =	stream.linear.gather [hbm4b:s24+s20], $0x80, $0x38;
	[tilespmem:$0x1C400] =	vst v63  }
0x83: {  	_ =	swait.ge [sflag:s18], $0x80  }
0x84: {  	[sflag:s18] =	ssyncset.done $0x0  }
0x85: {  	[sflag:s18] =	ssyncadd.s32 $0xFFFFFF80  }
0x86: {  	_ =	swait.ge [sflag:s18], $0x80  }
0x87: {  	[sflag:s18] =	ssyncset.done $0x0  }
0x88: {  	[sflag:s18] =	ssyncadd.s32 $0xFFFFFF80  }
0x89: {  	[tilespmem:s12], [sflag:$0x6] =	stream.indirect.gather [hbm4b:s4+s8], $0x80, s14, s8, $0xb8;
	[tilespmem:$0x1C400] =	vst v63  }
0x8a: {  	_ =	swait.ge [sflag:s13], $0x4000  }
0x8b: {  	[sflag:s13] =	ssyncset.done $0x0  }
0x8c: {  	[sflag:s13] =	ssyncadd.s32 $0xFFFFC000  }
0x8d: {  	[spmem:s1] =	stream.indirect.scatter.add.f32 [tilespmem:s29], [sflag:$0x7], $0x80, s10, s8, $0xb8;
	[tilespmem:$0x1C400] =	vst v63  }
0x8e: {  	_ =	swait.ge [sflag:s30], $0x4000  }
0x8f: {  	[sflag:s30] =	ssyncset.done $0x0  }
0x90: {  	s25 =	rddreg [dreg:$0x13];
	[sflag:s30] =	ssyncadd.s32 $0xFFFFC000  }
0x91: {  	[tilespmem:s2], [sflag:$0x2] =	stream.linear.gather [hbm4b:s25+s20], $0x80, $0x38;
	[tilespmem:$0x1C400] =	vst v63  }
0x92: {  	s26 =	rddreg [dreg:$0x14]  }
0x93: {  	[tilespmem:s6], [sflag:$0x2] =	stream.linear.gather [hbm4b:s26+s20], $0x80, $0x38;
	[tilespmem:$0x1C400] =	vst v63  }
0x94: {  	_ =	swait.ge [sflag:s7], $0x80  }
0x95: {  	[sflag:s7] =	ssyncset.done $0x0  }
0x96: {  	[sflag:s7] =	ssyncadd.s32 $0xFFFFFF80  }
0x97: {  	_ =	swait.ge [sflag:s7], $0x80  }
0x98: {  	[sflag:s7] =	ssyncset.done $0x0  }
0x99: {  	[sflag:s7] =	ssyncadd.s32 $0xFFFFFF80  }
0x9a: {  	[tilespmem:s29], [sflag:$0x5] =	stream.indirect.gather [hbm4b:s4+s8], $0x80, s31, s8, $0xb8;
	[tilespmem:$0x1C400] =	vst v63  }
0x9b: {  	_ =	swait.ge [sflag:s17], $0x4000  }
0x9c: {  	[sflag:s17] =	ssyncset.done $0x0  }
0x9d: {  	[sflag:s17] =	ssyncadd.s32 $0xFFFFC000  }
0x9e: {  	[spmem:s1] =	stream.indirect.scatter.add.f32 [tilespmem:s12], [sflag:$0x7], $0x80, s15, s8, $0xb8;
	[tilespmem:$0x1C400] =	vst v63  }
0x9f: {  	_ =	swait.ge [sflag:s30], $0x4000  }
0xa0: {  	s22 =	rddreg [dreg:$0x7];
	[sflag:s30] =	ssyncset.done $0x0  }
0xa1: {  	s23 =	rddreg [dreg:$0x8];
	[sflag:s30] =	ssyncadd.s32 $0xFFFFC000;
	s20 =	sadd.s32 $0x0, s22  }
0xa2: {  	[tilespmem:s9], [sflag:$0x3] =	stream.linear.gather [hbm4b:s20+s3], $0x80, $0x38;
	[tilespmem:$0x1C400] =	vst v63  }
0xa3: {  	s24 =	sadd.s32 $0x0, s23  }
0xa4: {  	[tilespmem:s10], [sflag:$0x3] =	stream.linear.gather [hbm4b:s24+s3], $0x80, $0x38;
	[tilespmem:$0x1C400] =	vst v63  }
0xa5: {  	_ =	swait.ge [sflag:s11], $0x80  }
0xa6: {  	[sflag:s11] =	ssyncset.done $0x0  }
0xa7: {  	[sflag:s11] =	ssyncadd.s32 $0xFFFFFF80  }
0xa8: {  	_ =	swait.ge [sflag:s11], $0x80  }
0xa9: {  	[sflag:s11] =	ssyncset.done $0x0  }
0xaa: {  	[sflag:s11] =	ssyncadd.s32 $0xFFFFFF80  }
0xab: {  	[tilespmem:s12], [sflag:$0x6] =	stream.indirect.gather [hbm4b:s4+s8], $0x80, s2, s8, $0xb8;
	[tilespmem:$0x1C400] =	vst v63  }
0xac: {  	_ =	swait.ge [sflag:s13], $0x4000  }
0xad: {  	[sflag:s13] =	ssyncset.done $0x0  }
0xae: {  	[sflag:s13] =	ssyncadd.s32 $0xFFFFC000  }
0xaf: {  	[spmem:s1] =	stream.indirect.scatter.add.f32 [tilespmem:s29], [sflag:$0x7], $0x80, s0, s8, $0xb8;
	[tilespmem:$0x1C400] =	vst v63  }
0xb0: {  	_ =	swait.ge [sflag:s30], $0x4000  }
0xb1: {  	s25 =	rddreg [dreg:$0x3]  }
0xb2: {  	s26 =	rddreg [dreg:$0x4];
	[sflag:s30] =	ssyncset.done $0x0;
	s20 =	sadd.s32 $0x0, s25  }
0xb3: {  	[sflag:s30] =	ssyncadd.s32 $0xFFFFC000;
	s21 =	sadd.s32 $0x0, s26;
	s22 =	sadd.s32 $0x70, s20  }
0xb4: {  	[tilespmem:s14], [sflag:$0x4] =	stream.linear.gather [hbm4b:s22+s3], $0x80, $0x38;
	[tilespmem:$0x1C400] =	vst v63  }
0xb5: {  	s23 =	sadd.s32 $0x70, s21  }
0xb6: {  	[tilespmem:s15], [sflag:$0x4] =	stream.linear.gather [hbm4b:s23+s3], $0x80, $0x38;
	[tilespmem:$0x1C400] =	vst v63  }
0xb7: {  	_ =	swait.ge [sflag:s16], $0x80  }
0xb8: {  	[sflag:s16] =	ssyncset.done $0x0  }
0xb9: {  	[sflag:s16] =	ssyncadd.s32 $0xFFFFFF80  }
0xba: {  	_ =	swait.ge [sflag:s16], $0x80  }
0xbb: {  	[sflag:s16] =	ssyncset.done $0x0  }
0xbc: {  	[sflag:s16] =	ssyncadd.s32 $0xFFFFFF80  }
0xbd: {  	[tilespmem:s29], [sflag:$0x5] =	stream.indirect.gather [hbm4b:s4+s8], $0x80, s9, s8, $0xb8;
	[tilespmem:$0x1C400] =	vst v63  }
0xbe: {  	_ =	swait.ge [sflag:s17], $0x4000  }
0xbf: {  	[sflag:s17] =	ssyncset.done $0x0  }
0xc0: {  	[sflag:s17] =	ssyncadd.s32 $0xFFFFC000  }
0xc1: {  	[spmem:s1] =	stream.indirect.scatter.add.f32 [tilespmem:s12], [sflag:$0x7], $0x80, s6, s8, $0xb8;
	[tilespmem:$0x1C400] =	vst v63  }
0xc2: {  	_ =	swait.ge [sflag:s30], $0x4000  }
0xc3: {  	s24 =	rddreg [dreg:$0x5];
	[sflag:s30] =	ssyncset.done $0x0  }
0xc4: {  	s23 =	rddreg [dreg:$0x6];
	[sflag:s30] =	ssyncadd.s32 $0xFFFFC000;
	s22 =	sadd.s32 $0x0, s24  }
0xc5: {  	[tilespmem:s31], [sflag:$0x1] =	stream.linear.gather [hbm4b:s22+s3], $0x80, $0x38;
	[tilespmem:$0x1C400] =	vst v63  }
0xc6: {  	s25 =	sadd.s32 $0x0, s23  }
0xc7: {  	[tilespmem:s0], [sflag:$0x1] =	stream.linear.gather [hbm4b:s25+s3], $0x80, $0x38;
	[tilespmem:$0x1C400] =	vst v63  }
0xc8: {  	_ =	swait.ge [sflag:s18], $0x80  }
0xc9: {  	[sflag:s18] =	ssyncset.done $0x0  }
0xca: {  	[sflag:s18] =	ssyncadd.s32 $0xFFFFFF80  }
0xcb: {  	_ =	swait.ge [sflag:s18], $0x80  }
0xcc: {  	[sflag:s18] =	ssyncset.done $0x0  }
0xcd: {  	[sflag:s18] =	ssyncadd.s32 $0xFFFFFF80  }
0xce: {  	[tilespmem:s12], [sflag:$0x6] =	stream.indirect.gather [hbm4b:s4+s8], $0x80, s14, s8, $0xb8;
	[tilespmem:$0x1C400] =	vst v63  }
0xcf: {  	_ =	swait.ge [sflag:s13], $0x4000  }
0xd0: {  	[sflag:s13] =	ssyncset.done $0x0  }
0xd1: {  	[sflag:s13] =	ssyncadd.s32 $0xFFFFC000  }
0xd2: {  	[spmem:s1] =	stream.indirect.scatter.add.f32 [tilespmem:s29], [sflag:$0x7], $0x80, s10, s8, $0xb8;
	[tilespmem:$0x1C400] =	vst v63  }
0xd3: {  	_ =	swait.ge [sflag:s30], $0x4000  }
0xd4: {  	[sflag:s30] =	ssyncset.done $0x0  }
0xd5: {  	s20 =	sadd.s32 $0x90, s20;
	[sflag:s30] =	ssyncadd.s32 $0xFFFFC000  }
0xd6: {  	[tilespmem:s2], [sflag:$0x2] =	stream.linear.gather [hbm4b:s20+s3], $0x80, $0x38;
	[tilespmem:$0x1C400] =	vst v63  }
0xd7: {  	s26 =	sadd.s32 $0x90, s21  }
0xd8: {  	[tilespmem:s6], [sflag:$0x2] =	stream.linear.gather [hbm4b:s26+s3], $0x80, $0x38;
	[tilespmem:$0x1C400] =	vst v63  }
0xd9: {  	_ =	swait.ge [sflag:s7], $0x80  }
0xda: {  	[sflag:s7] =	ssyncset.done $0x0  }
0xdb: {  	[sflag:s7] =	ssyncadd.s32 $0xFFFFFF80  }
0xdc: {  	_ =	swait.ge [sflag:s7], $0x80  }
0xdd: {  	[sflag:s7] =	ssyncset.done $0x0  }
0xde: {  	[sflag:s7] =	ssyncadd.s32 $0xFFFFFF80  }
0xdf: {  	[tilespmem:s29], [sflag:$0x5] =	stream.indirect.gather [hbm4b:s4+s8], $0x80, s31, s8, $0xb8;
	[tilespmem:$0x1C400] =	vst v63  }
0xe0: {  	_ =	swait.ge [sflag:s17], $0x4000  }
0xe1: {  	[sflag:s17] =	ssyncset.done $0x0  }
0xe2: {  	[sflag:s17] =	ssyncadd.s32 $0xFFFFC000  }
0xe3: {  	[spmem:s1] =	stream.indirect.scatter.add.f32 [tilespmem:s12], [sflag:$0x7], $0x80, s15, s8, $0xb8;
	[tilespmem:$0x1C400] =	vst v63  }
0xe4: {  	s21 =	simm.s32 $0x80;
	s20 =	simm.s32 $0x40;
	_ =	swait.ge [sflag:s30], $0x4000  }
.LBB2_4:
0xe5: {  	s23 =	rddreg [dreg:$0x7];
	[sflag:s30] =	ssyncset.done $0x0  }
0xe6: {  	s24 =	rddreg [dreg:$0x8];
	[sflag:s30] =	ssyncadd.s32 $0xFFFFC000;
	s23 =	sadd.s32 s20, s23  }
0xe7: {  	[tilespmem:s9], [sflag:$0x3] =	stream.linear.gather [hbm4b:s23+s3], $0x80, $0x38;
	[tilespmem:$0x1C400] =	vst v63  }
0xe8: {  	s24 =	sadd.s32 s20, s24  }
0xe9: {  	[tilespmem:s10], [sflag:$0x3] =	stream.linear.gather [hbm4b:s24+s3], $0x80, $0x38;
	[tilespmem:$0x1C400] =	vst v63  }
0xea: {  	_ =	swait.ge [sflag:s11], $0x80  }
0xeb: {  	[sflag:s11] =	ssyncset.done $0x0  }
0xec: {  	[sflag:s11] =	ssyncadd.s32 $0xFFFFFF80  }
0xed: {  	_ =	swait.ge [sflag:s11], $0x80  }
0xee: {  	[sflag:s11] =	ssyncset.done $0x0  }
0xef: {  	[sflag:s11] =	ssyncadd.s32 $0xFFFFFF80  }
0xf0: {  	[tilespmem:s12], [sflag:$0x6] =	stream.indirect.gather [hbm4b:s4+s8], $0x80, s2, s8, $0xb8;
	[tilespmem:$0x1C400] =	vst v63  }
0xf1: {  	_ =	swait.ge [sflag:s13], $0x4000  }
0xf2: {  	[sflag:s13] =	ssyncset.done $0x0  }
0xf3: {  	[sflag:s13] =	ssyncadd.s32 $0xFFFFC000  }
0xf4: {  	[spmem:s1] =	stream.indirect.scatter.add.f32 [tilespmem:s29], [sflag:$0x7], $0x80, s0, s8, $0xb8;
	[tilespmem:$0x1C400] =	vst v63  }
0xf5: {  	_ =	swait.ge [sflag:s30], $0x4000  }
0xf6: {  	s25 =	rddreg [dreg:$0x3]  }
0xf7: {  	s26 =	rddreg [dreg:$0x4];
	[sflag:s30] =	ssyncset.done $0x0;
	s23 =	sadd.s32 s20, s25  }
0xf8: {  	[sflag:s30] =	ssyncadd.s32 $0xFFFFC000;
	s24 =	sadd.s32 s20, s26;
	s25 =	sadd.s32 $0x70, s23  }
0xf9: {  	[tilespmem:s14], [sflag:$0x4] =	stream.linear.gather [hbm4b:s25+s3], $0x80, $0x38;
	[tilespmem:$0x1C400] =	vst v63  }
0xfa: {  	s26 =	sadd.s32 $0x70, s24  }
0xfb: {  	[tilespmem:s15], [sflag:$0x4] =	stream.linear.gather [hbm4b:s26+s3], $0x80, $0x38;
	[tilespmem:$0x1C400] =	vst v63  }
0xfc: {  	_ =	swait.ge [sflag:s16], $0x80  }
0xfd: {  	[sflag:s16] =	ssyncset.done $0x0  }
0xfe: {  	[sflag:s16] =	ssyncadd.s32 $0xFFFFFF80  }
0xff: {  	_ =	swait.ge [sflag:s16], $0x80  }
0x100: {  	[sflag:s16] =	ssyncset.done $0x0  }
0x101: {  	[sflag:s16] =	ssyncadd.s32 $0xFFFFFF80  }
0x102: {  	[tilespmem:s29], [sflag:$0x5] =	stream.indirect.gather [hbm4b:s4+s8], $0x80, s9, s8, $0xb8;
	[tilespmem:$0x1C400] =	vst v63  }
0x103: {  	_ =	swait.ge [sflag:s17], $0x4000  }
0x104: {  	[sflag:s17] =	ssyncset.done $0x0  }
0x105: {  	[sflag:s17] =	ssyncadd.s32 $0xFFFFC000  }
0x106: {  	[spmem:s1] =	stream.indirect.scatter.add.f32 [tilespmem:s12], [sflag:$0x7], $0x80, s6, s8, $0xb8;
	[tilespmem:$0x1C400] =	vst v63  }
0x107: {  	_ =	swait.ge [sflag:s30], $0x4000  }
0x108: {  	s25 =	rddreg [dreg:$0x5];
	[sflag:s30] =	ssyncset.done $0x0  }
0x109: {  	s26 =	rddreg [dreg:$0x6];
	[sflag:s30] =	ssyncadd.s32 $0xFFFFC000;
	s25 =	sadd.s32 s20, s25  }
0x10a: {  	[tilespmem:s31], [sflag:$0x1] =	stream.linear.gather [hbm4b:s25+s3], $0x80, $0x38;
	[tilespmem:$0x1C400] =	vst v63  }
0x10b: {  	s26 =	sadd.s32 s20, s26  }
0x10c: {  	[tilespmem:s0], [sflag:$0x1] =	stream.linear.gather [hbm4b:s26+s3], $0x80, $0x38;
	[tilespmem:$0x1C400] =	vst v63  }
0x10d: {  	_ =	swait.ge [sflag:s18], $0x80  }
0x10e: {  	[sflag:s18] =	ssyncset.done $0x0  }
0x10f: {  	[sflag:s18] =	ssyncadd.s32 $0xFFFFFF80  }
0x110: {  	_ =	swait.ge [sflag:s18], $0x80  }
0x111: {  	[sflag:s18] =	ssyncset.done $0x0  }
0x112: {  	[sflag:s18] =	ssyncadd.s32 $0xFFFFFF80  }
0x113: {  	[tilespmem:s12], [sflag:$0x6] =	stream.indirect.gather [hbm4b:s4+s8], $0x80, s14, s8, $0xb8;
	[tilespmem:$0x1C400] =	vst v63  }
0x114: {  	_ =	swait.ge [sflag:s13], $0x4000  }
0x115: {  	[sflag:s13] =	ssyncset.done $0x0  }
0x116: {  	[sflag:s13] =	ssyncadd.s32 $0xFFFFC000  }
0x117: {  	[spmem:s1] =	stream.indirect.scatter.add.f32 [tilespmem:s29], [sflag:$0x7], $0x80, s10, s8, $0xb8;
	[tilespmem:$0x1C400] =	vst v63  }
0x118: {  	_ =	swait.ge [sflag:s30], $0x4000  }
0x119: {  	[sflag:s30] =	ssyncset.done $0x0  }
0x11a: {  	s25 =	sadd.s32 $0x90, s23;
	[sflag:s30] =	ssyncadd.s32 $0xFFFFC000  }
0x11b: {  	[tilespmem:s2], [sflag:$0x2] =	stream.linear.gather [hbm4b:s25+s3], $0x80, $0x38;
	[tilespmem:$0x1C400] =	vst v63  }
0x11c: {  	s26 =	sadd.s32 $0x90, s24  }
0x11d: {  	[tilespmem:s6], [sflag:$0x2] =	stream.linear.gather [hbm4b:s26+s3], $0x80, $0x38;
	[tilespmem:$0x1C400] =	vst v63  }
0x11e: {  	_ =	swait.ge [sflag:s7], $0x80  }
0x11f: {  	[sflag:s7] =	ssyncset.done $0x0  }
0x120: {  	[sflag:s7] =	ssyncadd.s32 $0xFFFFFF80  }
0x121: {  	_ =	swait.ge [sflag:s7], $0x80  }
0x122: {  	[sflag:s7] =	ssyncset.done $0x0  }
0x123: {  	p0 =	sne.s32 s21, $0x440;
	[sflag:s7] =	ssyncadd.s32 $0xFFFFFF80  }
0x124: {  	[tilespmem:s29], [sflag:$0x5] =	stream.indirect.gather [hbm4b:s4+s8], $0x80, s31, s8, $0xb8;
	[tilespmem:$0x1C400] =	vst v63  }
.Ltmp1:
0x125: {  	_ =	swait.ge [sflag:s17], $0x4000;
	(pc) =	sbr.rel @p0 .LBB2_4-.Ltmp1, $4  }
0x126: {  	[sflag:s17] =	ssyncset.done $0x0  }
0x127: {  	s22 =	smov.u32 s21;
	[sflag:s17] =	ssyncadd.s32 $0xFFFFC000  }
0x128: {  	[spmem:s1] =	stream.indirect.scatter.add.f32 [tilespmem:s12], [sflag:$0x7], $0x80, s15, s8, $0xb8;
	[tilespmem:$0x1C400] =	vst v63  }
0x129: {  	s21 =	sadd.s32 $0x40, s21;
	s20 =	smov.u32 s22;
	_ =	swait.ge [sflag:s30], $0x4000  }
0x12a: {  	s21 =	rddreg [dreg:$0x7];
	[sflag:s30] =	ssyncset.done $0x0  }
0x12b: {  	s22 =	rddreg [dreg:$0x8];
	[sflag:s30] =	ssyncadd.s32 $0xFFFFC000;
	s21 =	sadd.s32 s20, s21  }
0x12c: {  	[tilespmem:s9], [sflag:$0x3] =	stream.linear.gather [hbm4b:s21+s3], $0x80, $0x38;
	[tilespmem:$0x1C400] =	vst v63  }
0x12d: {  	s24 =	sadd.s32 s20, s22  }
0x12e: {  	[tilespmem:s10], [sflag:$0x3] =	stream.linear.gather [hbm4b:s24+s3], $0x80, $0x38;
	[tilespmem:$0x1C400] =	vst v63  }
0x12f: {  	_ =	swait.ge [sflag:s11], $0x80  }
0x130: {  	[sflag:s11] =	ssyncset.done $0x0  }
0x131: {  	[sflag:s11] =	ssyncadd.s32 $0xFFFFFF80  }
0x132: {  	_ =	swait.ge [sflag:s11], $0x80  }
0x133: {  	[sflag:s11] =	ssyncset.done $0x0  }
0x134: {  	[sflag:s11] =	ssyncadd.s32 $0xFFFFFF80  }
0x135: {  	[tilespmem:s12], [sflag:$0x6] =	stream.indirect.gather [hbm4b:s4+s8], $0x80, s2, s8, $0xb8;
	[tilespmem:$0x1C400] =	vst v63  }
0x136: {  	_ =	swait.ge [sflag:s13], $0x4000  }
0x137: {  	[sflag:s13] =	ssyncset.done $0x0  }
0x138: {  	[sflag:s13] =	ssyncadd.s32 $0xFFFFC000  }
0x139: {  	[spmem:s1] =	stream.indirect.scatter.add.f32 [tilespmem:s29], [sflag:$0x7], $0x80, s0, s8, $0xb8;
	[tilespmem:$0x1C400] =	vst v63  }
0x13a: {  	_ =	swait.ge [sflag:s30], $0x4000  }
0x13b: {  	s25 =	rddreg [dreg:$0x3]  }
0x13c: {  	s26 =	rddreg [dreg:$0x4];
	[sflag:s30] =	ssyncset.done $0x0;
	s21 =	sadd.s32 s20, s25  }
0x13d: {  	[sflag:s30] =	ssyncadd.s32 $0xFFFFC000;
	s22 =	sadd.s32 s20, s26;
	s23 =	sadd.s32 $0x70, s21  }
0x13e: {  	[tilespmem:s14], [sflag:$0x4] =	stream.linear.gather [hbm4b:s23+s3], $0x80, $0x38;
	[tilespmem:$0x1C400] =	vst v63  }
0x13f: {  	s24 =	sadd.s32 $0x70, s22  }
0x140: {  	[tilespmem:s15], [sflag:$0x4] =	stream.linear.gather [hbm4b:s24+s3], $0x80, $0x38;
	[tilespmem:$0x1C400] =	vst v63  }
0x141: {  	_ =	swait.ge [sflag:s16], $0x80  }
0x142: {  	[sflag:s16] =	ssyncset.done $0x0  }
0x143: {  	[sflag:s16] =	ssyncadd.s32 $0xFFFFFF80  }
0x144: {  	_ =	swait.ge [sflag:s16], $0x80  }
0x145: {  	[sflag:s16] =	ssyncset.done $0x0  }
0x146: {  	[sflag:s16] =	ssyncadd.s32 $0xFFFFFF80  }
0x147: {  	[tilespmem:s29], [sflag:$0x5] =	stream.indirect.gather [hbm4b:s4+s8], $0x80, s9, s8, $0xb8;
	[tilespmem:$0x1C400] =	vst v63  }
0x148: {  	_ =	swait.ge [sflag:s17], $0x4000  }
0x149: {  	[sflag:s17] =	ssyncset.done $0x0  }
0x14a: {  	[sflag:s17] =	ssyncadd.s32 $0xFFFFC000  }
0x14b: {  	[spmem:s1] =	stream.indirect.scatter.add.f32 [tilespmem:s12], [sflag:$0x7], $0x80, s6, s8, $0xb8;
	[tilespmem:$0x1C400] =	vst v63  }
0x14c: {  	_ =	swait.ge [sflag:s30], $0x4000  }
0x14d: {  	s25 =	rddreg [dreg:$0x5];
	[sflag:s30] =	ssyncset.done $0x0  }
0x14e: {  	s24 =	rddreg [dreg:$0x6];
	[sflag:s30] =	ssyncadd.s32 $0xFFFFC000;
	s23 =	sadd.s32 s20, s25  }
0x14f: {  	[tilespmem:s31], [sflag:$0x1] =	stream.linear.gather [hbm4b:s23+s3], $0x80, $0x38;
	[tilespmem:$0x1C400] =	vst v63  }
0x150: {  	s26 =	sadd.s32 s20, s24  }
0x151: {  	[tilespmem:s0], [sflag:$0x1] =	stream.linear.gather [hbm4b:s26+s3], $0x80, $0x38;
	[tilespmem:$0x1C400] =	vst v63  }
0x152: {  	_ =	swait.ge [sflag:s18], $0x80  }
0x153: {  	[sflag:s18] =	ssyncset.done $0x0  }
0x154: {  	[sflag:s18] =	ssyncadd.s32 $0xFFFFFF80  }
0x155: {  	_ =	swait.ge [sflag:s18], $0x80  }
0x156: {  	[sflag:s18] =	ssyncset.done $0x0  }
0x157: {  	[sflag:s18] =	ssyncadd.s32 $0xFFFFFF80  }
0x158: {  	[tilespmem:s12], [sflag:$0x6] =	stream.indirect.gather [hbm4b:s4+s8], $0x80, s14, s8, $0xb8;
	[tilespmem:$0x1C400] =	vst v63  }
0x159: {  	_ =	swait.ge [sflag:s13], $0x4000  }
0x15a: {  	[sflag:s13] =	ssyncset.done $0x0  }
0x15b: {  	[sflag:s13] =	ssyncadd.s32 $0xFFFFC000  }
0x15c: {  	[spmem:s1] =	stream.indirect.scatter.add.f32 [tilespmem:s29], [sflag:$0x7], $0x80, s10, s8, $0xb8;
	[tilespmem:$0x1C400] =	vst v63  }
0x15d: {  	_ =	swait.ge [sflag:s30], $0x4000  }
0x15e: {  	[sflag:s30] =	ssyncset.done $0x0  }
0x15f: {  	s23 =	sadd.s32 $0x90, s21;
	[sflag:s30] =	ssyncadd.s32 $0xFFFFC000  }
0x160: {  	[tilespmem:s2], [sflag:$0x2] =	stream.linear.gather [hbm4b:s23+s3], $0x80, $0x38;
	[tilespmem:$0x1C400] =	vst v63  }
0x161: {  	s24 =	sadd.s32 $0x90, s22  }
0x162: {  	[tilespmem:s6], [sflag:$0x2] =	stream.linear.gather [hbm4b:s24+s3], $0x80, $0x38;
	[tilespmem:$0x1C400] =	vst v63  }
0x163: {  	_ =	swait.ge [sflag:s7], $0x80  }
0x164: {  	[sflag:s7] =	ssyncset.done $0x0  }
0x165: {  	[sflag:s7] =	ssyncadd.s32 $0xFFFFFF80  }
0x166: {  	_ =	swait.ge [sflag:s7], $0x80  }
0x167: {  	[sflag:s7] =	ssyncset.done $0x0  }
0x168: {  	[sflag:s7] =	ssyncadd.s32 $0xFFFFFF80  }
0x169: {  	[tilespmem:s29], [sflag:$0x5] =	stream.indirect.gather [hbm4b:s4+s8], $0x80, s31, s8, $0xb8;
	[tilespmem:$0x1C400] =	vst v63  }
0x16a: {  	_ =	swait.ge [sflag:s17], $0x4000  }
0x16b: {  	[sflag:s17] =	ssyncset.done $0x0  }
0x16c: {  	[sflag:s17] =	ssyncadd.s32 $0xFFFFC000  }
0x16d: {  	[spmem:s1] =	stream.indirect.scatter.add.f32 [tilespmem:s12], [sflag:$0x7], $0x80, s15, s8, $0xb8;
	[tilespmem:$0x1C400] =	vst v63  }
0x16e: {  	_ =	swait.ge [sflag:s30], $0x4000  }
0x16f: {  	[sflag:s30] =	ssyncset.done $0x0  }
0x170: {  	s25 =	rddreg [dreg:$0x15];
	[sflag:s30] =	ssyncadd.s32 $0xFFFFC000  }
0x171: {  	[tilespmem:s9], [sflag:$0x3] =	stream.linear.gather [hbm4b:s25+s3], $0x80, $0x38;
	[tilespmem:$0x1C400] =	vst v63  }
0x172: {  	s26 =	rddreg [dreg:$0x16]  }
0x173: {  	[tilespmem:s10], [sflag:$0x3] =	stream.linear.gather [hbm4b:s26+s3], $0x80, $0x38;
	[tilespmem:$0x1C400] =	vst v63  }
0x174: {  	_ =	swait.ge [sflag:s11], $0x80  }
0x175: {  	[sflag:s11] =	ssyncset.done $0x0  }
0x176: {  	[sflag:s11] =	ssyncadd.s32 $0xFFFFFF80  }
0x177: {  	_ =	swait.ge [sflag:s11], $0x80  }
0x178: {  	[sflag:s11] =	ssyncset.done $0x0  }
0x179: {  	[sflag:s11] =	ssyncadd.s32 $0xFFFFFF80  }
0x17a: {  	[tilespmem:s12], [sflag:$0x6] =	stream.indirect.gather [hbm4b:s4+s8], $0x80, s2, s8, $0xb8;
	[tilespmem:$0x1C400] =	vst v63  }
0x17b: {  	_ =	swait.ge [sflag:s13], $0x4000  }
0x17c: {  	[sflag:s13] =	ssyncset.done $0x0  }
0x17d: {  	[sflag:s13] =	ssyncadd.s32 $0xFFFFC000  }
0x17e: {  	[spmem:s1] =	stream.indirect.scatter.add.f32 [tilespmem:s29], [sflag:$0x7], $0x80, s0, s8, $0xb8;
	[tilespmem:$0x1C400] =	vst v63  }
0x17f: {  	_ =	swait.ge [sflag:s30], $0x4000  }
0x180: {  	[sflag:s30] =	ssyncset.done $0x0  }
0x181: {  	s21 =	rddreg [dreg:$0x17];
	[sflag:s30] =	ssyncadd.s32 $0xFFFFC000  }
0x182: {  	[tilespmem:s14], [sflag:$0x4] =	stream.linear.gather [hbm4b:s21+s3], $0x80, $0x38;
	[tilespmem:$0x1C400] =	vst v63  }
0x183: {  	s22 =	rddreg [dreg:$0x18]  }
0x184: {  	[tilespmem:s15], [sflag:$0x4] =	stream.linear.gather [hbm4b:s22+s3], $0x80, $0x38;
	[tilespmem:$0x1C400] =	vst v63  }
0x185: {  	_ =	swait.ge [sflag:s16], $0x80  }
0x186: {  	[sflag:s16] =	ssyncset.done $0x0  }
0x187: {  	[sflag:s16] =	ssyncadd.s32 $0xFFFFFF80  }
0x188: {  	_ =	swait.ge [sflag:s16], $0x80  }
0x189: {  	[sflag:s16] =	ssyncset.done $0x0  }
0x18a: {  	[sflag:s16] =	ssyncadd.s32 $0xFFFFFF80  }
0x18b: {  	[tilespmem:s29], [sflag:$0x5] =	stream.indirect.gather [hbm4b:s4+s8], $0x80, s9, s8, $0xb8;
	[tilespmem:$0x1C400] =	vst v63  }
0x18c: {  	_ =	swait.ge [sflag:s17], $0x4000  }
0x18d: {  	[sflag:s17] =	ssyncset.done $0x0  }
0x18e: {  	[sflag:s17] =	ssyncadd.s32 $0xFFFFC000  }
0x18f: {  	[spmem:s1] =	stream.indirect.scatter.add.f32 [tilespmem:s12], [sflag:$0x7], $0x80, s6, s8, $0xb8;
	[tilespmem:$0x1C400] =	vst v63  }
0x190: {  	_ =	swait.ge [sflag:s30], $0x4000  }
0x191: {  	[sflag:s30] =	ssyncset.done $0x0  }
0x192: {  	[sflag:s30] =	ssyncadd.s32 $0xFFFFC000  }
0x193: {  	_ =	swait.ge [sflag:s18], $0x80  }
0x194: {  	[sflag:s18] =	ssyncset.done $0x0  }
0x195: {  	[sflag:s18] =	ssyncadd.s32 $0xFFFFFF80  }
0x196: {  	_ =	swait.ge [sflag:s18], $0x80  }
0x197: {  	[sflag:s18] =	ssyncset.done $0x0  }
0x198: {  	[sflag:s18] =	ssyncadd.s32 $0xFFFFFF80  }
0x199: {  	[tilespmem:s12], [sflag:$0x6] =	stream.indirect.gather [hbm4b:s4+s8], $0x80, s14, s8, $0xb8;
	[tilespmem:$0x1C400] =	vst v63  }
0x19a: {  	_ =	swait.ge [sflag:s13], $0x4000  }
0x19b: {  	[sflag:s13] =	ssyncset.done $0x0  }
0x19c: {  	[sflag:s13] =	ssyncadd.s32 $0xFFFFC000  }
0x19d: {  	[spmem:s1] =	stream.indirect.scatter.add.f32 [tilespmem:s29], [sflag:$0x7], $0x80, s10, s8, $0xb8;
	[tilespmem:$0x1C400] =	vst v63  }
0x19e: {  	_ =	swait.ge [sflag:s30], $0x4000  }
0x19f: {  	[sflag:s30] =	ssyncset.done $0x0  }
0x1a0: {  	[sflag:s30] =	ssyncadd.s32 $0xFFFFC000  }
0x1a1: {  	_ =	swait.ge [sflag:s17], $0x4000  }
0x1a2: {  	[sflag:s17] =	ssyncset.done $0x0  }
0x1a3: {  	[sflag:s17] =	ssyncadd.s32 $0xFFFFC000  }
0x1a4: {  	[spmem:s1] =	stream.indirect.scatter.add.f32 [tilespmem:s12], [sflag:$0x7], $0x80, s15, s8, $0xb8;
	[tilespmem:$0x1C400] =	vst v63  }
0x1a5: {  	_ =	swait.ge [sflag:s30], $0x4000  }
0x1a6: {  	[sflag:s30] =	ssyncset.done $0x0  }
0x1a7: {  	s23 =	stileid.u32;
	[sflag:s30] =	ssyncadd.s32 $0xFFFFC000  }
0x1a8: {  	s20 =	sshll.u32 s23, $0x6;
	[bflag:$0x0] =	sbarrier.arrive $0xFFFF  }
0x1a9: {  	s20 =	sor.u32 $0x1C07, s20;
	s24 =	sshrl.u32 s5, $0x3;
	s25 =	rddreg [dreg:$0x1b]  }
0x1aa: {  	[hbm:s25], [sflag:s20] =	dma.local [spmem:s24], $0x2800  }
0x1ab: {  	_ =	swait.ge [sflag:s30], $0x2800  }
0x1ac: {  	s19 =	sadd.s32 $0x1, s19;
	s26 =	rddreg [dreg:$0x1c]  }
0x1ad: {  	p0 =	sne.s32 s19, s26  }
.Ltmp2:
0x1ae: {  	_ = 	snop;
	(pc) =	sbr.rel @p0 .LBB2_1-.Ltmp2, $3  }
0x1af: {  	_ =	sdelay $0x1  }
0x1b0: {  	[sflag:s30] =	ssyncset.done $0x0  }
0x1b1: {  	[sflag:s30] =	ssyncadd.s32 $0xFFFFD800  }
0x1b2: {  	_ =	sfence.sel $0x180000  }
0x1b3: {  	[bflag:$0x0] =	sbarrier.arrive $0xFFFF  }
0x1b4: {  	_ =	strace $0x9000004A  }
0x1b5: {  	s0 =	stileid.u32;
	[bflag:$0x2] =	sbarrier.arrive $0xFFFF  }
0x1b6: {  	p0 =	sne.s32 s0, $0x0;
	s0 =	rddreg [dreg:$0x2]  }
0x1b7: {  	s0 =	sadd.s32 @!p0 $0x100000, s0  }
0x1b8: {  	[sflag:s0] =	ssyncadd.tile.s32 @!p0 $0x1;
	_ =	shalt  }
.Lfunc_end2:
_tile_overlayer_lowered:
.L_overlay_start_2:
0x1b9: {  	(tag) =	ssettag $0x2  }
0x1ba: {  	s0 =	rddreg [dreg:$0x0];
	s2 =	stileid.u32  }
0x1bb: {  	s1 =	rddreg [dreg:$0x1];
	p0 =	sne.s32 s2, $0x0  }
0x1bc: {  	s3 =	rddreg [dreg:$0x2];
	[bflag:$0x3] =	sbarrier.arrive $0xFFFF;
	s2 =	simm.s32 @!p0 $0x1C01  }
0x1bd: {  	[timem:s3], [sflag:s2] =	dma.local @!p0 [hbm:s0], s1  }
0x1be: {  	s0 =	simm.s32 @!p0 $0x1  }
0x1bf: {  	_ =	swait.ge @!p0 [sflag:s0], s1  }
0x1c0: {  	s1 =	ssub.s32 @!p0 $0x0, s1;
	[sflag:s0] =	ssyncset.done @!p0 $0x0  }
0x1c1: {  	[sflag:s0] =	ssyncadd.s32 @!p0 s1  }
0x1c2: {  	[bflag:$0x3] =	sbarrier.arrive $0xFFFF  }
0x1c3: {  	_ =	shalt  }

</sc_bundles>
